<compile_context>
chip_gen: v7x
topology: tpu7x:2x2x1
jax: 0.10.2.dev20260603
libtpu: 0.0.44.dev20260713+nightly
codegen_flags: <defaults>
</compile_context>

<pallas_src>
import jax
import jax.numpy as jnp
from jax import lax
from jax.experimental import pallas as pl
from jax.experimental.pallas import tpu as pltpu
from jax.experimental.pallas import tpu_sc as plsc

N_NODES = 10000
N_EDGES = 320000
D = 128

NC = 2
NS = 16
NW = NC * NS
E_PER_W = N_EDGES // NW
E_W_PAD = 10240
CHUNK = 16
BIG_DEG = 32
BIG_AGG = 128
N_PAD = 10240
SEG = N_PAD // NS
NBLK = SEG // CHUNK
DQ = 4


def _sc_agg_body(with_deg, BIG, x_hbm, packed_hbm, agg_out, deg_out,
                 packed_v, buf0, buf1, srcb0, dstb0, srcb1, dstb1,
                 deg_v, dbuf, shared_agg, shared_deg, sem0, sem1):
  cid = lax.axis_index("c")
  sid = lax.axis_index("s")
  wid = cid * NS + sid
  row0 = sid * SEG

  zero16 = jnp.zeros((CHUNK,), jnp.float32)

  def zero_rows(r, carry):
    for c in range(D // CHUNK):
      buf0[r, pl.ds(c * CHUNK, CHUNK)] = zero16
    return carry

  lax.fori_loop(0, CHUNK, zero_rows, 0)

  def init_blk(k, carry):
    pltpu.sync_copy(buf0.at[pl.ds(0, CHUNK)],
                    shared_agg.at[pl.ds(row0 + k * CHUNK, CHUNK)])
    return carry

  lax.fori_loop(0, NBLK, init_blk, 0)

  if with_deg:
    def zero_deg(i, carry):
      deg_v[pl.ds(i * CHUNK, CHUNK)] = zero16
      return carry

    lax.fori_loop(0, N_PAD // CHUNK, zero_deg, 0)

  pltpu.sync_copy(packed_hbm.at[wid], packed_v)

  plsc.subcore_barrier()

  NBIG = E_W_PAD // BIG
  NPAIRB = NBIG // 2 - 1
  one16 = jnp.full((CHUNK,), 1.0, jnp.float32)

  def unpack(j, srcb, dstb):
    for u in range(BIG // CHUNK):
      v = packed_v[pl.ds(j * BIG + u * CHUNK, CHUNK)]
      d = lax.shift_right_logical(v, 16)
      srcb[pl.ds(u * CHUNK, CHUNK)] = v & 0xFFFF
      dstb[pl.ds(u * CHUNK, CHUNK)] = d
      if with_deg:
        plsc.addupdate_scatter(deg_v, [d], one16)

  def gather(srcb, buf, sem):
    pltpu.async_copy(x_hbm.at[srcb], buf, sem)

  def wait(srcb, buf, sem):
    pltpu.make_async_copy(x_hbm.at[srcb], buf, sem).wait()

  def scatter(dstb, buf):
    pltpu.sync_copy(buf, shared_agg.at[dstb], add=True)

  unpack(0, srcb0, dstb0)
  gather(srcb0, buf0, sem0)

  def pair(p, carry):
    j0 = 2 * p
    unpack(j0 + 1, srcb1, dstb1)
    gather(srcb1, buf1, sem1)
    wait(srcb0, buf0, sem0)
    scatter(dstb0, buf0)
    unpack(j0 + 2, srcb0, dstb0)
    gather(srcb0, buf0, sem0)
    wait(srcb1, buf1, sem1)
    scatter(dstb1, buf1)
    return carry

  lax.fori_loop(0, NPAIRB, pair, 0)
  unpack(NBIG - 1, srcb1, dstb1)
  gather(srcb1, buf1, sem1)
  wait(srcb0, buf0, sem0)
  scatter(dstb0, buf0)
  wait(srcb1, buf1, sem1)
  scatter(dstb1, buf1)

  if with_deg:
    pltpu.sync_copy(deg_v, shared_deg.at[sid])

  plsc.subcore_barrier()

  def flush_blk(k, carry):
    rows = pl.ds(row0 + k * CHUNK, CHUNK)
    pltpu.sync_copy(shared_agg.at[rows], buf0.at[pl.ds(0, CHUNK)])
    pltpu.sync_copy(buf0.at[pl.ds(0, CHUNK)], agg_out.at[cid, rows])
    return carry

  lax.fori_loop(0, NBLK, flush_blk, 0)

  if with_deg:
    for g in range(NS // DQ):
      pltpu.sync_copy(shared_deg.at[pl.ds(g * DQ, DQ), pl.ds(row0, SEG)],
                      dbuf.at[pl.ds(0, DQ)])

      def sum_q(q, carry, first=(g == 0)):
        cols = pl.ds(q * CHUNK, CHUNK)
        acc = dbuf[0, cols]
        for r in range(1, DQ):
          acc = acc + dbuf[r, cols]
        if not first:
          acc = acc + dbuf[DQ, cols]
        dbuf[DQ, cols] = acc
        return carry

      lax.fori_loop(0, NBLK, sum_q, 0)
    pltpu.sync_copy(dbuf.at[pl.ds(DQ, 1)], deg_out.at[cid, pl.ds(sid, 1)])


def _make_sc_kernel(with_deg):
  BIG = BIG_DEG if with_deg else BIG_AGG
  mesh = plsc.VectorSubcoreMesh(core_axis_name="c", subcore_axis_name="s")
  out_type = [jax.ShapeDtypeStruct((NC, N_PAD, D), jnp.float32)]
  common = [
      pltpu.VMEM((E_W_PAD,), jnp.int32),
      pltpu.VMEM((BIG, D), jnp.float32),
      pltpu.VMEM((BIG, D), jnp.float32),
      pltpu.VMEM((BIG,), jnp.int32),
      pltpu.VMEM((BIG,), jnp.int32),
      pltpu.VMEM((BIG,), jnp.int32),
      pltpu.VMEM((BIG,), jnp.int32),
  ]
  if with_deg:
    out_type.append(jax.ShapeDtypeStruct((NC, NS, SEG), jnp.float32))
    scratch = common + [
        pltpu.VMEM((N_PAD,), jnp.float32),
        pltpu.VMEM((DQ + 1, SEG), jnp.float32),
        pltpu.VMEM_SHARED((N_PAD, D), jnp.float32),
        pltpu.VMEM_SHARED((NS, N_PAD), jnp.float32),
        pltpu.SemaphoreType.DMA,
        pltpu.SemaphoreType.DMA,
    ]

    def body(x, packed, agg_out, deg_out, *s):
      _sc_agg_body(True, BIG, x, packed, agg_out, deg_out, *s)
  else:
    scratch = common + [
        pltpu.VMEM_SHARED((N_PAD, D), jnp.float32),
        pltpu.SemaphoreType.DMA,
        pltpu.SemaphoreType.DMA,
    ]

    def body(x, packed, agg_out, packed_v, b0, b1, s0, d0, s1, d1,
             shared_agg, sem0, sem1):
      _sc_agg_body(False, BIG, x, packed, agg_out, None,
                   packed_v, b0, b1, s0, d0, s1, d1,
                   None, None, shared_agg, None, sem0, sem1)

  return pl.kernel(
      body, out_type=out_type, mesh=mesh, scratch_types=scratch,
      compiler_params=pltpu.CompilerParams(needs_layout_passes=False))


_sc_agg_deg = _make_sc_kernel(True)
_sc_agg = _make_sc_kernel(False)


def _dotT(x, w):
  return lax.dot_general(x, w, (((1,), (1,)), ((), ())),
                         preferred_element_type=jnp.float32)


R_BLK = SEG


def _inv_deg(deg_ref):
  deg = deg_ref[0] + deg_ref[1]
  inv = 1.0 / jnp.maximum(deg, 1.0)
  return inv[:, None]


def _tc_layer1_body(h_ref, agg_ref, deg_ref, ws1_ref, wn1_ref, b1_ref,
                    ws2_ref, wn2_ref, b2_ref, s2_ref, y2_ref):
  agg = agg_ref[0] + agg_ref[1]
  mean = agg * _inv_deg(deg_ref)
  x1 = _dotT(h_ref[...], ws1_ref[...]) + _dotT(mean, wn1_ref[...]) + b1_ref[...]
  x1 = jnp.maximum(x1, 0.0)
  s2_ref[...] = _dotT(x1, ws2_ref[...]) + b2_ref[...]
  y2_ref[...] = _dotT(x1, wn2_ref[...])


def _tc_layer1(h_pad, agg_p, deg_p, ws1, wn1, b1, ws2, wn2, b2):
  grid = (N_PAD // R_BLK,)

  def full(shape):
    return pl.BlockSpec(shape, lambda i: (0,) * len(shape))

  return pl.pallas_call(
      _tc_layer1_body,
      grid=grid,
      in_specs=[
          pl.BlockSpec((R_BLK, D), lambda i: (i, 0)),
          pl.BlockSpec((NC, R_BLK, D), lambda i: (0, i, 0)),
          pl.BlockSpec((NC, SEG), lambda i: (0, i)),
          full((2 * D, D)),
          full((2 * D, D)),
          full((1, 2 * D)),
          full((D, 2 * D)),
          full((D, 2 * D)),
          full((1, D)),
      ],
      out_specs=[
          pl.BlockSpec((R_BLK, D), lambda i: (i, 0)),
          pl.BlockSpec((R_BLK, D), lambda i: (i, 0)),
      ],
      out_shape=[
          jax.ShapeDtypeStruct((N_PAD, D), jnp.float32),
          jax.ShapeDtypeStruct((N_PAD, D), jnp.float32),
      ],
  )(h_pad, agg_p, deg_p, ws1, wn1, b1.reshape(1, -1), ws2, wn2,
    b2.reshape(1, -1))


def _tc_final_body(s2_ref, agg_ref, deg_ref, out_ref):
  agg = agg_ref[0] + agg_ref[1]
  mean = agg * _inv_deg(deg_ref)
  out_ref[...] = jnp.maximum(s2_ref[...] + mean, 0.0)


def _tc_final(s2, agg_p, deg_p):
  grid = (N_PAD // R_BLK,)
  return pl.pallas_call(
      _tc_final_body,
      grid=grid,
      in_specs=[
          pl.BlockSpec((R_BLK, D), lambda i: (i, 0)),
          pl.BlockSpec((NC, R_BLK, D), lambda i: (0, i, 0)),
          pl.BlockSpec((NC, SEG), lambda i: (0, i)),
      ],
      out_specs=pl.BlockSpec((R_BLK, D), lambda i: (i, 0)),
      out_shape=jax.ShapeDtypeStruct((N_PAD, D), jnp.float32),
  )(s2, agg_p, deg_p)


def kernel(h, edge_index, W_self1, W_neigh1, b1, W_self2, W_neigh2, b2):
  packed = (edge_index[0] | (edge_index[1] << 16)).reshape(NW, E_PER_W)
  pad_word = jnp.int32((N_PAD - 1) << 16)
  pad = jnp.full((NW, E_W_PAD - E_PER_W), pad_word, jnp.int32)
  packed = jnp.concatenate([packed, pad], axis=1)
  h_pad = jnp.concatenate(
      [h, jnp.zeros((N_PAD - N_NODES, D), jnp.float32)], axis=0)

  agg1_p, deg_p = _sc_agg_deg(h_pad, packed)
  deg_p = deg_p.reshape(NC, N_PAD)
  s2, y2 = _tc_layer1(h_pad, agg1_p, deg_p, W_self1, W_neigh1, b1,
                      W_self2, W_neigh2, b2)
  agg2_p, = _sc_agg(y2, packed)
  out = _tc_final(s2, agg2_p, deg_p)
  return out[:N_NODES]

# --- scband reference (transcript-rebuilt; emitter-appended) ---
"""Pipeline reference for scband-grace-42992622633744 (READ-ONLY COPY).

The authoritative reference and input builder live on the scoring server;
editing this copy changes nothing except your own understanding.
"""

import jax, jax.numpy as jnp
import numpy as np

N_NODES = 10000
N_EDGES = 320000
IN_SIZE = 128
HID = 128  # hid_size; layer1 out = 2*HID = 256, layer2 out = HID = 128


def setup_inputs(seed: int = 0) -> dict:
    key = jax.random.key(seed)
    ks = jax.random.split(key, 10)
    h = jax.random.normal(ks[0], (N_NODES, IN_SIZE), dtype=jnp.float32)
    edge_index = jax.random.randint(ks[1], (2, N_EDGES), 0, N_NODES, dtype=jnp.int32)
    # DGL SAGEConv('mean') params: fc_self, fc_neigh (weights) + bias
    s = 0.05
    W_self1 = jax.random.normal(ks[2], (2 * HID, IN_SIZE), dtype=jnp.float32) * s
    W_neigh1 = jax.random.normal(ks[3], (2 * HID, IN_SIZE), dtype=jnp.float32) * s
    b1 = jnp.zeros((2 * HID,), dtype=jnp.float32)
    W_self2 = jax.random.normal(ks[4], (HID, 2 * HID), dtype=jnp.float32) * s
    W_neigh2 = jax.random.normal(ks[5], (HID, 2 * HID), dtype=jnp.float32) * s
    b2 = jnp.zeros((HID,), dtype=jnp.float32)
    return {
        "h": h,
        "edge_index": edge_index,
        "W_self1": W_self1,
        "W_neigh1": W_neigh1,
        "b1": b1,
        "W_self2": W_self2,
        "W_neigh2": W_neigh2,
        "b2": b2,
    }


def _sage_conv(x, src, dst, W_self, W_neigh, b):
    # mean aggregation of neighbor (src) features onto dst nodes
    msg = x[src]  # gather [E, d]
    agg = jax.ops.segment_sum(msg, dst, num_segments=N_NODES)
    deg = jax.ops.segment_sum(jnp.ones((src.shape[0],), dtype=x.dtype), dst, num_segments=N_NODES)
    mean_neigh = agg / jnp.maximum(deg, 1.0)[:, None]
    return x @ W_self.T + mean_neigh @ W_neigh.T + b


def reference(h, edge_index, W_self1, W_neigh1, b1, W_self2, W_neigh2, b2):
    src = edge_index[0]
    dst = edge_index[1]
    x = _sage_conv(h, src, dst, W_self1, W_neigh1, b1)
    x = jax.nn.relu(x)
    x = _sage_conv(x, src, dst, W_self2, W_neigh2, b2)
    x = jax.nn.relu(x)
    return x

if __name__ == "__main__":
    import jax
    _d = setup_inputs()
    print(jax.jit(kernel)(*tuple(_d.values())))

</pallas_src>

<mosaic_0001>
#map = affine_map<(d0, d1) -> (0, 0)>
#map1 = affine_map<(d0, d1) -> (0, 0, 0)>
module attributes {stable_mosaic.version = 14 : i64} {
  func.func @body(%arg0: i32, %arg1: i32, %arg2: memref<10240x128xf32, #tpu.memory_space<hbm>>, %arg3: memref<32x10240xi32, #tpu.memory_space<hbm>>, %arg4: memref<2x10240x128xf32, #tpu.memory_space<hbm>>, %arg5: memref<10240xi32, #tpu.memory_space<vmem>>, %arg6: memref<128x128xf32, #tpu.memory_space<vmem>>, %arg7: memref<128x128xf32, #tpu.memory_space<vmem>>, %arg8: memref<128xi32, #tpu.memory_space<vmem>>, %arg9: memref<128xi32, #tpu.memory_space<vmem>>, %arg10: memref<128xi32, #tpu.memory_space<vmem>>, %arg11: memref<128xi32, #tpu.memory_space<vmem>>, %arg12: memref<10240x128xf32, #tpu.memory_space<vmem_shared>>, %arg13: memref<!tpu.dma_semaphore, #tpu.memory_space<semaphore_mem>>, %arg14: memref<!tpu.dma_semaphore, #tpu.memory_space<semaphore_mem>>) attributes {dimension_semantics = [#tpu.dimension_semantics<core_parallel>, #tpu.dimension_semantics<subcore_parallel>], iteration_bounds = array<i64: 2, 16>, scalar_prefetch = 0 : i64, scratch_operands = 10 : i64, tpu.core_type = #tpu.core_type<sc_vector_subcore>, window_params = [{transform_indices = #map}, {transform_indices = #map}, {transform_indices = #map1}]} {
    %mul3A = arith.constant 16 : i32
    %mul3A_0 = arith.muli %arg0, %mul3A : i32
    %add3A = arith.addi %mul3A_0, %arg1 : i32
    %mul3A_1 = arith.constant 640 : i32
    %mul3A_2 = arith.muli %arg1, %mul3A_1 : i32
    %broadcast_in_dim3A = arith.constant 0.000000e+00 : f32
    %broadcast_in_dim3A_3 = vector.broadcast %broadcast_in_dim3A : f32 to vector<16xf32>
    %scan3A = arith.constant 0 : i32
    %scan3A_4 = arith.constant 0 : i32
    %scan3A_5 = arith.constant 16 : i32
    %scan3A_6 = arith.addi %scan3A_4, %scan3A_5 : i32
    %scan3A_7 = arith.constant 1 : i32
    scf.for %scan3A_228 = %scan3A_4 to %scan3A_6 step %scan3A_7  : i32 {
      %swap3A_229 = arith.index_cast %scan3A_228 : i32 to index
      %swap3A_230 = arith.constant 0 : index
      %swap3A_231 = tpu.vector_load %arg6[%swap3A_229, %swap3A_230] {strides = array<i32>} : memref<128x128xf32, #tpu.memory_space<vmem>>, vector<16xf32>,
      tpu.vector_store %arg6[%swap3A_229, %swap3A_230], %broadcast_in_dim3A_3 {strides = array<i32>} : memref<128x128xf32, #tpu.memory_space<vmem>>, vector<16xf32>,
      %swap3A_232 = arith.index_cast %scan3A_228 : i32 to index
      %swap3A_233 = arith.constant 16 : index
      %swap3A_234 = tpu.vector_load %arg6[%swap3A_232, %swap3A_233] {strides = array<i32>} : memref<128x128xf32, #tpu.memory_space<vmem>>, vector<16xf32>,
      tpu.vector_store %arg6[%swap3A_232, %swap3A_233], %broadcast_in_dim3A_3 {strides = array<i32>} : memref<128x128xf32, #tpu.memory_space<vmem>>, vector<16xf32>,
      %swap3A_235 = arith.index_cast %scan3A_228 : i32 to index
      %swap3A_236 = arith.constant 32 : index
      %swap3A_237 = tpu.vector_load %arg6[%swap3A_235, %swap3A_236] {strides = array<i32>} : memref<128x128xf32, #tpu.memory_space<vmem>>, vector<16xf32>,
      tpu.vector_store %arg6[%swap3A_235, %swap3A_236], %broadcast_in_dim3A_3 {strides = array<i32>} : memref<128x128xf32, #tpu.memory_space<vmem>>, vector<16xf32>,
      %swap3A_238 = arith.index_cast %scan3A_228 : i32 to index
      %swap3A_239 = arith.constant 48 : index
      %swap3A_240 = tpu.vector_load %arg6[%swap3A_238, %swap3A_239] {strides = array<i32>} : memref<128x128xf32, #tpu.memory_space<vmem>>, vector<16xf32>,
      tpu.vector_store %arg6[%swap3A_238, %swap3A_239], %broadcast_in_dim3A_3 {strides = array<i32>} : memref<128x128xf32, #tpu.memory_space<vmem>>, vector<16xf32>,
      %swap3A_241 = arith.index_cast %scan3A_228 : i32 to index
      %swap3A_242 = arith.constant 64 : index
      %swap3A_243 = tpu.vector_load %arg6[%swap3A_241, %swap3A_242] {strides = array<i32>} : memref<128x128xf32, #tpu.memory_space<vmem>>, vector<16xf32>,
      tpu.vector_store %arg6[%swap3A_241, %swap3A_242], %broadcast_in_dim3A_3 {strides = array<i32>} : memref<128x128xf32, #tpu.memory_space<vmem>>, vector<16xf32>,
      %swap3A_244 = arith.index_cast %scan3A_228 : i32 to index
      %swap3A_245 = arith.constant 80 : index
      %swap3A_246 = tpu.vector_load %arg6[%swap3A_244, %swap3A_245] {strides = array<i32>} : memref<128x128xf32, #tpu.memory_space<vmem>>, vector<16xf32>,
      tpu.vector_store %arg6[%swap3A_244, %swap3A_245], %broadcast_in_dim3A_3 {strides = array<i32>} : memref<128x128xf32, #tpu.memory_space<vmem>>, vector<16xf32>,
      %swap3A_247 = arith.index_cast %scan3A_228 : i32 to index
      %swap3A_248 = arith.constant 96 : index
      %swap3A_249 = tpu.vector_load %arg6[%swap3A_247, %swap3A_248] {strides = array<i32>} : memref<128x128xf32, #tpu.memory_space<vmem>>, vector<16xf32>,
      tpu.vector_store %arg6[%swap3A_247, %swap3A_248], %broadcast_in_dim3A_3 {strides = array<i32>} : memref<128x128xf32, #tpu.memory_space<vmem>>, vector<16xf32>,
      %swap3A_250 = arith.index_cast %scan3A_228 : i32 to index
      %swap3A_251 = arith.constant 112 : index
      %swap3A_252 = tpu.vector_load %arg6[%swap3A_250, %swap3A_251] {strides = array<i32>} : memref<128x128xf32, #tpu.memory_space<vmem>>, vector<16xf32>,
      tpu.vector_store %arg6[%swap3A_250, %swap3A_251], %broadcast_in_dim3A_3 {strides = array<i32>} : memref<128x128xf32, #tpu.memory_space<vmem>>, vector<16xf32>,
    }
    %scan3A_8 = arith.constant 16 : i32
    %scan3A_9 = arith.constant 0 : i32
    %scan3A_10 = arith.constant 0 : i32
    %scan3A_11 = arith.constant 40 : i32
    %scan3A_12 = arith.addi %scan3A_10, %scan3A_11 : i32
    %scan3A_13 = arith.constant 1 : i32
    scf.for %scan3A_228 = %scan3A_10 to %scan3A_12 step %scan3A_13  : i32 {
      %mul3A_229 = arith.constant 16 : i32
      %mul3A_230 = arith.muli %scan3A_228, %mul3A_229 : i32
      %add3A_231 = arith.addi %mul3A_2, %mul3A_230 : i32
      "tpu.region"() ({
        %run_scoped3A = tpu.sem_alloc : memref<!tpu.dma_semaphore, #tpu.memory_space<semaphore_mem>>
        %dma_start3A_232 = arith.constant 0 : i32
        %dma_start3A_233 = arith.constant 0 : i32
        %dma_start3A_234 = tpu.memref_slice %arg6[%dma_start3A_232, %dma_start3A_233] : memref<128x128xf32, #tpu.memory_space<vmem>> -> memref<16x128xf32, #tpu.memory_space<vmem>>
        %dma_start3A_235 = arith.constant 0 : i32
        %dma_start3A_236 = tpu.memref_slice %arg12[%add3A_231, %dma_start3A_235] : memref<10240x128xf32, #tpu.memory_space<vmem_shared>> -> memref<16x128xf32, #tpu.memory_space<vmem_shared>>
        %dma_start3A_237 = arith.constant 0 : i32
        %dma_start3A_238 = tpu.memref_slice %arg12[%add3A_231, %dma_start3A_237] : memref<10240x128xf32, #tpu.memory_space<vmem_shared>> -> memref<16x128xf32, #tpu.memory_space<vmem_shared>>
        %dma_start3A_239 = arith.constant 0 : i32
        %dma_start3A_240 = arith.constant 0 : i32
        %dma_start3A_241 = tpu.memref_slice %arg6[%dma_start3A_239, %dma_start3A_240] : memref<128x128xf32, #tpu.memory_space<vmem>> -> memref<16x128xf32, #tpu.memory_space<vmem>>
        tpu.enqueue_dma source(%dma_start3A_241 : memref<16x128xf32, #tpu.memory_space<vmem>>) target(%dma_start3A_238 : memref<16x128xf32, #tpu.memory_space<vmem_shared>>) target_semaphore(%run_scoped3A : memref<!tpu.dma_semaphore, #tpu.memory_space<semaphore_mem>>)
        %dma_wait3A_242 = arith.constant 0 : i32
        %dma_wait3A_243 = arith.constant 0 : i32
        %dma_wait3A_244 = tpu.memref_slice %arg6[%dma_wait3A_242, %dma_wait3A_243] : memref<128x128xf32, #tpu.memory_space<vmem>> -> memref<16x128xf32, #tpu.memory_space<vmem>>
        %dma_wait3A_245 = arith.constant 0 : i32
        %dma_wait3A_246 = tpu.memref_slice %arg12[%add3A_231, %dma_wait3A_245] : memref<10240x128xf32, #tpu.memory_space<vmem_shared>> -> memref<16x128xf32, #tpu.memory_space<vmem_shared>>
        %dma_wait3A_247 = arith.constant 0 : i32
        %dma_wait3A_248 = tpu.memref_slice %arg12[%add3A_231, %dma_wait3A_247] : memref<10240x128xf32, #tpu.memory_space<vmem_shared>> -> memref<16x128xf32, #tpu.memory_space<vmem_shared>>
        %dma_wait3A_249 = arith.constant 0 : i32
        %dma_wait3A_250 = arith.constant 0 : i32
        %dma_wait3A_251 = tpu.memref_slice %arg6[%dma_wait3A_249, %dma_wait3A_250] : memref<128x128xf32, #tpu.memory_space<vmem>> -> memref<16x128xf32, #tpu.memory_space<vmem>>
        tpu.wait_dma2 semaphore(%run_scoped3A : memref<!tpu.dma_semaphore, #tpu.memory_space<semaphore_mem>>) src(%dma_wait3A_251 : memref<16x128xf32, #tpu.memory_space<vmem>>) dst(%dma_wait3A_248 : memref<16x128xf32, #tpu.memory_space<vmem_shared>>)
        tpu.yield
      }) : () -> ()
    }
    %scan3A_14 = arith.constant 40 : i32
    "tpu.region"() ({
      %run_scoped3A = tpu.sem_alloc : memref<!tpu.dma_semaphore, #tpu.memory_space<semaphore_mem>>
      %dma_start3A_228 = arith.constant 0 : i32
      %dma_start3A_229 = tpu.memref_slice %arg3[%add3A, %dma_start3A_228] : memref<32x10240xi32, #tpu.memory_space<hbm>> -> memref<1x10240xi32, #tpu.memory_space<hbm>>
      %dma_start3A_230 = tpu.memref_squeeze %dma_start3A_229 : memref<1x10240xi32, #tpu.memory_space<hbm>> -> memref<10240xi32, #tpu.memory_space<hbm>>
      %dma_start3A_231 = arith.constant 0 : i32
      %dma_start3A_232 = tpu.memref_slice %arg3[%add3A, %dma_start3A_231] : memref<32x10240xi32, #tpu.memory_space<hbm>> -> memref<1x10240xi32, #tpu.memory_space<hbm>>
      %dma_start3A_233 = tpu.memref_squeeze %dma_start3A_232 : memref<1x10240xi32, #tpu.memory_space<hbm>> -> memref<10240xi32, #tpu.memory_space<hbm>>
      tpu.enqueue_dma source(%dma_start3A_233 : memref<10240xi32, #tpu.memory_space<hbm>>) target(%arg5 : memref<10240xi32, #tpu.memory_space<vmem>>) target_semaphore(%run_scoped3A : memref<!tpu.dma_semaphore, #tpu.memory_space<semaphore_mem>>)
      %dma_wait3A_234 = arith.constant 0 : i32
      %dma_wait3A_235 = tpu.memref_slice %arg3[%add3A, %dma_wait3A_234] : memref<32x10240xi32, #tpu.memory_space<hbm>> -> memref<1x10240xi32, #tpu.memory_space<hbm>>
      %dma_wait3A_236 = tpu.memref_squeeze %dma_wait3A_235 : memref<1x10240xi32, #tpu.memory_space<hbm>> -> memref<10240xi32, #tpu.memory_space<hbm>>
      %dma_wait3A_237 = arith.constant 0 : i32
      %dma_wait3A_238 = tpu.memref_slice %arg3[%add3A, %dma_wait3A_237] : memref<32x10240xi32, #tpu.memory_space<hbm>> -> memref<1x10240xi32, #tpu.memory_space<hbm>>
      %dma_wait3A_239 = tpu.memref_squeeze %dma_wait3A_238 : memref<1x10240xi32, #tpu.memory_space<hbm>> -> memref<10240xi32, #tpu.memory_space<hbm>>
      tpu.wait_dma2 semaphore(%run_scoped3A : memref<!tpu.dma_semaphore, #tpu.memory_space<semaphore_mem>>) src(%dma_wait3A_239 : memref<10240xi32, #tpu.memory_space<hbm>>) dst(%arg5 : memref<10240xi32, #tpu.memory_space<vmem>>)
      tpu.yield
    }) : () -> ()
    %barrier3A = arith.constant 0 : index
    tpu.barrier barrier_id(%barrier3A)
    %broadcast_in_dim3A_15 = arith.constant 1.000000e+00 : f32
    %broadcast_in_dim3A_16 = vector.broadcast %broadcast_in_dim3A_15 : f32 to vector<16xf32>
    %get3A = arith.constant 0 : index
    %get3A_17 = tpu.vector_load %arg5[%get3A] {strides = array<i32>} : memref<10240xi32, #tpu.memory_space<vmem>>, vector<16xi32>,
    %shift_right_logical3A = arith.constant 16 : i32
    %shift_right_logical3A_18 = vector.broadcast %shift_right_logical3A : i32 to vector<16xi32>
    %shift_right_logical3A_19 = arith.shrui %get3A_17, %shift_right_logical3A_18 : vector<16xi32>
    %and3A = arith.constant 65535 : i32
    %and3A_20 = vector.broadcast %and3A : i32 to vector<16xi32>
    %and3A_21 = arith.andi %get3A_17, %and3A_20 : vector<16xi32>
    %swap3A = arith.constant 0 : index
    %swap3A_22 = tpu.vector_load %arg8[%swap3A] {strides = array<i32>} : memref<128xi32, #tpu.memory_space<vmem>>, vector<16xi32>,
    tpu.vector_store %arg8[%swap3A], %and3A_21 {strides = array<i32>} : memref<128xi32, #tpu.memory_space<vmem>>, vector<16xi32>,
    %swap3A_23 = arith.constant 0 : index
    %swap3A_24 = tpu.vector_load %arg9[%swap3A_23] {strides = array<i32>} : memref<128xi32, #tpu.memory_space<vmem>>, vector<16xi32>,
    tpu.vector_store %arg9[%swap3A_23], %shift_right_logical3A_19 {strides = array<i32>} : memref<128xi32, #tpu.memory_space<vmem>>, vector<16xi32>,
    %get3A_25 = arith.constant 16 : index
    %get3A_26 = tpu.vector_load %arg5[%get3A_25] {strides = array<i32>} : memref<10240xi32, #tpu.memory_space<vmem>>, vector<16xi32>,
    %shift_right_logical3A_27 = arith.constant 16 : i32
    %shift_right_logical3A_28 = vector.broadcast %shift_right_logical3A_27 : i32 to vector<16xi32>
    %shift_right_logical3A_29 = arith.shrui %get3A_26, %shift_right_logical3A_28 : vector<16xi32>
    %and3A_30 = arith.constant 65535 : i32
    %and3A_31 = vector.broadcast %and3A_30 : i32 to vector<16xi32>
    %and3A_32 = arith.andi %get3A_26, %and3A_31 : vector<16xi32>
    %swap3A_33 = arith.constant 16 : index
    %swap3A_34 = tpu.vector_load %arg8[%swap3A_33] {strides = array<i32>} : memref<128xi32, #tpu.memory_space<vmem>>, vector<16xi32>,
    tpu.vector_store %arg8[%swap3A_33], %and3A_32 {strides = array<i32>} : memref<128xi32, #tpu.memory_space<vmem>>, vector<16xi32>,
    %swap3A_35 = arith.constant 16 : index
    %swap3A_36 = tpu.vector_load %arg9[%swap3A_35] {strides = array<i32>} : memref<128xi32, #tpu.memory_space<vmem>>, vector<16xi32>,
    tpu.vector_store %arg9[%swap3A_35], %shift_right_logical3A_29 {strides = array<i32>} : memref<128xi32, #tpu.memory_space<vmem>>, vector<16xi32>,
    %get3A_37 = arith.constant 32 : index
    %get3A_38 = tpu.vector_load %arg5[%get3A_37] {strides = array<i32>} : memref<10240xi32, #tpu.memory_space<vmem>>, vector<16xi32>,
    %shift_right_logical3A_39 = arith.constant 16 : i32
    %shift_right_logical3A_40 = vector.broadcast %shift_right_logical3A_39 : i32 to vector<16xi32>
    %shift_right_logical3A_41 = arith.shrui %get3A_38, %shift_right_logical3A_40 : vector<16xi32>
    %and3A_42 = arith.constant 65535 : i32
    %and3A_43 = vector.broadcast %and3A_42 : i32 to vector<16xi32>
    %and3A_44 = arith.andi %get3A_38, %and3A_43 : vector<16xi32>
    %swap3A_45 = arith.constant 32 : index
    %swap3A_46 = tpu.vector_load %arg8[%swap3A_45] {strides = array<i32>} : memref<128xi32, #tpu.memory_space<vmem>>, vector<16xi32>,
    tpu.vector_store %arg8[%swap3A_45], %and3A_44 {strides = array<i32>} : memref<128xi32, #tpu.memory_space<vmem>>, vector<16xi32>,
    %swap3A_47 = arith.constant 32 : index
    %swap3A_48 = tpu.vector_load %arg9[%swap3A_47] {strides = array<i32>} : memref<128xi32, #tpu.memory_space<vmem>>, vector<16xi32>,
    tpu.vector_store %arg9[%swap3A_47], %shift_right_logical3A_41 {strides = array<i32>} : memref<128xi32, #tpu.memory_space<vmem>>, vector<16xi32>,
    %get3A_49 = arith.constant 48 : index
    %get3A_50 = tpu.vector_load %arg5[%get3A_49] {strides = array<i32>} : memref<10240xi32, #tpu.memory_space<vmem>>, vector<16xi32>,
    %shift_right_logical3A_51 = arith.constant 16 : i32
    %shift_right_logical3A_52 = vector.broadcast %shift_right_logical3A_51 : i32 to vector<16xi32>
    %shift_right_logical3A_53 = arith.shrui %get3A_50, %shift_right_logical3A_52 : vector<16xi32>
    %and3A_54 = arith.constant 65535 : i32
    %and3A_55 = vector.broadcast %and3A_54 : i32 to vector<16xi32>
    %and3A_56 = arith.andi %get3A_50, %and3A_55 : vector<16xi32>
    %swap3A_57 = arith.constant 48 : index
    %swap3A_58 = tpu.vector_load %arg8[%swap3A_57] {strides = array<i32>} : memref<128xi32, #tpu.memory_space<vmem>>, vector<16xi32>,
    tpu.vector_store %arg8[%swap3A_57], %and3A_56 {strides = array<i32>} : memref<128xi32, #tpu.memory_space<vmem>>, vector<16xi32>,
    %swap3A_59 = arith.constant 48 : index
    %swap3A_60 = tpu.vector_load %arg9[%swap3A_59] {strides = array<i32>} : memref<128xi32, #tpu.memory_space<vmem>>, vector<16xi32>,
    tpu.vector_store %arg9[%swap3A_59], %shift_right_logical3A_53 {strides = array<i32>} : memref<128xi32, #tpu.memory_space<vmem>>, vector<16xi32>,
    %get3A_61 = arith.constant 64 : index
    %get3A_62 = tpu.vector_load %arg5[%get3A_61] {strides = array<i32>} : memref<10240xi32, #tpu.memory_space<vmem>>, vector<16xi32>,
    %shift_right_logical3A_63 = arith.constant 16 : i32
    %shift_right_logical3A_64 = vector.broadcast %shift_right_logical3A_63 : i32 to vector<16xi32>
    %shift_right_logical3A_65 = arith.shrui %get3A_62, %shift_right_logical3A_64 : vector<16xi32>
    %and3A_66 = arith.constant 65535 : i32
    %and3A_67 = vector.broadcast %and3A_66 : i32 to vector<16xi32>
    %and3A_68 = arith.andi %get3A_62, %and3A_67 : vector<16xi32>
    %swap3A_69 = arith.constant 64 : index
    %swap3A_70 = tpu.vector_load %arg8[%swap3A_69] {strides = array<i32>} : memref<128xi32, #tpu.memory_space<vmem>>, vector<16xi32>,
    tpu.vector_store %arg8[%swap3A_69], %and3A_68 {strides = array<i32>} : memref<128xi32, #tpu.memory_space<vmem>>, vector<16xi32>,
    %swap3A_71 = arith.constant 64 : index
    %swap3A_72 = tpu.vector_load %arg9[%swap3A_71] {strides = array<i32>} : memref<128xi32, #tpu.memory_space<vmem>>, vector<16xi32>,
    tpu.vector_store %arg9[%swap3A_71], %shift_right_logical3A_65 {strides = array<i32>} : memref<128xi32, #tpu.memory_space<vmem>>, vector<16xi32>,
    %get3A_73 = arith.constant 80 : index
    %get3A_74 = tpu.vector_load %arg5[%get3A_73] {strides = array<i32>} : memref<10240xi32, #tpu.memory_space<vmem>>, vector<16xi32>,
    %shift_right_logical3A_75 = arith.constant 16 : i32
    %shift_right_logical3A_76 = vector.broadcast %shift_right_logical3A_75 : i32 to vector<16xi32>
    %shift_right_logical3A_77 = arith.shrui %get3A_74, %shift_right_logical3A_76 : vector<16xi32>
    %and3A_78 = arith.constant 65535 : i32
    %and3A_79 = vector.broadcast %and3A_78 : i32 to vector<16xi32>
    %and3A_80 = arith.andi %get3A_74, %and3A_79 : vector<16xi32>
    %swap3A_81 = arith.constant 80 : index
    %swap3A_82 = tpu.vector_load %arg8[%swap3A_81] {strides = array<i32>} : memref<128xi32, #tpu.memory_space<vmem>>, vector<16xi32>,
    tpu.vector_store %arg8[%swap3A_81], %and3A_80 {strides = array<i32>} : memref<128xi32, #tpu.memory_space<vmem>>, vector<16xi32>,
    %swap3A_83 = arith.constant 80 : index
    %swap3A_84 = tpu.vector_load %arg9[%swap3A_83] {strides = array<i32>} : memref<128xi32, #tpu.memory_space<vmem>>, vector<16xi32>,
    tpu.vector_store %arg9[%swap3A_83], %shift_right_logical3A_77 {strides = array<i32>} : memref<128xi32, #tpu.memory_space<vmem>>, vector<16xi32>,
    %get3A_85 = arith.constant 96 : index
    %get3A_86 = tpu.vector_load %arg5[%get3A_85] {strides = array<i32>} : memref<10240xi32, #tpu.memory_space<vmem>>, vector<16xi32>,
    %shift_right_logical3A_87 = arith.constant 16 : i32
    %shift_right_logical3A_88 = vector.broadcast %shift_right_logical3A_87 : i32 to vector<16xi32>
    %shift_right_logical3A_89 = arith.shrui %get3A_86, %shift_right_logical3A_88 : vector<16xi32>
    %and3A_90 = arith.constant 65535 : i32
    %and3A_91 = vector.broadcast %and3A_90 : i32 to vector<16xi32>
    %and3A_92 = arith.andi %get3A_86, %and3A_91 : vector<16xi32>
    %swap3A_93 = arith.constant 96 : index
    %swap3A_94 = tpu.vector_load %arg8[%swap3A_93] {strides = array<i32>} : memref<128xi32, #tpu.memory_space<vmem>>, vector<16xi32>,
    tpu.vector_store %arg8[%swap3A_93], %and3A_92 {strides = array<i32>} : memref<128xi32, #tpu.memory_space<vmem>>, vector<16xi32>,
    %swap3A_95 = arith.constant 96 : index
    %swap3A_96 = tpu.vector_load %arg9[%swap3A_95] {strides = array<i32>} : memref<128xi32, #tpu.memory_space<vmem>>, vector<16xi32>,
    tpu.vector_store %arg9[%swap3A_95], %shift_right_logical3A_89 {strides = array<i32>} : memref<128xi32, #tpu.memory_space<vmem>>, vector<16xi32>,
    %get3A_97 = arith.constant 112 : index
    %get3A_98 = tpu.vector_load %arg5[%get3A_97] {strides = array<i32>} : memref<10240xi32, #tpu.memory_space<vmem>>, vector<16xi32>,
    %shift_right_logical3A_99 = arith.constant 16 : i32
    %shift_right_logical3A_100 = vector.broadcast %shift_right_logical3A_99 : i32 to vector<16xi32>
    %shift_right_logical3A_101 = arith.shrui %get3A_98, %shift_right_logical3A_100 : vector<16xi32>
    %and3A_102 = arith.constant 65535 : i32
    %and3A_103 = vector.broadcast %and3A_102 : i32 to vector<16xi32>
    %and3A_104 = arith.andi %get3A_98, %and3A_103 : vector<16xi32>
    %swap3A_105 = arith.constant 112 : index
    %swap3A_106 = tpu.vector_load %arg8[%swap3A_105] {strides = array<i32>} : memref<128xi32, #tpu.memory_space<vmem>>, vector<16xi32>,
    tpu.vector_store %arg8[%swap3A_105], %and3A_104 {strides = array<i32>} : memref<128xi32, #tpu.memory_space<vmem>>, vector<16xi32>,
    %swap3A_107 = arith.constant 112 : index
    %swap3A_108 = tpu.vector_load %arg9[%swap3A_107] {strides = array<i32>} : memref<128xi32, #tpu.memory_space<vmem>>, vector<16xi32>,
    tpu.vector_store %arg9[%swap3A_107], %shift_right_logical3A_101 {strides = array<i32>} : memref<128xi32, #tpu.memory_space<vmem>>, vector<16xi32>,
    %dma_start3A = arith.constant 0 : i32
    %dma_start3A_109 = arith.constant 0 : i32
    %dma_start3A_110 = tpu.memref_slice %arg2[%dma_start3A, %dma_start3A_109] : memref<10240x128xf32, #tpu.memory_space<hbm>> -> memref<10240x128xf32, #tpu.memory_space<hbm>>
    tpu.enqueue_indirect_dma source(%dma_start3A_110 : memref<10240x128xf32, #tpu.memory_space<hbm>>) target(%arg6 : memref<128x128xf32, #tpu.memory_space<vmem>>) offsets(%arg8 : memref<128xi32, #tpu.memory_space<vmem>>) semaphore(%arg13 : memref<!tpu.dma_semaphore, #tpu.memory_space<semaphore_mem>>)
    %scan3A_111 = arith.constant 0 : i32
    %scan3A_112 = arith.constant 0 : i32
    %scan3A_113 = arith.constant 39 : i32
    %scan3A_114 = arith.addi %scan3A_112, %scan3A_113 : i32
    %scan3A_115 = arith.constant 1 : i32
    scf.for %scan3A_228 = %scan3A_112 to %scan3A_114 step %scan3A_115  : i32 {
      %mul3A_229 = arith.constant 2 : i32
      %mul3A_230 = arith.muli %mul3A_229, %scan3A_228 : i32
      %add3A_231 = arith.constant 1 : i32
      %add3A_232 = arith.addi %mul3A_230, %add3A_231 : i32
      %mul3A_233 = arith.constant 128 : i32
      %mul3A_234 = arith.muli %add3A_232, %mul3A_233 : i32
      %add3A_235 = arith.constant 0 : i32
      %add3A_236 = arith.addi %mul3A_234, %add3A_235 : i32
      %get3A_237 = arith.index_cast %add3A_236 : i32 to index
      %get3A_238 = tpu.vector_load %arg5[%get3A_237] {strides = array<i32>} : memref<10240xi32, #tpu.memory_space<vmem>>, vector<16xi32>,
      %shift_right_logical3A_239 = arith.constant 16 : i32
      %shift_right_logical3A_240 = vector.broadcast %shift_right_logical3A_239 : i32 to vector<16xi32>
      %shift_right_logical3A_241 = arith.shrui %get3A_238, %shift_right_logical3A_240 : vector<16xi32>
      %and3A_242 = arith.constant 65535 : i32
      %and3A_243 = vector.broadcast %and3A_242 : i32 to vector<16xi32>
      %and3A_244 = arith.andi %get3A_238, %and3A_243 : vector<16xi32>
      %swap3A_245 = arith.constant 0 : index
      %swap3A_246 = tpu.vector_load %arg10[%swap3A_245] {strides = array<i32>} : memref<128xi32, #tpu.memory_space<vmem>>, vector<16xi32>,
      tpu.vector_store %arg10[%swap3A_245], %and3A_244 {strides = array<i32>} : memref<128xi32, #tpu.memory_space<vmem>>, vector<16xi32>,
      %swap3A_247 = arith.constant 0 : index
      %swap3A_248 = tpu.vector_load %arg11[%swap3A_247] {strides = array<i32>} : memref<128xi32, #tpu.memory_space<vmem>>, vector<16xi32>,
      tpu.vector_store %arg11[%swap3A_247], %shift_right_logical3A_241 {strides = array<i32>} : memref<128xi32, #tpu.memory_space<vmem>>, vector<16xi32>,
      %mul3A_249 = arith.constant 128 : i32
      %mul3A_250 = arith.muli %add3A_232, %mul3A_249 : i32
      %add3A_251 = arith.constant 16 : i32
      %add3A_252 = arith.addi %mul3A_250, %add3A_251 : i32
      %get3A_253 = arith.index_cast %add3A_252 : i32 to index
      %get3A_254 = tpu.vector_load %arg5[%get3A_253] {strides = array<i32>} : memref<10240xi32, #tpu.memory_space<vmem>>, vector<16xi32>,
      %shift_right_logical3A_255 = arith.constant 16 : i32
      %shift_right_logical3A_256 = vector.broadcast %shift_right_logical3A_255 : i32 to vector<16xi32>
      %shift_right_logical3A_257 = arith.shrui %get3A_254, %shift_right_logical3A_256 : vector<16xi32>
      %and3A_258 = arith.constant 65535 : i32
      %and3A_259 = vector.broadcast %and3A_258 : i32 to vector<16xi32>
      %and3A_260 = arith.andi %get3A_254, %and3A_259 : vector<16xi32>
      %swap3A_261 = arith.constant 16 : index
      %swap3A_262 = tpu.vector_load %arg10[%swap3A_261] {strides = array<i32>} : memref<128xi32, #tpu.memory_space<vmem>>, vector<16xi32>,
      tpu.vector_store %arg10[%swap3A_261], %and3A_260 {strides = array<i32>} : memref<128xi32, #tpu.memory_space<vmem>>, vector<16xi32>,
      %swap3A_263 = arith.constant 16 : index
      %swap3A_264 = tpu.vector_load %arg11[%swap3A_263] {strides = array<i32>} : memref<128xi32, #tpu.memory_space<vmem>>, vector<16xi32>,
      tpu.vector_store %arg11[%swap3A_263], %shift_right_logical3A_257 {strides = array<i32>} : memref<128xi32, #tpu.memory_space<vmem>>, vector<16xi32>,
      %mul3A_265 = arith.constant 128 : i32
      %mul3A_266 = arith.muli %add3A_232, %mul3A_265 : i32
      %add3A_267 = arith.constant 32 : i32
      %add3A_268 = arith.addi %mul3A_266, %add3A_267 : i32
      %get3A_269 = arith.index_cast %add3A_268 : i32 to index
      %get3A_270 = tpu.vector_load %arg5[%get3A_269] {strides = array<i32>} : memref<10240xi32, #tpu.memory_space<vmem>>, vector<16xi32>,
      %shift_right_logical3A_271 = arith.constant 16 : i32
      %shift_right_logical3A_272 = vector.broadcast %shift_right_logical3A_271 : i32 to vector<16xi32>
      %shift_right_logical3A_273 = arith.shrui %get3A_270, %shift_right_logical3A_272 : vector<16xi32>
      %and3A_274 = arith.constant 65535 : i32
      %and3A_275 = vector.broadcast %and3A_274 : i32 to vector<16xi32>
      %and3A_276 = arith.andi %get3A_270, %and3A_275 : vector<16xi32>
      %swap3A_277 = arith.constant 32 : index
      %swap3A_278 = tpu.vector_load %arg10[%swap3A_277] {strides = array<i32>} : memref<128xi32, #tpu.memory_space<vmem>>, vector<16xi32>,
      tpu.vector_store %arg10[%swap3A_277], %and3A_276 {strides = array<i32>} : memref<128xi32, #tpu.memory_space<vmem>>, vector<16xi32>,
      %swap3A_279 = arith.constant 32 : index
      %swap3A_280 = tpu.vector_load %arg11[%swap3A_279] {strides = array<i32>} : memref<128xi32, #tpu.memory_space<vmem>>, vector<16xi32>,
      tpu.vector_store %arg11[%swap3A_279], %shift_right_logical3A_273 {strides = array<i32>} : memref<128xi32, #tpu.memory_space<vmem>>, vector<16xi32>,
      %mul3A_281 = arith.constant 128 : i32
      %mul3A_282 = arith.muli %add3A_232, %mul3A_281 : i32
      %add3A_283 = arith.constant 48 : i32
      %add3A_284 = arith.addi %mul3A_282, %add3A_283 : i32
      %get3A_285 = arith.index_cast %add3A_284 : i32 to index
      %get3A_286 = tpu.vector_load %arg5[%get3A_285] {strides = array<i32>} : memref<10240xi32, #tpu.memory_space<vmem>>, vector<16xi32>,
      %shift_right_logical3A_287 = arith.constant 16 : i32
      %shift_right_logical3A_288 = vector.broadcast %shift_right_logical3A_287 : i32 to vector<16xi32>
      %shift_right_logical3A_289 = arith.shrui %get3A_286, %shift_right_logical3A_288 : vector<16xi32>
      %and3A_290 = arith.constant 65535 : i32
      %and3A_291 = vector.broadcast %and3A_290 : i32 to vector<16xi32>
      %and3A_292 = arith.andi %get3A_286, %and3A_291 : vector<16xi32>
      %swap3A_293 = arith.constant 48 : index
      %swap3A_294 = tpu.vector_load %arg10[%swap3A_293] {strides = array<i32>} : memref<128xi32, #tpu.memory_space<vmem>>, vector<16xi32>,
      tpu.vector_store %arg10[%swap3A_293], %and3A_292 {strides = array<i32>} : memref<128xi32, #tpu.memory_space<vmem>>, vector<16xi32>,
      %swap3A_295 = arith.constant 48 : index
      %swap3A_296 = tpu.vector_load %arg11[%swap3A_295] {strides = array<i32>} : memref<128xi32, #tpu.memory_space<vmem>>, vector<16xi32>,
      tpu.vector_store %arg11[%swap3A_295], %shift_right_logical3A_289 {strides = array<i32>} : memref<128xi32, #tpu.memory_space<vmem>>, vector<16xi32>,
      %mul3A_297 = arith.constant 128 : i32
      %mul3A_298 = arith.muli %add3A_232, %mul3A_297 : i32
      %add3A_299 = arith.constant 64 : i32
      %add3A_300 = arith.addi %mul3A_298, %add3A_299 : i32
      %get3A_301 = arith.index_cast %add3A_300 : i32 to index
      %get3A_302 = tpu.vector_load %arg5[%get3A_301] {strides = array<i32>} : memref<10240xi32, #tpu.memory_space<vmem>>, vector<16xi32>,
      %shift_right_logical3A_303 = arith.constant 16 : i32
      %shift_right_logical3A_304 = vector.broadcast %shift_right_logical3A_303 : i32 to vector<16xi32>
      %shift_right_logical3A_305 = arith.shrui %get3A_302, %shift_right_logical3A_304 : vector<16xi32>
      %and3A_306 = arith.constant 65535 : i32
      %and3A_307 = vector.broadcast %and3A_306 : i32 to vector<16xi32>
      %and3A_308 = arith.andi %get3A_302, %and3A_307 : vector<16xi32>
      %swap3A_309 = arith.constant 64 : index
      %swap3A_310 = tpu.vector_load %arg10[%swap3A_309] {strides = array<i32>} : memref<128xi32, #tpu.memory_space<vmem>>, vector<16xi32>,
      tpu.vector_store %arg10[%swap3A_309], %and3A_308 {strides = array<i32>} : memref<128xi32, #tpu.memory_space<vmem>>, vector<16xi32>,
      %swap3A_311 = arith.constant 64 : index
      %swap3A_312 = tpu.vector_load %arg11[%swap3A_311] {strides = array<i32>} : memref<128xi32, #tpu.memory_space<vmem>>, vector<16xi32>,
      tpu.vector_store %arg11[%swap3A_311], %shift_right_logical3A_305 {strides = array<i32>} : memref<128xi32, #tpu.memory_space<vmem>>, vector<16xi32>,
      %mul3A_313 = arith.constant 128 : i32
      %mul3A_314 = arith.muli %add3A_232, %mul3A_313 : i32
      %add3A_315 = arith.constant 80 : i32
      %add3A_316 = arith.addi %mul3A_314, %add3A_315 : i32
      %get3A_317 = arith.index_cast %add3A_316 : i32 to index
      %get3A_318 = tpu.vector_load %arg5[%get3A_317] {strides = array<i32>} : memref<10240xi32, #tpu.memory_space<vmem>>, vector<16xi32>,
      %shift_right_logical3A_319 = arith.constant 16 : i32
      %shift_right_logical3A_320 = vector.broadcast %shift_right_logical3A_319 : i32 to vector<16xi32>
      %shift_right_logical3A_321 = arith.shrui %get3A_318, %shift_right_logical3A_320 : vector<16xi32>
      %and3A_322 = arith.constant 65535 : i32
      %and3A_323 = vector.broadcast %and3A_322 : i32 to vector<16xi32>
      %and3A_324 = arith.andi %get3A_318, %and3A_323 : vector<16xi32>
      %swap3A_325 = arith.constant 80 : index
      %swap3A_326 = tpu.vector_load %arg10[%swap3A_325] {strides = array<i32>} : memref<128xi32, #tpu.memory_space<vmem>>, vector<16xi32>,
      tpu.vector_store %arg10[%swap3A_325], %and3A_324 {strides = array<i32>} : memref<128xi32, #tpu.memory_space<vmem>>, vector<16xi32>,
      %swap3A_327 = arith.constant 80 : index
      %swap3A_328 = tpu.vector_load %arg11[%swap3A_327] {strides = array<i32>} : memref<128xi32, #tpu.memory_space<vmem>>, vector<16xi32>,
      tpu.vector_store %arg11[%swap3A_327], %shift_right_logical3A_321 {strides = array<i32>} : memref<128xi32, #tpu.memory_space<vmem>>, vector<16xi32>,
      %mul3A_329 = arith.constant 128 : i32
      %mul3A_330 = arith.muli %add3A_232, %mul3A_329 : i32
      %add3A_331 = arith.constant 96 : i32
      %add3A_332 = arith.addi %mul3A_330, %add3A_331 : i32
      %get3A_333 = arith.index_cast %add3A_332 : i32 to index
      %get3A_334 = tpu.vector_load %arg5[%get3A_333] {strides = array<i32>} : memref<10240xi32, #tpu.memory_space<vmem>>, vector<16xi32>,
      %shift_right_logical3A_335 = arith.constant 16 : i32
      %shift_right_logical3A_336 = vector.broadcast %shift_right_logical3A_335 : i32 to vector<16xi32>
      %shift_right_logical3A_337 = arith.shrui %get3A_334, %shift_right_logical3A_336 : vector<16xi32>
      %and3A_338 = arith.constant 65535 : i32
      %and3A_339 = vector.broadcast %and3A_338 : i32 to vector<16xi32>
      %and3A_340 = arith.andi %get3A_334, %and3A_339 : vector<16xi32>
      %swap3A_341 = arith.constant 96 : index
      %swap3A_342 = tpu.vector_load %arg10[%swap3A_341] {strides = array<i32>} : memref<128xi32, #tpu.memory_space<vmem>>, vector<16xi32>,
      tpu.vector_store %arg10[%swap3A_341], %and3A_340 {strides = array<i32>} : memref<128xi32, #tpu.memory_space<vmem>>, vector<16xi32>,
      %swap3A_343 = arith.constant 96 : index
      %swap3A_344 = tpu.vector_load %arg11[%swap3A_343] {strides = array<i32>} : memref<128xi32, #tpu.memory_space<vmem>>, vector<16xi32>,
      tpu.vector_store %arg11[%swap3A_343], %shift_right_logical3A_337 {strides = array<i32>} : memref<128xi32, #tpu.memory_space<vmem>>, vector<16xi32>,
      %mul3A_345 = arith.constant 128 : i32
      %mul3A_346 = arith.muli %add3A_232, %mul3A_345 : i32
      %add3A_347 = arith.constant 112 : i32
      %add3A_348 = arith.addi %mul3A_346, %add3A_347 : i32
      %get3A_349 = arith.index_cast %add3A_348 : i32 to index
      %get3A_350 = tpu.vector_load %arg5[%get3A_349] {strides = array<i32>} : memref<10240xi32, #tpu.memory_space<vmem>>, vector<16xi32>,
      %shift_right_logical3A_351 = arith.constant 16 : i32
      %shift_right_logical3A_352 = vector.broadcast %shift_right_logical3A_351 : i32 to vector<16xi32>
      %shift_right_logical3A_353 = arith.shrui %get3A_350, %shift_right_logical3A_352 : vector<16xi32>
      %and3A_354 = arith.constant 65535 : i32
      %and3A_355 = vector.broadcast %and3A_354 : i32 to vector<16xi32>
      %and3A_356 = arith.andi %get3A_350, %and3A_355 : vector<16xi32>
      %swap3A_357 = arith.constant 112 : index
      %swap3A_358 = tpu.vector_load %arg10[%swap3A_357] {strides = array<i32>} : memref<128xi32, #tpu.memory_space<vmem>>, vector<16xi32>,
      tpu.vector_store %arg10[%swap3A_357], %and3A_356 {strides = array<i32>} : memref<128xi32, #tpu.memory_space<vmem>>, vector<16xi32>,
      %swap3A_359 = arith.constant 112 : index
      %swap3A_360 = tpu.vector_load %arg11[%swap3A_359] {strides = array<i32>} : memref<128xi32, #tpu.memory_space<vmem>>, vector<16xi32>,
      tpu.vector_store %arg11[%swap3A_359], %shift_right_logical3A_353 {strides = array<i32>} : memref<128xi32, #tpu.memory_space<vmem>>, vector<16xi32>,
      %dma_start3A_361 = arith.constant 0 : i32
      %dma_start3A_362 = arith.constant 0 : i32
      %dma_start3A_363 = tpu.memref_slice %arg2[%dma_start3A_361, %dma_start3A_362] : memref<10240x128xf32, #tpu.memory_space<hbm>> -> memref<10240x128xf32, #tpu.memory_space<hbm>>
      tpu.enqueue_indirect_dma source(%dma_start3A_363 : memref<10240x128xf32, #tpu.memory_space<hbm>>) target(%arg7 : memref<128x128xf32, #tpu.memory_space<vmem>>) offsets(%arg10 : memref<128xi32, #tpu.memory_space<vmem>>) semaphore(%arg14 : memref<!tpu.dma_semaphore, #tpu.memory_space<semaphore_mem>>)
      %dma_wait3A_364 = arith.constant 0 : i32
      %dma_wait3A_365 = arith.constant 0 : i32
      %dma_wait3A_366 = tpu.memref_slice %arg2[%dma_wait3A_364, %dma_wait3A_365] : memref<10240x128xf32, #tpu.memory_space<hbm>> -> memref<10240x128xf32, #tpu.memory_space<hbm>>
      tpu.wait_indirect_dma semaphore(%arg13 : memref<!tpu.dma_semaphore, #tpu.memory_space<semaphore_mem>>) src(%dma_wait3A_366 : memref<10240x128xf32, #tpu.memory_space<hbm>>) dst(%arg6 : memref<128x128xf32, #tpu.memory_space<vmem>>)
      "tpu.region"() ({
        %run_scoped3A = tpu.sem_alloc : memref<!tpu.dma_semaphore, #tpu.memory_space<semaphore_mem>>
        %dma_start3A_503 = arith.constant 0 : i32
        %dma_start3A_504 = arith.constant 0 : i32
        %dma_start3A_505 = tpu.memref_slice %arg12[%dma_start3A_503, %dma_start3A_504] : memref<10240x128xf32, #tpu.memory_space<vmem_shared>> -> memref<10240x128xf32, #tpu.memory_space<vmem_shared>>
        tpu.enqueue_indirect_dma source(%arg6 : memref<128x128xf32, #tpu.memory_space<vmem>>) target(%dma_start3A_505 : memref<10240x128xf32, #tpu.memory_space<vmem_shared>>) offsets(%arg9 : memref<128xi32, #tpu.memory_space<vmem>>) semaphore(%run_scoped3A : memref<!tpu.dma_semaphore, #tpu.memory_space<semaphore_mem>>) {add = true}
        %dma_wait3A_506 = arith.constant 0 : i32
        %dma_wait3A_507 = arith.constant 0 : i32
        %dma_wait3A_508 = tpu.memref_slice %arg12[%dma_wait3A_506, %dma_wait3A_507] : memref<10240x128xf32, #tpu.memory_space<vmem_shared>> -> memref<10240x128xf32, #tpu.memory_space<vmem_shared>>
        tpu.wait_indirect_dma semaphore(%run_scoped3A : memref<!tpu.dma_semaphore, #tpu.memory_space<semaphore_mem>>) src(%arg6 : memref<128x128xf32, #tpu.memory_space<vmem>>) dst(%dma_wait3A_508 : memref<10240x128xf32, #tpu.memory_space<vmem_shared>>)
        tpu.yield
      }) : () -> ()
      %add3A_367 = arith.constant 2 : i32
      %add3A_368 = arith.addi %mul3A_230, %add3A_367 : i32
      %mul3A_369 = arith.constant 128 : i32
      %mul3A_370 = arith.muli %add3A_368, %mul3A_369 : i32
      %add3A_371 = arith.constant 0 : i32
      %add3A_372 = arith.addi %mul3A_370, %add3A_371 : i32
      %get3A_373 = arith.index_cast %add3A_372 : i32 to index
      %get3A_374 = tpu.vector_load %arg5[%get3A_373] {strides = array<i32>} : memref<10240xi32, #tpu.memory_space<vmem>>, vector<16xi32>,
      %shift_right_logical3A_375 = arith.constant 16 : i32
      %shift_right_logical3A_376 = vector.broadcast %shift_right_logical3A_375 : i32 to vector<16xi32>
      %shift_right_logical3A_377 = arith.shrui %get3A_374, %shift_right_logical3A_376 : vector<16xi32>
      %and3A_378 = arith.constant 65535 : i32
      %and3A_379 = vector.broadcast %and3A_378 : i32 to vector<16xi32>
      %and3A_380 = arith.andi %get3A_374, %and3A_379 : vector<16xi32>
      %swap3A_381 = arith.constant 0 : index
      %swap3A_382 = tpu.vector_load %arg8[%swap3A_381] {strides = array<i32>} : memref<128xi32, #tpu.memory_space<vmem>>, vector<16xi32>,
      tpu.vector_store %arg8[%swap3A_381], %and3A_380 {strides = array<i32>} : memref<128xi32, #tpu.memory_space<vmem>>, vector<16xi32>,
      %swap3A_383 = arith.constant 0 : index
      %swap3A_384 = tpu.vector_load %arg9[%swap3A_383] {strides = array<i32>} : memref<128xi32, #tpu.memory_space<vmem>>, vector<16xi32>,
      tpu.vector_store %arg9[%swap3A_383], %shift_right_logical3A_377 {strides = array<i32>} : memref<128xi32, #tpu.memory_space<vmem>>, vector<16xi32>,
      %mul3A_385 = arith.constant 128 : i32
      %mul3A_386 = arith.muli %add3A_368, %mul3A_385 : i32
      %add3A_387 = arith.constant 16 : i32
      %add3A_388 = arith.addi %mul3A_386, %add3A_387 : i32
      %get3A_389 = arith.index_cast %add3A_388 : i32 to index
      %get3A_390 = tpu.vector_load %arg5[%get3A_389] {strides = array<i32>} : memref<10240xi32, #tpu.memory_space<vmem>>, vector<16xi32>,
      %shift_right_logical3A_391 = arith.constant 16 : i32
      %shift_right_logical3A_392 = vector.broadcast %shift_right_logical3A_391 : i32 to vector<16xi32>
      %shift_right_logical3A_393 = arith.shrui %get3A_390, %shift_right_logical3A_392 : vector<16xi32>
      %and3A_394 = arith.constant 65535 : i32
      %and3A_395 = vector.broadcast %and3A_394 : i32 to vector<16xi32>
      %and3A_396 = arith.andi %get3A_390, %and3A_395 : vector<16xi32>
      %swap3A_397 = arith.constant 16 : index
      %swap3A_398 = tpu.vector_load %arg8[%swap3A_397] {strides = array<i32>} : memref<128xi32, #tpu.memory_space<vmem>>, vector<16xi32>,
      tpu.vector_store %arg8[%swap3A_397], %and3A_396 {strides = array<i32>} : memref<128xi32, #tpu.memory_space<vmem>>, vector<16xi32>,
      %swap3A_399 = arith.constant 16 : index
      %swap3A_400 = tpu.vector_load %arg9[%swap3A_399] {strides = array<i32>} : memref<128xi32, #tpu.memory_space<vmem>>, vector<16xi32>,
      tpu.vector_store %arg9[%swap3A_399], %shift_right_logical3A_393 {strides = array<i32>} : memref<128xi32, #tpu.memory_space<vmem>>, vector<16xi32>,
      %mul3A_401 = arith.constant 128 : i32
      %mul3A_402 = arith.muli %add3A_368, %mul3A_401 : i32
      %add3A_403 = arith.constant 32 : i32
      %add3A_404 = arith.addi %mul3A_402, %add3A_403 : i32
      %get3A_405 = arith.index_cast %add3A_404 : i32 to index
      %get3A_406 = tpu.vector_load %arg5[%get3A_405] {strides = array<i32>} : memref<10240xi32, #tpu.memory_space<vmem>>, vector<16xi32>,
      %shift_right_logical3A_407 = arith.constant 16 : i32
      %shift_right_logical3A_408 = vector.broadcast %shift_right_logical3A_407 : i32 to vector<16xi32>
      %shift_right_logical3A_409 = arith.shrui %get3A_406, %shift_right_logical3A_408 : vector<16xi32>
      %and3A_410 = arith.constant 65535 : i32
      %and3A_411 = vector.broadcast %and3A_410 : i32 to vector<16xi32>
      %and3A_412 = arith.andi %get3A_406, %and3A_411 : vector<16xi32>
      %swap3A_413 = arith.constant 32 : index
      %swap3A_414 = tpu.vector_load %arg8[%swap3A_413] {strides = array<i32>} : memref<128xi32, #tpu.memory_space<vmem>>, vector<16xi32>,
      tpu.vector_store %arg8[%swap3A_413], %and3A_412 {strides = array<i32>} : memref<128xi32, #tpu.memory_space<vmem>>, vector<16xi32>,
      %swap3A_415 = arith.constant 32 : index
      %swap3A_416 = tpu.vector_load %arg9[%swap3A_415] {strides = array<i32>} : memref<128xi32, #tpu.memory_space<vmem>>, vector<16xi32>,
      tpu.vector_store %arg9[%swap3A_415], %shift_right_logical3A_409 {strides = array<i32>} : memref<128xi32, #tpu.memory_space<vmem>>, vector<16xi32>,
      %mul3A_417 = arith.constant 128 : i32
      %mul3A_418 = arith.muli %add3A_368, %mul3A_417 : i32
      %add3A_419 = arith.constant 48 : i32
      %add3A_420 = arith.addi %mul3A_418, %add3A_419 : i32
      %get3A_421 = arith.index_cast %add3A_420 : i32 to index
      %get3A_422 = tpu.vector_load %arg5[%get3A_421] {strides = array<i32>} : memref<10240xi32, #tpu.memory_space<vmem>>, vector<16xi32>,
      %shift_right_logical3A_423 = arith.constant 16 : i32
      %shift_right_logical3A_424 = vector.broadcast %shift_right_logical3A_423 : i32 to vector<16xi32>
      %shift_right_logical3A_425 = arith.shrui %get3A_422, %shift_right_logical3A_424 : vector<16xi32>
      %and3A_426 = arith.constant 65535 : i32
      %and3A_427 = vector.broadcast %and3A_426 : i32 to vector<16xi32>
      %and3A_428 = arith.andi %get3A_422, %and3A_427 : vector<16xi32>
      %swap3A_429 = arith.constant 48 : index
      %swap3A_430 = tpu.vector_load %arg8[%swap3A_429] {strides = array<i32>} : memref<128xi32, #tpu.memory_space<vmem>>, vector<16xi32>,
      tpu.vector_store %arg8[%swap3A_429], %and3A_428 {strides = array<i32>} : memref<128xi32, #tpu.memory_space<vmem>>, vector<16xi32>,
      %swap3A_431 = arith.constant 48 : index
      %swap3A_432 = tpu.vector_load %arg9[%swap3A_431] {strides = array<i32>} : memref<128xi32, #tpu.memory_space<vmem>>, vector<16xi32>,
      tpu.vector_store %arg9[%swap3A_431], %shift_right_logical3A_425 {strides = array<i32>} : memref<128xi32, #tpu.memory_space<vmem>>, vector<16xi32>,
      %mul3A_433 = arith.constant 128 : i32
      %mul3A_434 = arith.muli %add3A_368, %mul3A_433 : i32
      %add3A_435 = arith.constant 64 : i32
      %add3A_436 = arith.addi %mul3A_434, %add3A_435 : i32
      %get3A_437 = arith.index_cast %add3A_436 : i32 to index
      %get3A_438 = tpu.vector_load %arg5[%get3A_437] {strides = array<i32>} : memref<10240xi32, #tpu.memory_space<vmem>>, vector<16xi32>,
      %shift_right_logical3A_439 = arith.constant 16 : i32
      %shift_right_logical3A_440 = vector.broadcast %shift_right_logical3A_439 : i32 to vector<16xi32>
      %shift_right_logical3A_441 = arith.shrui %get3A_438, %shift_right_logical3A_440 : vector<16xi32>
      %and3A_442 = arith.constant 65535 : i32
      %and3A_443 = vector.broadcast %and3A_442 : i32 to vector<16xi32>
      %and3A_444 = arith.andi %get3A_438, %and3A_443 : vector<16xi32>
      %swap3A_445 = arith.constant 64 : index
      %swap3A_446 = tpu.vector_load %arg8[%swap3A_445] {strides = array<i32>} : memref<128xi32, #tpu.memory_space<vmem>>, vector<16xi32>,
      tpu.vector_store %arg8[%swap3A_445], %and3A_444 {strides = array<i32>} : memref<128xi32, #tpu.memory_space<vmem>>, vector<16xi32>,
      %swap3A_447 = arith.constant 64 : index
      %swap3A_448 = tpu.vector_load %arg9[%swap3A_447] {strides = array<i32>} : memref<128xi32, #tpu.memory_space<vmem>>, vector<16xi32>,
      tpu.vector_store %arg9[%swap3A_447], %shift_right_logical3A_441 {strides = array<i32>} : memref<128xi32, #tpu.memory_space<vmem>>, vector<16xi32>,
      %mul3A_449 = arith.constant 128 : i32
      %mul3A_450 = arith.muli %add3A_368, %mul3A_449 : i32
      %add3A_451 = arith.constant 80 : i32
      %add3A_452 = arith.addi %mul3A_450, %add3A_451 : i32
      %get3A_453 = arith.index_cast %add3A_452 : i32 to index
      %get3A_454 = tpu.vector_load %arg5[%get3A_453] {strides = array<i32>} : memref<10240xi32, #tpu.memory_space<vmem>>, vector<16xi32>,
      %shift_right_logical3A_455 = arith.constant 16 : i32
      %shift_right_logical3A_456 = vector.broadcast %shift_right_logical3A_455 : i32 to vector<16xi32>
      %shift_right_logical3A_457 = arith.shrui %get3A_454, %shift_right_logical3A_456 : vector<16xi32>
      %and3A_458 = arith.constant 65535 : i32
      %and3A_459 = vector.broadcast %and3A_458 : i32 to vector<16xi32>
      %and3A_460 = arith.andi %get3A_454, %and3A_459 : vector<16xi32>
      %swap3A_461 = arith.constant 80 : index
      %swap3A_462 = tpu.vector_load %arg8[%swap3A_461] {strides = array<i32>} : memref<128xi32, #tpu.memory_space<vmem>>, vector<16xi32>,
      tpu.vector_store %arg8[%swap3A_461], %and3A_460 {strides = array<i32>} : memref<128xi32, #tpu.memory_space<vmem>>, vector<16xi32>,
      %swap3A_463 = arith.constant 80 : index
      %swap3A_464 = tpu.vector_load %arg9[%swap3A_463] {strides = array<i32>} : memref<128xi32, #tpu.memory_space<vmem>>, vector<16xi32>,
      tpu.vector_store %arg9[%swap3A_463], %shift_right_logical3A_457 {strides = array<i32>} : memref<128xi32, #tpu.memory_space<vmem>>, vector<16xi32>,
      %mul3A_465 = arith.constant 128 : i32
      %mul3A_466 = arith.muli %add3A_368, %mul3A_465 : i32
      %add3A_467 = arith.constant 96 : i32
      %add3A_468 = arith.addi %mul3A_466, %add3A_467 : i32
      %get3A_469 = arith.index_cast %add3A_468 : i32 to index
      %get3A_470 = tpu.vector_load %arg5[%get3A_469] {strides = array<i32>} : memref<10240xi32, #tpu.memory_space<vmem>>, vector<16xi32>,
      %shift_right_logical3A_471 = arith.constant 16 : i32
      %shift_right_logical3A_472 = vector.broadcast %shift_right_logical3A_471 : i32 to vector<16xi32>
      %shift_right_logical3A_473 = arith.shrui %get3A_470, %shift_right_logical3A_472 : vector<16xi32>
      %and3A_474 = arith.constant 65535 : i32
      %and3A_475 = vector.broadcast %and3A_474 : i32 to vector<16xi32>
      %and3A_476 = arith.andi %get3A_470, %and3A_475 : vector<16xi32>
      %swap3A_477 = arith.constant 96 : index
      %swap3A_478 = tpu.vector_load %arg8[%swap3A_477] {strides = array<i32>} : memref<128xi32, #tpu.memory_space<vmem>>, vector<16xi32>,
      tpu.vector_store %arg8[%swap3A_477], %and3A_476 {strides = array<i32>} : memref<128xi32, #tpu.memory_space<vmem>>, vector<16xi32>,
      %swap3A_479 = arith.constant 96 : index
      %swap3A_480 = tpu.vector_load %arg9[%swap3A_479] {strides = array<i32>} : memref<128xi32, #tpu.memory_space<vmem>>, vector<16xi32>,
      tpu.vector_store %arg9[%swap3A_479], %shift_right_logical3A_473 {strides = array<i32>} : memref<128xi32, #tpu.memory_space<vmem>>, vector<16xi32>,
      %mul3A_481 = arith.constant 128 : i32
      %mul3A_482 = arith.muli %add3A_368, %mul3A_481 : i32
      %add3A_483 = arith.constant 112 : i32
      %add3A_484 = arith.addi %mul3A_482, %add3A_483 : i32
      %get3A_485 = arith.index_cast %add3A_484 : i32 to index
      %get3A_486 = tpu.vector_load %arg5[%get3A_485] {strides = array<i32>} : memref<10240xi32, #tpu.memory_space<vmem>>, vector<16xi32>,
      %shift_right_logical3A_487 = arith.constant 16 : i32
      %shift_right_logical3A_488 = vector.broadcast %shift_right_logical3A_487 : i32 to vector<16xi32>
      %shift_right_logical3A_489 = arith.shrui %get3A_486, %shift_right_logical3A_488 : vector<16xi32>
      %and3A_490 = arith.constant 65535 : i32
      %and3A_491 = vector.broadcast %and3A_490 : i32 to vector<16xi32>
      %and3A_492 = arith.andi %get3A_486, %and3A_491 : vector<16xi32>
      %swap3A_493 = arith.constant 112 : index
      %swap3A_494 = tpu.vector_load %arg8[%swap3A_493] {strides = array<i32>} : memref<128xi32, #tpu.memory_space<vmem>>, vector<16xi32>,
      tpu.vector_store %arg8[%swap3A_493], %and3A_492 {strides = array<i32>} : memref<128xi32, #tpu.memory_space<vmem>>, vector<16xi32>,
      %swap3A_495 = arith.constant 112 : index
      %swap3A_496 = tpu.vector_load %arg9[%swap3A_495] {strides = array<i32>} : memref<128xi32, #tpu.memory_space<vmem>>, vector<16xi32>,
      tpu.vector_store %arg9[%swap3A_495], %shift_right_logical3A_489 {strides = array<i32>} : memref<128xi32, #tpu.memory_space<vmem>>, vector<16xi32>,
      %dma_start3A_497 = arith.constant 0 : i32
      %dma_start3A_498 = arith.constant 0 : i32
      %dma_start3A_499 = tpu.memref_slice %arg2[%dma_start3A_497, %dma_start3A_498] : memref<10240x128xf32, #tpu.memory_space<hbm>> -> memref<10240x128xf32, #tpu.memory_space<hbm>>
      tpu.enqueue_indirect_dma source(%dma_start3A_499 : memref<10240x128xf32, #tpu.memory_space<hbm>>) target(%arg6 : memref<128x128xf32, #tpu.memory_space<vmem>>) offsets(%arg8 : memref<128xi32, #tpu.memory_space<vmem>>) semaphore(%arg13 : memref<!tpu.dma_semaphore, #tpu.memory_space<semaphore_mem>>)
      %dma_wait3A_500 = arith.constant 0 : i32
      %dma_wait3A_501 = arith.constant 0 : i32
      %dma_wait3A_502 = tpu.memref_slice %arg2[%dma_wait3A_500, %dma_wait3A_501] : memref<10240x128xf32, #tpu.memory_space<hbm>> -> memref<10240x128xf32, #tpu.memory_space<hbm>>
      tpu.wait_indirect_dma semaphore(%arg14 : memref<!tpu.dma_semaphore, #tpu.memory_space<semaphore_mem>>) src(%dma_wait3A_502 : memref<10240x128xf32, #tpu.memory_space<hbm>>) dst(%arg7 : memref<128x128xf32, #tpu.memory_space<vmem>>)
      "tpu.region"() ({
        %run_scoped3A = tpu.sem_alloc : memref<!tpu.dma_semaphore, #tpu.memory_space<semaphore_mem>>
        %dma_start3A_503 = arith.constant 0 : i32
        %dma_start3A_504 = arith.constant 0 : i32
        %dma_start3A_505 = tpu.memref_slice %arg12[%dma_start3A_503, %dma_start3A_504] : memref<10240x128xf32, #tpu.memory_space<vmem_shared>> -> memref<10240x128xf32, #tpu.memory_space<vmem_shared>>
        tpu.enqueue_indirect_dma source(%arg7 : memref<128x128xf32, #tpu.memory_space<vmem>>) target(%dma_start3A_505 : memref<10240x128xf32, #tpu.memory_space<vmem_shared>>) offsets(%arg11 : memref<128xi32, #tpu.memory_space<vmem>>) semaphore(%run_scoped3A : memref<!tpu.dma_semaphore, #tpu.memory_space<semaphore_mem>>) {add = true}
        %dma_wait3A_506 = arith.constant 0 : i32
        %dma_wait3A_507 = arith.constant 0 : i32
        %dma_wait3A_508 = tpu.memref_slice %arg12[%dma_wait3A_506, %dma_wait3A_507] : memref<10240x128xf32, #tpu.memory_space<vmem_shared>> -> memref<10240x128xf32, #tpu.memory_space<vmem_shared>>
        tpu.wait_indirect_dma semaphore(%run_scoped3A : memref<!tpu.dma_semaphore, #tpu.memory_space<semaphore_mem>>) src(%arg7 : memref<128x128xf32, #tpu.memory_space<vmem>>) dst(%dma_wait3A_508 : memref<10240x128xf32, #tpu.memory_space<vmem_shared>>)
        tpu.yield
      }) : () -> ()
    }
    %scan3A_116 = arith.constant 39 : i32
    %get3A_117 = arith.constant 10112 : index
    %get3A_118 = tpu.vector_load %arg5[%get3A_117] {strides = array<i32>} : memref<10240xi32, #tpu.memory_space<vmem>>, vector<16xi32>,
    %shift_right_logical3A_119 = arith.constant 16 : i32
    %shift_right_logical3A_120 = vector.broadcast %shift_right_logical3A_119 : i32 to vector<16xi32>
    %shift_right_logical3A_121 = arith.shrui %get3A_118, %shift_right_logical3A_120 : vector<16xi32>
    %and3A_122 = arith.constant 65535 : i32
    %and3A_123 = vector.broadcast %and3A_122 : i32 to vector<16xi32>
    %and3A_124 = arith.andi %get3A_118, %and3A_123 : vector<16xi32>
    %swap3A_125 = arith.constant 0 : index
    %swap3A_126 = tpu.vector_load %arg10[%swap3A_125] {strides = array<i32>} : memref<128xi32, #tpu.memory_space<vmem>>, vector<16xi32>,
    tpu.vector_store %arg10[%swap3A_125], %and3A_124 {strides = array<i32>} : memref<128xi32, #tpu.memory_space<vmem>>, vector<16xi32>,
    %swap3A_127 = arith.constant 0 : index
    %swap3A_128 = tpu.vector_load %arg11[%swap3A_127] {strides = array<i32>} : memref<128xi32, #tpu.memory_space<vmem>>, vector<16xi32>,
    tpu.vector_store %arg11[%swap3A_127], %shift_right_logical3A_121 {strides = array<i32>} : memref<128xi32, #tpu.memory_space<vmem>>, vector<16xi32>,
    %get3A_129 = arith.constant 10128 : index
    %get3A_130 = tpu.vector_load %arg5[%get3A_129] {strides = array<i32>} : memref<10240xi32, #tpu.memory_space<vmem>>, vector<16xi32>,
    %shift_right_logical3A_131 = arith.constant 16 : i32
    %shift_right_logical3A_132 = vector.broadcast %shift_right_logical3A_131 : i32 to vector<16xi32>
    %shift_right_logical3A_133 = arith.shrui %get3A_130, %shift_right_logical3A_132 : vector<16xi32>
    %and3A_134 = arith.constant 65535 : i32
    %and3A_135 = vector.broadcast %and3A_134 : i32 to vector<16xi32>
    %and3A_136 = arith.andi %get3A_130, %and3A_135 : vector<16xi32>
    %swap3A_137 = arith.constant 16 : index
    %swap3A_138 = tpu.vector_load %arg10[%swap3A_137] {strides = array<i32>} : memref<128xi32, #tpu.memory_space<vmem>>, vector<16xi32>,
    tpu.vector_store %arg10[%swap3A_137], %and3A_136 {strides = array<i32>} : memref<128xi32, #tpu.memory_space<vmem>>, vector<16xi32>,
    %swap3A_139 = arith.constant 16 : index
    %swap3A_140 = tpu.vector_load %arg11[%swap3A_139] {strides = array<i32>} : memref<128xi32, #tpu.memory_space<vmem>>, vector<16xi32>,
    tpu.vector_store %arg11[%swap3A_139], %shift_right_logical3A_133 {strides = array<i32>} : memref<128xi32, #tpu.memory_space<vmem>>, vector<16xi32>,
    %get3A_141 = arith.constant 10144 : index
    %get3A_142 = tpu.vector_load %arg5[%get3A_141] {strides = array<i32>} : memref<10240xi32, #tpu.memory_space<vmem>>, vector<16xi32>,
    %shift_right_logical3A_143 = arith.constant 16 : i32
    %shift_right_logical3A_144 = vector.broadcast %shift_right_logical3A_143 : i32 to vector<16xi32>
    %shift_right_logical3A_145 = arith.shrui %get3A_142, %shift_right_logical3A_144 : vector<16xi32>
    %and3A_146 = arith.constant 65535 : i32
    %and3A_147 = vector.broadcast %and3A_146 : i32 to vector<16xi32>
    %and3A_148 = arith.andi %get3A_142, %and3A_147 : vector<16xi32>
    %swap3A_149 = arith.constant 32 : index
    %swap3A_150 = tpu.vector_load %arg10[%swap3A_149] {strides = array<i32>} : memref<128xi32, #tpu.memory_space<vmem>>, vector<16xi32>,
    tpu.vector_store %arg10[%swap3A_149], %and3A_148 {strides = array<i32>} : memref<128xi32, #tpu.memory_space<vmem>>, vector<16xi32>,
    %swap3A_151 = arith.constant 32 : index
    %swap3A_152 = tpu.vector_load %arg11[%swap3A_151] {strides = array<i32>} : memref<128xi32, #tpu.memory_space<vmem>>, vector<16xi32>,
    tpu.vector_store %arg11[%swap3A_151], %shift_right_logical3A_145 {strides = array<i32>} : memref<128xi32, #tpu.memory_space<vmem>>, vector<16xi32>,
    %get3A_153 = arith.constant 10160 : index
    %get3A_154 = tpu.vector_load %arg5[%get3A_153] {strides = array<i32>} : memref<10240xi32, #tpu.memory_space<vmem>>, vector<16xi32>,
    %shift_right_logical3A_155 = arith.constant 16 : i32
    %shift_right_logical3A_156 = vector.broadcast %shift_right_logical3A_155 : i32 to vector<16xi32>
    %shift_right_logical3A_157 = arith.shrui %get3A_154, %shift_right_logical3A_156 : vector<16xi32>
    %and3A_158 = arith.constant 65535 : i32
    %and3A_159 = vector.broadcast %and3A_158 : i32 to vector<16xi32>
    %and3A_160 = arith.andi %get3A_154, %and3A_159 : vector<16xi32>
    %swap3A_161 = arith.constant 48 : index
    %swap3A_162 = tpu.vector_load %arg10[%swap3A_161] {strides = array<i32>} : memref<128xi32, #tpu.memory_space<vmem>>, vector<16xi32>,
    tpu.vector_store %arg10[%swap3A_161], %and3A_160 {strides = array<i32>} : memref<128xi32, #tpu.memory_space<vmem>>, vector<16xi32>,
    %swap3A_163 = arith.constant 48 : index
    %swap3A_164 = tpu.vector_load %arg11[%swap3A_163] {strides = array<i32>} : memref<128xi32, #tpu.memory_space<vmem>>, vector<16xi32>,
    tpu.vector_store %arg11[%swap3A_163], %shift_right_logical3A_157 {strides = array<i32>} : memref<128xi32, #tpu.memory_space<vmem>>, vector<16xi32>,
    %get3A_165 = arith.constant 10176 : index
    %get3A_166 = tpu.vector_load %arg5[%get3A_165] {strides = array<i32>} : memref<10240xi32, #tpu.memory_space<vmem>>, vector<16xi32>,
    %shift_right_logical3A_167 = arith.constant 16 : i32
    %shift_right_logical3A_168 = vector.broadcast %shift_right_logical3A_167 : i32 to vector<16xi32>
    %shift_right_logical3A_169 = arith.shrui %get3A_166, %shift_right_logical3A_168 : vector<16xi32>
    %and3A_170 = arith.constant 65535 : i32
    %and3A_171 = vector.broadcast %and3A_170 : i32 to vector<16xi32>
    %and3A_172 = arith.andi %get3A_166, %and3A_171 : vector<16xi32>
    %swap3A_173 = arith.constant 64 : index
    %swap3A_174 = tpu.vector_load %arg10[%swap3A_173] {strides = array<i32>} : memref<128xi32, #tpu.memory_space<vmem>>, vector<16xi32>,
    tpu.vector_store %arg10[%swap3A_173], %and3A_172 {strides = array<i32>} : memref<128xi32, #tpu.memory_space<vmem>>, vector<16xi32>,
    %swap3A_175 = arith.constant 64 : index
    %swap3A_176 = tpu.vector_load %arg11[%swap3A_175] {strides = array<i32>} : memref<128xi32, #tpu.memory_space<vmem>>, vector<16xi32>,
    tpu.vector_store %arg11[%swap3A_175], %shift_right_logical3A_169 {strides = array<i32>} : memref<128xi32, #tpu.memory_space<vmem>>, vector<16xi32>,
    %get3A_177 = arith.constant 10192 : index
    %get3A_178 = tpu.vector_load %arg5[%get3A_177] {strides = array<i32>} : memref<10240xi32, #tpu.memory_space<vmem>>, vector<16xi32>,
    %shift_right_logical3A_179 = arith.constant 16 : i32
    %shift_right_logical3A_180 = vector.broadcast %shift_right_logical3A_179 : i32 to vector<16xi32>
    %shift_right_logical3A_181 = arith.shrui %get3A_178, %shift_right_logical3A_180 : vector<16xi32>
    %and3A_182 = arith.constant 65535 : i32
    %and3A_183 = vector.broadcast %and3A_182 : i32 to vector<16xi32>
    %and3A_184 = arith.andi %get3A_178, %and3A_183 : vector<16xi32>
    %swap3A_185 = arith.constant 80 : index
    %swap3A_186 = tpu.vector_load %arg10[%swap3A_185] {strides = array<i32>} : memref<128xi32, #tpu.memory_space<vmem>>, vector<16xi32>,
    tpu.vector_store %arg10[%swap3A_185], %and3A_184 {strides = array<i32>} : memref<128xi32, #tpu.memory_space<vmem>>, vector<16xi32>,
    %swap3A_187 = arith.constant 80 : index
    %swap3A_188 = tpu.vector_load %arg11[%swap3A_187] {strides = array<i32>} : memref<128xi32, #tpu.memory_space<vmem>>, vector<16xi32>,
    tpu.vector_store %arg11[%swap3A_187], %shift_right_logical3A_181 {strides = array<i32>} : memref<128xi32, #tpu.memory_space<vmem>>, vector<16xi32>,
    %get3A_189 = arith.constant 10208 : index
    %get3A_190 = tpu.vector_load %arg5[%get3A_189] {strides = array<i32>} : memref<10240xi32, #tpu.memory_space<vmem>>, vector<16xi32>,
    %shift_right_logical3A_191 = arith.constant 16 : i32
    %shift_right_logical3A_192 = vector.broadcast %shift_right_logical3A_191 : i32 to vector<16xi32>
    %shift_right_logical3A_193 = arith.shrui %get3A_190, %shift_right_logical3A_192 : vector<16xi32>
    %and3A_194 = arith.constant 65535 : i32
    %and3A_195 = vector.broadcast %and3A_194 : i32 to vector<16xi32>
    %and3A_196 = arith.andi %get3A_190, %and3A_195 : vector<16xi32>
    %swap3A_197 = arith.constant 96 : index
    %swap3A_198 = tpu.vector_load %arg10[%swap3A_197] {strides = array<i32>} : memref<128xi32, #tpu.memory_space<vmem>>, vector<16xi32>,
    tpu.vector_store %arg10[%swap3A_197], %and3A_196 {strides = array<i32>} : memref<128xi32, #tpu.memory_space<vmem>>, vector<16xi32>,
    %swap3A_199 = arith.constant 96 : index
    %swap3A_200 = tpu.vector_load %arg11[%swap3A_199] {strides = array<i32>} : memref<128xi32, #tpu.memory_space<vmem>>, vector<16xi32>,
    tpu.vector_store %arg11[%swap3A_199], %shift_right_logical3A_193 {strides = array<i32>} : memref<128xi32, #tpu.memory_space<vmem>>, vector<16xi32>,
    %get3A_201 = arith.constant 10224 : index
    %get3A_202 = tpu.vector_load %arg5[%get3A_201] {strides = array<i32>} : memref<10240xi32, #tpu.memory_space<vmem>>, vector<16xi32>,
    %shift_right_logical3A_203 = arith.constant 16 : i32
    %shift_right_logical3A_204 = vector.broadcast %shift_right_logical3A_203 : i32 to vector<16xi32>
    %shift_right_logical3A_205 = arith.shrui %get3A_202, %shift_right_logical3A_204 : vector<16xi32>
    %and3A_206 = arith.constant 65535 : i32
    %and3A_207 = vector.broadcast %and3A_206 : i32 to vector<16xi32>
    %and3A_208 = arith.andi %get3A_202, %and3A_207 : vector<16xi32>
    %swap3A_209 = arith.constant 112 : index
    %swap3A_210 = tpu.vector_load %arg10[%swap3A_209] {strides = array<i32>} : memref<128xi32, #tpu.memory_space<vmem>>, vector<16xi32>,
    tpu.vector_store %arg10[%swap3A_209], %and3A_208 {strides = array<i32>} : memref<128xi32, #tpu.memory_space<vmem>>, vector<16xi32>,
    %swap3A_211 = arith.constant 112 : index
    %swap3A_212 = tpu.vector_load %arg11[%swap3A_211] {strides = array<i32>} : memref<128xi32, #tpu.memory_space<vmem>>, vector<16xi32>,
    tpu.vector_store %arg11[%swap3A_211], %shift_right_logical3A_205 {strides = array<i32>} : memref<128xi32, #tpu.memory_space<vmem>>, vector<16xi32>,
    %dma_start3A_213 = arith.constant 0 : i32
    %dma_start3A_214 = arith.constant 0 : i32
    %dma_start3A_215 = tpu.memref_slice %arg2[%dma_start3A_213, %dma_start3A_214] : memref<10240x128xf32, #tpu.memory_space<hbm>> -> memref<10240x128xf32, #tpu.memory_space<hbm>>
    tpu.enqueue_indirect_dma source(%dma_start3A_215 : memref<10240x128xf32, #tpu.memory_space<hbm>>) target(%arg7 : memref<128x128xf32, #tpu.memory_space<vmem>>) offsets(%arg10 : memref<128xi32, #tpu.memory_space<vmem>>) semaphore(%arg14 : memref<!tpu.dma_semaphore, #tpu.memory_space<semaphore_mem>>)
    %dma_wait3A = arith.constant 0 : i32
    %dma_wait3A_216 = arith.constant 0 : i32
    %dma_wait3A_217 = tpu.memref_slice %arg2[%dma_wait3A, %dma_wait3A_216] : memref<10240x128xf32, #tpu.memory_space<hbm>> -> memref<10240x128xf32, #tpu.memory_space<hbm>>
    tpu.wait_indirect_dma semaphore(%arg13 : memref<!tpu.dma_semaphore, #tpu.memory_space<semaphore_mem>>) src(%dma_wait3A_217 : memref<10240x128xf32, #tpu.memory_space<hbm>>) dst(%arg6 : memref<128x128xf32, #tpu.memory_space<vmem>>)
    "tpu.region"() ({
      %run_scoped3A = tpu.sem_alloc : memref<!tpu.dma_semaphore, #tpu.memory_space<semaphore_mem>>
      %dma_start3A_228 = arith.constant 0 : i32
      %dma_start3A_229 = arith.constant 0 : i32
      %dma_start3A_230 = tpu.memref_slice %arg12[%dma_start3A_228, %dma_start3A_229] : memref<10240x128xf32, #tpu.memory_space<vmem_shared>> -> memref<10240x128xf32, #tpu.memory_space<vmem_shared>>
      tpu.enqueue_indirect_dma source(%arg6 : memref<128x128xf32, #tpu.memory_space<vmem>>) target(%dma_start3A_230 : memref<10240x128xf32, #tpu.memory_space<vmem_shared>>) offsets(%arg9 : memref<128xi32, #tpu.memory_space<vmem>>) semaphore(%run_scoped3A : memref<!tpu.dma_semaphore, #tpu.memory_space<semaphore_mem>>) {add = true}
      %dma_wait3A_231 = arith.constant 0 : i32
      %dma_wait3A_232 = arith.constant 0 : i32
      %dma_wait3A_233 = tpu.memref_slice %arg12[%dma_wait3A_231, %dma_wait3A_232] : memref<10240x128xf32, #tpu.memory_space<vmem_shared>> -> memref<10240x128xf32, #tpu.memory_space<vmem_shared>>
      tpu.wait_indirect_dma semaphore(%run_scoped3A : memref<!tpu.dma_semaphore, #tpu.memory_space<semaphore_mem>>) src(%arg6 : memref<128x128xf32, #tpu.memory_space<vmem>>) dst(%dma_wait3A_233 : memref<10240x128xf32, #tpu.memory_space<vmem_shared>>)
      tpu.yield
    }) : () -> ()
    %dma_wait3A_218 = arith.constant 0 : i32
    %dma_wait3A_219 = arith.constant 0 : i32
    %dma_wait3A_220 = tpu.memref_slice %arg2[%dma_wait3A_218, %dma_wait3A_219] : memref<10240x128xf32, #tpu.memory_space<hbm>> -> memref<10240x128xf32, #tpu.memory_space<hbm>>
    tpu.wait_indirect_dma semaphore(%arg14 : memref<!tpu.dma_semaphore, #tpu.memory_space<semaphore_mem>>) src(%dma_wait3A_220 : memref<10240x128xf32, #tpu.memory_space<hbm>>) dst(%arg7 : memref<128x128xf32, #tpu.memory_space<vmem>>)
    "tpu.region"() ({
      %run_scoped3A = tpu.sem_alloc : memref<!tpu.dma_semaphore, #tpu.memory_space<semaphore_mem>>
      %dma_start3A_228 = arith.constant 0 : i32
      %dma_start3A_229 = arith.constant 0 : i32
      %dma_start3A_230 = tpu.memref_slice %arg12[%dma_start3A_228, %dma_start3A_229] : memref<10240x128xf32, #tpu.memory_space<vmem_shared>> -> memref<10240x128xf32, #tpu.memory_space<vmem_shared>>
      tpu.enqueue_indirect_dma source(%arg7 : memref<128x128xf32, #tpu.memory_space<vmem>>) target(%dma_start3A_230 : memref<10240x128xf32, #tpu.memory_space<vmem_shared>>) offsets(%arg11 : memref<128xi32, #tpu.memory_space<vmem>>) semaphore(%run_scoped3A : memref<!tpu.dma_semaphore, #tpu.memory_space<semaphore_mem>>) {add = true}
      %dma_wait3A_231 = arith.constant 0 : i32
      %dma_wait3A_232 = arith.constant 0 : i32
      %dma_wait3A_233 = tpu.memref_slice %arg12[%dma_wait3A_231, %dma_wait3A_232] : memref<10240x128xf32, #tpu.memory_space<vmem_shared>> -> memref<10240x128xf32, #tpu.memory_space<vmem_shared>>
      tpu.wait_indirect_dma semaphore(%run_scoped3A : memref<!tpu.dma_semaphore, #tpu.memory_space<semaphore_mem>>) src(%arg7 : memref<128x128xf32, #tpu.memory_space<vmem>>) dst(%dma_wait3A_233 : memref<10240x128xf32, #tpu.memory_space<vmem_shared>>)
      tpu.yield
    }) : () -> ()
    %barrier3A_221 = arith.constant 0 : index
    tpu.barrier barrier_id(%barrier3A_221)
    %scan3A_222 = arith.constant 0 : i32
    %scan3A_223 = arith.constant 0 : i32
    %scan3A_224 = arith.constant 40 : i32
    %scan3A_225 = arith.addi %scan3A_223, %scan3A_224 : i32
    %scan3A_226 = arith.constant 1 : i32
    scf.for %scan3A_228 = %scan3A_223 to %scan3A_225 step %scan3A_226  : i32 {
      %mul3A_229 = arith.constant 16 : i32
      %mul3A_230 = arith.muli %scan3A_228, %mul3A_229 : i32
      %add3A_231 = arith.addi %mul3A_2, %mul3A_230 : i32
      "tpu.region"() ({
        %run_scoped3A = tpu.sem_alloc : memref<!tpu.dma_semaphore, #tpu.memory_space<semaphore_mem>>
        %dma_start3A_232 = arith.constant 0 : i32
        %dma_start3A_233 = arith.constant 0 : i32
        %dma_start3A_234 = tpu.memref_slice %arg6[%dma_start3A_232, %dma_start3A_233] : memref<128x128xf32, #tpu.memory_space<vmem>> -> memref<16x128xf32, #tpu.memory_space<vmem>>
        %dma_start3A_235 = arith.constant 0 : i32
        %dma_start3A_236 = tpu.memref_slice %arg12[%add3A_231, %dma_start3A_235] : memref<10240x128xf32, #tpu.memory_space<vmem_shared>> -> memref<16x128xf32, #tpu.memory_space<vmem_shared>>
        %dma_start3A_237 = arith.constant 0 : i32
        %dma_start3A_238 = arith.constant 0 : i32
        %dma_start3A_239 = tpu.memref_slice %arg6[%dma_start3A_237, %dma_start3A_238] : memref<128x128xf32, #tpu.memory_space<vmem>> -> memref<16x128xf32, #tpu.memory_space<vmem>>
        %dma_start3A_240 = arith.constant 0 : i32
        %dma_start3A_241 = tpu.memref_slice %arg12[%add3A_231, %dma_start3A_240] : memref<10240x128xf32, #tpu.memory_space<vmem_shared>> -> memref<16x128xf32, #tpu.memory_space<vmem_shared>>
        tpu.enqueue_dma source(%dma_start3A_241 : memref<16x128xf32, #tpu.memory_space<vmem_shared>>) target(%dma_start3A_239 : memref<16x128xf32, #tpu.memory_space<vmem>>) target_semaphore(%run_scoped3A : memref<!tpu.dma_semaphore, #tpu.memory_space<semaphore_mem>>)
        %dma_wait3A_242 = arith.constant 0 : i32
        %dma_wait3A_243 = arith.constant 0 : i32
        %dma_wait3A_244 = tpu.memref_slice %arg6[%dma_wait3A_242, %dma_wait3A_243] : memref<128x128xf32, #tpu.memory_space<vmem>> -> memref<16x128xf32, #tpu.memory_space<vmem>>
        %dma_wait3A_245 = arith.constant 0 : i32
        %dma_wait3A_246 = tpu.memref_slice %arg12[%add3A_231, %dma_wait3A_245] : memref<10240x128xf32, #tpu.memory_space<vmem_shared>> -> memref<16x128xf32, #tpu.memory_space<vmem_shared>>
        %dma_wait3A_247 = arith.constant 0 : i32
        %dma_wait3A_248 = arith.constant 0 : i32
        %dma_wait3A_249 = tpu.memref_slice %arg6[%dma_wait3A_247, %dma_wait3A_248] : memref<128x128xf32, #tpu.memory_space<vmem>> -> memref<16x128xf32, #tpu.memory_space<vmem>>
        %dma_wait3A_250 = arith.constant 0 : i32
        %dma_wait3A_251 = tpu.memref_slice %arg12[%add3A_231, %dma_wait3A_250] : memref<10240x128xf32, #tpu.memory_space<vmem_shared>> -> memref<16x128xf32, #tpu.memory_space<vmem_shared>>
        tpu.wait_dma2 semaphore(%run_scoped3A : memref<!tpu.dma_semaphore, #tpu.memory_space<semaphore_mem>>) src(%dma_wait3A_251 : memref<16x128xf32, #tpu.memory_space<vmem_shared>>) dst(%dma_wait3A_249 : memref<16x128xf32, #tpu.memory_space<vmem>>)
        tpu.yield
      }) : () -> ()
      "tpu.region"() ({
        %run_scoped3A = tpu.sem_alloc : memref<!tpu.dma_semaphore, #tpu.memory_space<semaphore_mem>>
        %dma_start3A_232 = arith.constant 0 : i32
        %dma_start3A_233 = arith.constant 0 : i32
        %dma_start3A_234 = tpu.memref_slice %arg6[%dma_start3A_232, %dma_start3A_233] : memref<128x128xf32, #tpu.memory_space<vmem>> -> memref<16x128xf32, #tpu.memory_space<vmem>>
        %dma_start3A_235 = arith.constant 0 : i32
        %dma_start3A_236 = tpu.memref_slice %arg4[%arg0, %add3A_231, %dma_start3A_235] : memref<2x10240x128xf32, #tpu.memory_space<hbm>> -> memref<1x16x128xf32, #tpu.memory_space<hbm>>
        %dma_start3A_237 = tpu.memref_squeeze %dma_start3A_236 : memref<1x16x128xf32, #tpu.memory_space<hbm>> -> memref<16x128xf32, #tpu.memory_space<hbm>>
        %dma_start3A_238 = arith.constant 0 : i32
        %dma_start3A_239 = tpu.memref_slice %arg4[%arg0, %add3A_231, %dma_start3A_238] : memref<2x10240x128xf32, #tpu.memory_space<hbm>> -> memref<1x16x128xf32, #tpu.memory_space<hbm>>
        %dma_start3A_240 = tpu.memref_squeeze %dma_start3A_239 : memref<1x16x128xf32, #tpu.memory_space<hbm>> -> memref<16x128xf32, #tpu.memory_space<hbm>>
        %dma_start3A_241 = arith.constant 0 : i32
        %dma_start3A_242 = arith.constant 0 : i32
        %dma_start3A_243 = tpu.memref_slice %arg6[%dma_start3A_241, %dma_start3A_242] : memref<128x128xf32, #tpu.memory_space<vmem>> -> memref<16x128xf32, #tpu.memory_space<vmem>>
        tpu.enqueue_dma source(%dma_start3A_243 : memref<16x128xf32, #tpu.memory_space<vmem>>) target(%dma_start3A_240 : memref<16x128xf32, #tpu.memory_space<hbm>>) target_semaphore(%run_scoped3A : memref<!tpu.dma_semaphore, #tpu.memory_space<semaphore_mem>>)
        %dma_wait3A_244 = arith.constant 0 : i32
        %dma_wait3A_245 = arith.constant 0 : i32
        %dma_wait3A_246 = tpu.memref_slice %arg6[%dma_wait3A_244, %dma_wait3A_245] : memref<128x128xf32, #tpu.memory_space<vmem>> -> memref<16x128xf32, #tpu.memory_space<vmem>>
        %dma_wait3A_247 = arith.constant 0 : i32
        %dma_wait3A_248 = tpu.memref_slice %arg4[%arg0, %add3A_231, %dma_wait3A_247] : memref<2x10240x128xf32, #tpu.memory_space<hbm>> -> memref<1x16x128xf32, #tpu.memory_space<hbm>>
        %dma_wait3A_249 = tpu.memref_squeeze %dma_wait3A_248 : memref<1x16x128xf32, #tpu.memory_space<hbm>> -> memref<16x128xf32, #tpu.memory_space<hbm>>
        %dma_wait3A_250 = arith.constant 0 : i32
        %dma_wait3A_251 = tpu.memref_slice %arg4[%arg0, %add3A_231, %dma_wait3A_250] : memref<2x10240x128xf32, #tpu.memory_space<hbm>> -> memref<1x16x128xf32, #tpu.memory_space<hbm>>
        %dma_wait3A_252 = tpu.memref_squeeze %dma_wait3A_251 : memref<1x16x128xf32, #tpu.memory_space<hbm>> -> memref<16x128xf32, #tpu.memory_space<hbm>>
        %dma_wait3A_253 = arith.constant 0 : i32
        %dma_wait3A_254 = arith.constant 0 : i32
        %dma_wait3A_255 = tpu.memref_slice %arg6[%dma_wait3A_253, %dma_wait3A_254] : memref<128x128xf32, #tpu.memory_space<vmem>> -> memref<16x128xf32, #tpu.memory_space<vmem>>
        tpu.wait_dma2 semaphore(%run_scoped3A : memref<!tpu.dma_semaphore, #tpu.memory_space<semaphore_mem>>) src(%dma_wait3A_255 : memref<16x128xf32, #tpu.memory_space<vmem>>) dst(%dma_wait3A_252 : memref<16x128xf32, #tpu.memory_space<hbm>>)
        tpu.yield
      }) : () -> ()
    }
    %scan3A_227 = arith.constant 40 : i32
    return
  }
}

#map = affine_map<(d0, d1) -> (0, 0)>
#map1 = affine_map<(d0, d1) -> (0, 0, 0)>
module attributes {stable_mosaic.version = 14 : i64} {
  func.func @body(%arg0: i32, %arg1: i32, %arg2: memref<10240x128xf32, #tpu.memory_space<hbm>>, %arg3: memref<32x10240xi32, #tpu.memory_space<hbm>>, %arg4: memref<2x10240x128xf32, #tpu.memory_space<hbm>>, %arg5: memref<2x16x640xf32, #tpu.memory_space<hbm>>, %arg6: memref<10240xi32, #tpu.memory_space<vmem>>, %arg7: memref<32x128xf32, #tpu.memory_space<vmem>>, %arg8: memref<32x128xf32, #tpu.memory_space<vmem>>, %arg9: memref<32xi32, #tpu.memory_space<vmem>>, %arg10: memref<32xi32, #tpu.memory_space<vmem>>, %arg11: memref<32xi32, #tpu.memory_space<vmem>>, %arg12: memref<32xi32, #tpu.memory_space<vmem>>, %arg13: memref<10240xf32, #tpu.memory_space<vmem>>, %arg14: memref<5x640xf32, #tpu.memory_space<vmem>>, %arg15: memref<10240x128xf32, #tpu.memory_space<vmem_shared>>, %arg16: memref<16x10240xf32, #tpu.memory_space<vmem_shared>>, %arg17: memref<!tpu.dma_semaphore, #tpu.memory_space<semaphore_mem>>, %arg18: memref<!tpu.dma_semaphore, #tpu.memory_space<semaphore_mem>>) attributes {dimension_semantics = [#tpu.dimension_semantics<core_parallel>, #tpu.dimension_semantics<subcore_parallel>], iteration_bounds = array<i64: 2, 16>, scalar_prefetch = 0 : i64, scratch_operands = 13 : i64, tpu.core_type = #tpu.core_type<sc_vector_subcore>, window_params = [{transform_indices = #map}, {transform_indices = #map}, {transform_indices = #map1}, {transform_indices = #map1}]} {
    %mul3A = arith.constant 16 : i32
    %mul3A_0 = arith.muli %arg0, %mul3A : i32
    %add3A = arith.addi %mul3A_0, %arg1 : i32
    %mul3A_1 = arith.constant 640 : i32
    %mul3A_2 = arith.muli %arg1, %mul3A_1 : i32
    %broadcast_in_dim3A = arith.constant 0.000000e+00 : f32
    %broadcast_in_dim3A_3 = vector.broadcast %broadcast_in_dim3A : f32 to vector<16xf32>
    %scan3A = arith.constant 0 : i32
    %scan3A_4 = arith.constant 0 : i32
    %scan3A_5 = arith.constant 16 : i32
    %scan3A_6 = arith.addi %scan3A_4, %scan3A_5 : i32
    %scan3A_7 = arith.constant 1 : i32
    scf.for %scan3A_114 = %scan3A_4 to %scan3A_6 step %scan3A_7  : i32 {
      %swap3A_115 = arith.index_cast %scan3A_114 : i32 to index
      %swap3A_116 = arith.constant 0 : index
      %swap3A_117 = tpu.vector_load %arg7[%swap3A_115, %swap3A_116] {strides = array<i32>} : memref<32x128xf32, #tpu.memory_space<vmem>>, vector<16xf32>,
      tpu.vector_store %arg7[%swap3A_115, %swap3A_116], %broadcast_in_dim3A_3 {strides = array<i32>} : memref<32x128xf32, #tpu.memory_space<vmem>>, vector<16xf32>,
      %swap3A_118 = arith.index_cast %scan3A_114 : i32 to index
      %swap3A_119 = arith.constant 16 : index
      %swap3A_120 = tpu.vector_load %arg7[%swap3A_118, %swap3A_119] {strides = array<i32>} : memref<32x128xf32, #tpu.memory_space<vmem>>, vector<16xf32>,
      tpu.vector_store %arg7[%swap3A_118, %swap3A_119], %broadcast_in_dim3A_3 {strides = array<i32>} : memref<32x128xf32, #tpu.memory_space<vmem>>, vector<16xf32>,
      %swap3A_121 = arith.index_cast %scan3A_114 : i32 to index
      %swap3A_122 = arith.constant 32 : index
      %swap3A_123 = tpu.vector_load %arg7[%swap3A_121, %swap3A_122] {strides = array<i32>} : memref<32x128xf32, #tpu.memory_space<vmem>>, vector<16xf32>,
      tpu.vector_store %arg7[%swap3A_121, %swap3A_122], %broadcast_in_dim3A_3 {strides = array<i32>} : memref<32x128xf32, #tpu.memory_space<vmem>>, vector<16xf32>,
      %swap3A_124 = arith.index_cast %scan3A_114 : i32 to index
      %swap3A_125 = arith.constant 48 : index
      %swap3A_126 = tpu.vector_load %arg7[%swap3A_124, %swap3A_125] {strides = array<i32>} : memref<32x128xf32, #tpu.memory_space<vmem>>, vector<16xf32>,
      tpu.vector_store %arg7[%swap3A_124, %swap3A_125], %broadcast_in_dim3A_3 {strides = array<i32>} : memref<32x128xf32, #tpu.memory_space<vmem>>, vector<16xf32>,
      %swap3A_127 = arith.index_cast %scan3A_114 : i32 to index
      %swap3A_128 = arith.constant 64 : index
      %swap3A_129 = tpu.vector_load %arg7[%swap3A_127, %swap3A_128] {strides = array<i32>} : memref<32x128xf32, #tpu.memory_space<vmem>>, vector<16xf32>,
      tpu.vector_store %arg7[%swap3A_127, %swap3A_128], %broadcast_in_dim3A_3 {strides = array<i32>} : memref<32x128xf32, #tpu.memory_space<vmem>>, vector<16xf32>,
      %swap3A_130 = arith.index_cast %scan3A_114 : i32 to index
      %swap3A_131 = arith.constant 80 : index
      %swap3A_132 = tpu.vector_load %arg7[%swap3A_130, %swap3A_131] {strides = array<i32>} : memref<32x128xf32, #tpu.memory_space<vmem>>, vector<16xf32>,
      tpu.vector_store %arg7[%swap3A_130, %swap3A_131], %broadcast_in_dim3A_3 {strides = array<i32>} : memref<32x128xf32, #tpu.memory_space<vmem>>, vector<16xf32>,
      %swap3A_133 = arith.index_cast %scan3A_114 : i32 to index
      %swap3A_134 = arith.constant 96 : index
      %swap3A_135 = tpu.vector_load %arg7[%swap3A_133, %swap3A_134] {strides = array<i32>} : memref<32x128xf32, #tpu.memory_space<vmem>>, vector<16xf32>,
      tpu.vector_store %arg7[%swap3A_133, %swap3A_134], %broadcast_in_dim3A_3 {strides = array<i32>} : memref<32x128xf32, #tpu.memory_space<vmem>>, vector<16xf32>,
      %swap3A_136 = arith.index_cast %scan3A_114 : i32 to index
      %swap3A_137 = arith.constant 112 : index
      %swap3A_138 = tpu.vector_load %arg7[%swap3A_136, %swap3A_137] {strides = array<i32>} : memref<32x128xf32, #tpu.memory_space<vmem>>, vector<16xf32>,
      tpu.vector_store %arg7[%swap3A_136, %swap3A_137], %broadcast_in_dim3A_3 {strides = array<i32>} : memref<32x128xf32, #tpu.memory_space<vmem>>, vector<16xf32>,
    }
    %scan3A_8 = arith.constant 16 : i32
    %scan3A_9 = arith.constant 0 : i32
    %scan3A_10 = arith.constant 0 : i32
    %scan3A_11 = arith.constant 40 : i32
    %scan3A_12 = arith.addi %scan3A_10, %scan3A_11 : i32
    %scan3A_13 = arith.constant 1 : i32
    scf.for %scan3A_114 = %scan3A_10 to %scan3A_12 step %scan3A_13  : i32 {
      %mul3A_115 = arith.constant 16 : i32
      %mul3A_116 = arith.muli %scan3A_114, %mul3A_115 : i32
      %add3A_117 = arith.addi %mul3A_2, %mul3A_116 : i32
      "tpu.region"() ({
        %run_scoped3A = tpu.sem_alloc : memref<!tpu.dma_semaphore, #tpu.memory_space<semaphore_mem>>
        %dma_start3A_118 = arith.constant 0 : i32
        %dma_start3A_119 = arith.constant 0 : i32
        %dma_start3A_120 = tpu.memref_slice %arg7[%dma_start3A_118, %dma_start3A_119] : memref<32x128xf32, #tpu.memory_space<vmem>> -> memref<16x128xf32, #tpu.memory_space<vmem>>
        %dma_start3A_121 = arith.constant 0 : i32
        %dma_start3A_122 = tpu.memref_slice %arg15[%add3A_117, %dma_start3A_121] : memref<10240x128xf32, #tpu.memory_space<vmem_shared>> -> memref<16x128xf32, #tpu.memory_space<vmem_shared>>
        %dma_start3A_123 = arith.constant 0 : i32
        %dma_start3A_124 = tpu.memref_slice %arg15[%add3A_117, %dma_start3A_123] : memref<10240x128xf32, #tpu.memory_space<vmem_shared>> -> memref<16x128xf32, #tpu.memory_space<vmem_shared>>
        %dma_start3A_125 = arith.constant 0 : i32
        %dma_start3A_126 = arith.constant 0 : i32
        %dma_start3A_127 = tpu.memref_slice %arg7[%dma_start3A_125, %dma_start3A_126] : memref<32x128xf32, #tpu.memory_space<vmem>> -> memref<16x128xf32, #tpu.memory_space<vmem>>
        tpu.enqueue_dma source(%dma_start3A_127 : memref<16x128xf32, #tpu.memory_space<vmem>>) target(%dma_start3A_124 : memref<16x128xf32, #tpu.memory_space<vmem_shared>>) target_semaphore(%run_scoped3A : memref<!tpu.dma_semaphore, #tpu.memory_space<semaphore_mem>>)
        %dma_wait3A_128 = arith.constant 0 : i32
        %dma_wait3A_129 = arith.constant 0 : i32
        %dma_wait3A_130 = tpu.memref_slice %arg7[%dma_wait3A_128, %dma_wait3A_129] : memref<32x128xf32, #tpu.memory_space<vmem>> -> memref<16x128xf32, #tpu.memory_space<vmem>>
        %dma_wait3A_131 = arith.constant 0 : i32
        %dma_wait3A_132 = tpu.memref_slice %arg15[%add3A_117, %dma_wait3A_131] : memref<10240x128xf32, #tpu.memory_space<vmem_shared>> -> memref<16x128xf32, #tpu.memory_space<vmem_shared>>
        %dma_wait3A_133 = arith.constant 0 : i32
        %dma_wait3A_134 = tpu.memref_slice %arg15[%add3A_117, %dma_wait3A_133] : memref<10240x128xf32, #tpu.memory_space<vmem_shared>> -> memref<16x128xf32, #tpu.memory_space<vmem_shared>>
        %dma_wait3A_135 = arith.constant 0 : i32
        %dma_wait3A_136 = arith.constant 0 : i32
        %dma_wait3A_137 = tpu.memref_slice %arg7[%dma_wait3A_135, %dma_wait3A_136] : memref<32x128xf32, #tpu.memory_space<vmem>> -> memref<16x128xf32, #tpu.memory_space<vmem>>
        tpu.wait_dma2 semaphore(%run_scoped3A : memref<!tpu.dma_semaphore, #tpu.memory_space<semaphore_mem>>) src(%dma_wait3A_137 : memref<16x128xf32, #tpu.memory_space<vmem>>) dst(%dma_wait3A_134 : memref<16x128xf32, #tpu.memory_space<vmem_shared>>)
        tpu.yield
      }) : () -> ()
    }
    %scan3A_14 = arith.constant 40 : i32
    %scan3A_15 = arith.constant 0 : i32
    %scan3A_16 = arith.constant 0 : i32
    %scan3A_17 = arith.constant 640 : i32
    %scan3A_18 = arith.addi %scan3A_16, %scan3A_17 : i32
    %scan3A_19 = arith.constant 1 : i32
    scf.for %scan3A_114 = %scan3A_16 to %scan3A_18 step %scan3A_19  : i32 {
      %mul3A_115 = arith.constant 16 : i32
      %mul3A_116 = arith.muli %scan3A_114, %mul3A_115 : i32
      %swap3A_117 = arith.index_cast %mul3A_116 : i32 to index
      %swap3A_118 = tpu.vector_load %arg13[%swap3A_117] {strides = array<i32>} : memref<10240xf32, #tpu.memory_space<vmem>>, vector<16xf32>,
      tpu.vector_store %arg13[%swap3A_117], %broadcast_in_dim3A_3 {strides = array<i32>} : memref<10240xf32, #tpu.memory_space<vmem>>, vector<16xf32>,
    }
    %scan3A_20 = arith.constant 640 : i32
    "tpu.region"() ({
      %run_scoped3A = tpu.sem_alloc : memref<!tpu.dma_semaphore, #tpu.memory_space<semaphore_mem>>
      %dma_start3A_114 = arith.constant 0 : i32
      %dma_start3A_115 = tpu.memref_slice %arg3[%add3A, %dma_start3A_114] : memref<32x10240xi32, #tpu.memory_space<hbm>> -> memref<1x10240xi32, #tpu.memory_space<hbm>>
      %dma_start3A_116 = tpu.memref_squeeze %dma_start3A_115 : memref<1x10240xi32, #tpu.memory_space<hbm>> -> memref<10240xi32, #tpu.memory_space<hbm>>
      %dma_start3A_117 = arith.constant 0 : i32
      %dma_start3A_118 = tpu.memref_slice %arg3[%add3A, %dma_start3A_117] : memref<32x10240xi32, #tpu.memory_space<hbm>> -> memref<1x10240xi32, #tpu.memory_space<hbm>>
      %dma_start3A_119 = tpu.memref_squeeze %dma_start3A_118 : memref<1x10240xi32, #tpu.memory_space<hbm>> -> memref<10240xi32, #tpu.memory_space<hbm>>
      tpu.enqueue_dma source(%dma_start3A_119 : memref<10240xi32, #tpu.memory_space<hbm>>) target(%arg6 : memref<10240xi32, #tpu.memory_space<vmem>>) target_semaphore(%run_scoped3A : memref<!tpu.dma_semaphore, #tpu.memory_space<semaphore_mem>>)
      %dma_wait3A_120 = arith.constant 0 : i32
      %dma_wait3A_121 = tpu.memref_slice %arg3[%add3A, %dma_wait3A_120] : memref<32x10240xi32, #tpu.memory_space<hbm>> -> memref<1x10240xi32, #tpu.memory_space<hbm>>
      %dma_wait3A_122 = tpu.memref_squeeze %dma_wait3A_121 : memref<1x10240xi32, #tpu.memory_space<hbm>> -> memref<10240xi32, #tpu.memory_space<hbm>>
      %dma_wait3A_123 = arith.constant 0 : i32
      %dma_wait3A_124 = tpu.memref_slice %arg3[%add3A, %dma_wait3A_123] : memref<32x10240xi32, #tpu.memory_space<hbm>> -> memref<1x10240xi32, #tpu.memory_space<hbm>>
      %dma_wait3A_125 = tpu.memref_squeeze %dma_wait3A_124 : memref<1x10240xi32, #tpu.memory_space<hbm>> -> memref<10240xi32, #tpu.memory_space<hbm>>
      tpu.wait_dma2 semaphore(%run_scoped3A : memref<!tpu.dma_semaphore, #tpu.memory_space<semaphore_mem>>) src(%dma_wait3A_125 : memref<10240xi32, #tpu.memory_space<hbm>>) dst(%arg6 : memref<10240xi32, #tpu.memory_space<vmem>>)
      tpu.yield
    }) : () -> ()
    %barrier3A = arith.constant 0 : index
    tpu.barrier barrier_id(%barrier3A)
    %broadcast_in_dim3A_21 = arith.constant 1.000000e+00 : f32
    %broadcast_in_dim3A_22 = vector.broadcast %broadcast_in_dim3A_21 : f32 to vector<16xf32>
    %get3A = arith.constant 0 : index
    %get3A_23 = tpu.vector_load %arg6[%get3A] {strides = array<i32>} : memref<10240xi32, #tpu.memory_space<vmem>>, vector<16xi32>,
    %shift_right_logical3A = arith.constant 16 : i32
    %shift_right_logical3A_24 = vector.broadcast %shift_right_logical3A : i32 to vector<16xi32>
    %shift_right_logical3A_25 = arith.shrui %get3A_23, %shift_right_logical3A_24 : vector<16xi32>
    %and3A = arith.constant 65535 : i32
    %and3A_26 = vector.broadcast %and3A : i32 to vector<16xi32>
    %and3A_27 = arith.andi %get3A_23, %and3A_26 : vector<16xi32>
    %swap3A = arith.constant 0 : index
    %swap3A_28 = tpu.vector_load %arg9[%swap3A] {strides = array<i32>} : memref<32xi32, #tpu.memory_space<vmem>>, vector<16xi32>,
    tpu.vector_store %arg9[%swap3A], %and3A_27 {strides = array<i32>} : memref<32xi32, #tpu.memory_space<vmem>>, vector<16xi32>,
    %swap3A_29 = arith.constant 0 : index
    %swap3A_30 = tpu.vector_load %arg10[%swap3A_29] {strides = array<i32>} : memref<32xi32, #tpu.memory_space<vmem>>, vector<16xi32>,
    tpu.vector_store %arg10[%swap3A_29], %shift_right_logical3A_25 {strides = array<i32>} : memref<32xi32, #tpu.memory_space<vmem>>, vector<16xi32>,
    tpu.vector_store_idx %arg13[%shift_right_logical3A_25], %broadcast_in_dim3A_22 {add = true} : memref<10240xf32, #tpu.memory_space<vmem>>[vector<16xi32>], vector<16xf32>,
    %get3A_31 = arith.constant 16 : index
    %get3A_32 = tpu.vector_load %arg6[%get3A_31] {strides = array<i32>} : memref<10240xi32, #tpu.memory_space<vmem>>, vector<16xi32>,
    %shift_right_logical3A_33 = arith.constant 16 : i32
    %shift_right_logical3A_34 = vector.broadcast %shift_right_logical3A_33 : i32 to vector<16xi32>
    %shift_right_logical3A_35 = arith.shrui %get3A_32, %shift_right_logical3A_34 : vector<16xi32>
    %and3A_36 = arith.constant 65535 : i32
    %and3A_37 = vector.broadcast %and3A_36 : i32 to vector<16xi32>
    %and3A_38 = arith.andi %get3A_32, %and3A_37 : vector<16xi32>
    %swap3A_39 = arith.constant 16 : index
    %swap3A_40 = tpu.vector_load %arg9[%swap3A_39] {strides = array<i32>} : memref<32xi32, #tpu.memory_space<vmem>>, vector<16xi32>,
    tpu.vector_store %arg9[%swap3A_39], %and3A_38 {strides = array<i32>} : memref<32xi32, #tpu.memory_space<vmem>>, vector<16xi32>,
    %swap3A_41 = arith.constant 16 : index
    %swap3A_42 = tpu.vector_load %arg10[%swap3A_41] {strides = array<i32>} : memref<32xi32, #tpu.memory_space<vmem>>, vector<16xi32>,
    tpu.vector_store %arg10[%swap3A_41], %shift_right_logical3A_35 {strides = array<i32>} : memref<32xi32, #tpu.memory_space<vmem>>, vector<16xi32>,
    tpu.vector_store_idx %arg13[%shift_right_logical3A_35], %broadcast_in_dim3A_22 {add = true} : memref<10240xf32, #tpu.memory_space<vmem>>[vector<16xi32>], vector<16xf32>,
    %dma_start3A = arith.constant 0 : i32
    %dma_start3A_43 = arith.constant 0 : i32
    %dma_start3A_44 = tpu.memref_slice %arg2[%dma_start3A, %dma_start3A_43] : memref<10240x128xf32, #tpu.memory_space<hbm>> -> memref<10240x128xf32, #tpu.memory_space<hbm>>
    tpu.enqueue_indirect_dma source(%dma_start3A_44 : memref<10240x128xf32, #tpu.memory_space<hbm>>) target(%arg7 : memref<32x128xf32, #tpu.memory_space<vmem>>) offsets(%arg9 : memref<32xi32, #tpu.memory_space<vmem>>) semaphore(%arg17 : memref<!tpu.dma_semaphore, #tpu.memory_space<semaphore_mem>>)
    %scan3A_45 = arith.constant 0 : i32
    %scan3A_46 = arith.constant 0 : i32
    %scan3A_47 = arith.constant 159 : i32
    %scan3A_48 = arith.addi %scan3A_46, %scan3A_47 : i32
    %scan3A_49 = arith.constant 1 : i32
    scf.for %scan3A_114 = %scan3A_46 to %scan3A_48 step %scan3A_49  : i32 {
      %mul3A_115 = arith.constant 2 : i32
      %mul3A_116 = arith.muli %mul3A_115, %scan3A_114 : i32
      %add3A_117 = arith.constant 1 : i32
      %add3A_118 = arith.addi %mul3A_116, %add3A_117 : i32
      %mul3A_119 = arith.constant 32 : i32
      %mul3A_120 = arith.muli %add3A_118, %mul3A_119 : i32
      %add3A_121 = arith.constant 0 : i32
      %add3A_122 = arith.addi %mul3A_120, %add3A_121 : i32
      %get3A_123 = arith.index_cast %add3A_122 : i32 to index
      %get3A_124 = tpu.vector_load %arg6[%get3A_123] {strides = array<i32>} : memref<10240xi32, #tpu.memory_space<vmem>>, vector<16xi32>,
      %shift_right_logical3A_125 = arith.constant 16 : i32
      %shift_right_logical3A_126 = vector.broadcast %shift_right_logical3A_125 : i32 to vector<16xi32>
      %shift_right_logical3A_127 = arith.shrui %get3A_124, %shift_right_logical3A_126 : vector<16xi32>
      %and3A_128 = arith.constant 65535 : i32
      %and3A_129 = vector.broadcast %and3A_128 : i32 to vector<16xi32>
      %and3A_130 = arith.andi %get3A_124, %and3A_129 : vector<16xi32>
      %swap3A_131 = arith.constant 0 : index
      %swap3A_132 = tpu.vector_load %arg11[%swap3A_131] {strides = array<i32>} : memref<32xi32, #tpu.memory_space<vmem>>, vector<16xi32>,
      tpu.vector_store %arg11[%swap3A_131], %and3A_130 {strides = array<i32>} : memref<32xi32, #tpu.memory_space<vmem>>, vector<16xi32>,
      %swap3A_133 = arith.constant 0 : index
      %swap3A_134 = tpu.vector_load %arg12[%swap3A_133] {strides = array<i32>} : memref<32xi32, #tpu.memory_space<vmem>>, vector<16xi32>,
      tpu.vector_store %arg12[%swap3A_133], %shift_right_logical3A_127 {strides = array<i32>} : memref<32xi32, #tpu.memory_space<vmem>>, vector<16xi32>,
      tpu.vector_store_idx %arg13[%shift_right_logical3A_127], %broadcast_in_dim3A_22 {add = true} : memref<10240xf32, #tpu.memory_space<vmem>>[vector<16xi32>], vector<16xf32>,
      %mul3A_135 = arith.constant 32 : i32
      %mul3A_136 = arith.muli %add3A_118, %mul3A_135 : i32
      %add3A_137 = arith.constant 16 : i32
      %add3A_138 = arith.addi %mul3A_136, %add3A_137 : i32
      %get3A_139 = arith.index_cast %add3A_138 : i32 to index
      %get3A_140 = tpu.vector_load %arg6[%get3A_139] {strides = array<i32>} : memref<10240xi32, #tpu.memory_space<vmem>>, vector<16xi32>,
      %shift_right_logical3A_141 = arith.constant 16 : i32
      %shift_right_logical3A_142 = vector.broadcast %shift_right_logical3A_141 : i32 to vector<16xi32>
      %shift_right_logical3A_143 = arith.shrui %get3A_140, %shift_right_logical3A_142 : vector<16xi32>
      %and3A_144 = arith.constant 65535 : i32
      %and3A_145 = vector.broadcast %and3A_144 : i32 to vector<16xi32>
      %and3A_146 = arith.andi %get3A_140, %and3A_145 : vector<16xi32>
      %swap3A_147 = arith.constant 16 : index
      %swap3A_148 = tpu.vector_load %arg11[%swap3A_147] {strides = array<i32>} : memref<32xi32, #tpu.memory_space<vmem>>, vector<16xi32>,
      tpu.vector_store %arg11[%swap3A_147], %and3A_146 {strides = array<i32>} : memref<32xi32, #tpu.memory_space<vmem>>, vector<16xi32>,
      %swap3A_149 = arith.constant 16 : index
      %swap3A_150 = tpu.vector_load %arg12[%swap3A_149] {strides = array<i32>} : memref<32xi32, #tpu.memory_space<vmem>>, vector<16xi32>,
      tpu.vector_store %arg12[%swap3A_149], %shift_right_logical3A_143 {strides = array<i32>} : memref<32xi32, #tpu.memory_space<vmem>>, vector<16xi32>,
      tpu.vector_store_idx %arg13[%shift_right_logical3A_143], %broadcast_in_dim3A_22 {add = true} : memref<10240xf32, #tpu.memory_space<vmem>>[vector<16xi32>], vector<16xf32>,
      %dma_start3A_151 = arith.constant 0 : i32
      %dma_start3A_152 = arith.constant 0 : i32
      %dma_start3A_153 = tpu.memref_slice %arg2[%dma_start3A_151, %dma_start3A_152] : memref<10240x128xf32, #tpu.memory_space<hbm>> -> memref<10240x128xf32, #tpu.memory_space<hbm>>
      tpu.enqueue_indirect_dma source(%dma_start3A_153 : memref<10240x128xf32, #tpu.memory_space<hbm>>) target(%arg8 : memref<32x128xf32, #tpu.memory_space<vmem>>) offsets(%arg11 : memref<32xi32, #tpu.memory_space<vmem>>) semaphore(%arg18 : memref<!tpu.dma_semaphore, #tpu.memory_space<semaphore_mem>>)
      %dma_wait3A_154 = arith.constant 0 : i32
      %dma_wait3A_155 = arith.constant 0 : i32
      %dma_wait3A_156 = tpu.memref_slice %arg2[%dma_wait3A_154, %dma_wait3A_155] : memref<10240x128xf32, #tpu.memory_space<hbm>> -> memref<10240x128xf32, #tpu.memory_space<hbm>>
      tpu.wait_indirect_dma semaphore(%arg17 : memref<!tpu.dma_semaphore, #tpu.memory_space<semaphore_mem>>) src(%dma_wait3A_156 : memref<10240x128xf32, #tpu.memory_space<hbm>>) dst(%arg7 : memref<32x128xf32, #tpu.memory_space<vmem>>)
      "tpu.region"() ({
        %run_scoped3A = tpu.sem_alloc : memref<!tpu.dma_semaphore, #tpu.memory_space<semaphore_mem>>
        %dma_start3A_197 = arith.constant 0 : i32
        %dma_start3A_198 = arith.constant 0 : i32
        %dma_start3A_199 = tpu.memref_slice %arg15[%dma_start3A_197, %dma_start3A_198] : memref<10240x128xf32, #tpu.memory_space<vmem_shared>> -> memref<10240x128xf32, #tpu.memory_space<vmem_shared>>
        tpu.enqueue_indirect_dma source(%arg7 : memref<32x128xf32, #tpu.memory_space<vmem>>) target(%dma_start3A_199 : memref<10240x128xf32, #tpu.memory_space<vmem_shared>>) offsets(%arg10 : memref<32xi32, #tpu.memory_space<vmem>>) semaphore(%run_scoped3A : memref<!tpu.dma_semaphore, #tpu.memory_space<semaphore_mem>>) {add = true}
        %dma_wait3A_200 = arith.constant 0 : i32
        %dma_wait3A_201 = arith.constant 0 : i32
        %dma_wait3A_202 = tpu.memref_slice %arg15[%dma_wait3A_200, %dma_wait3A_201] : memref<10240x128xf32, #tpu.memory_space<vmem_shared>> -> memref<10240x128xf32, #tpu.memory_space<vmem_shared>>
        tpu.wait_indirect_dma semaphore(%run_scoped3A : memref<!tpu.dma_semaphore, #tpu.memory_space<semaphore_mem>>) src(%arg7 : memref<32x128xf32, #tpu.memory_space<vmem>>) dst(%dma_wait3A_202 : memref<10240x128xf32, #tpu.memory_space<vmem_shared>>)
        tpu.yield
      }) : () -> ()
      %add3A_157 = arith.constant 2 : i32
      %add3A_158 = arith.addi %mul3A_116, %add3A_157 : i32
      %mul3A_159 = arith.constant 32 : i32
      %mul3A_160 = arith.muli %add3A_158, %mul3A_159 : i32
      %add3A_161 = arith.constant 0 : i32
      %add3A_162 = arith.addi %mul3A_160, %add3A_161 : i32
      %get3A_163 = arith.index_cast %add3A_162 : i32 to index
      %get3A_164 = tpu.vector_load %arg6[%get3A_163] {strides = array<i32>} : memref<10240xi32, #tpu.memory_space<vmem>>, vector<16xi32>,
      %shift_right_logical3A_165 = arith.constant 16 : i32
      %shift_right_logical3A_166 = vector.broadcast %shift_right_logical3A_165 : i32 to vector<16xi32>
      %shift_right_logical3A_167 = arith.shrui %get3A_164, %shift_right_logical3A_166 : vector<16xi32>
      %and3A_168 = arith.constant 65535 : i32
      %and3A_169 = vector.broadcast %and3A_168 : i32 to vector<16xi32>
      %and3A_170 = arith.andi %get3A_164, %and3A_169 : vector<16xi32>
      %swap3A_171 = arith.constant 0 : index
      %swap3A_172 = tpu.vector_load %arg9[%swap3A_171] {strides = array<i32>} : memref<32xi32, #tpu.memory_space<vmem>>, vector<16xi32>,
      tpu.vector_store %arg9[%swap3A_171], %and3A_170 {strides = array<i32>} : memref<32xi32, #tpu.memory_space<vmem>>, vector<16xi32>,
      %swap3A_173 = arith.constant 0 : index
      %swap3A_174 = tpu.vector_load %arg10[%swap3A_173] {strides = array<i32>} : memref<32xi32, #tpu.memory_space<vmem>>, vector<16xi32>,
      tpu.vector_store %arg10[%swap3A_173], %shift_right_logical3A_167 {strides = array<i32>} : memref<32xi32, #tpu.memory_space<vmem>>, vector<16xi32>,
      tpu.vector_store_idx %arg13[%shift_right_logical3A_167], %broadcast_in_dim3A_22 {add = true} : memref<10240xf32, #tpu.memory_space<vmem>>[vector<16xi32>], vector<16xf32>,
      %mul3A_175 = arith.constant 32 : i32
      %mul3A_176 = arith.muli %add3A_158, %mul3A_175 : i32
      %add3A_177 = arith.constant 16 : i32
      %add3A_178 = arith.addi %mul3A_176, %add3A_177 : i32
      %get3A_179 = arith.index_cast %add3A_178 : i32 to index
      %get3A_180 = tpu.vector_load %arg6[%get3A_179] {strides = array<i32>} : memref<10240xi32, #tpu.memory_space<vmem>>, vector<16xi32>,
      %shift_right_logical3A_181 = arith.constant 16 : i32
      %shift_right_logical3A_182 = vector.broadcast %shift_right_logical3A_181 : i32 to vector<16xi32>
      %shift_right_logical3A_183 = arith.shrui %get3A_180, %shift_right_logical3A_182 : vector<16xi32>
      %and3A_184 = arith.constant 65535 : i32
      %and3A_185 = vector.broadcast %and3A_184 : i32 to vector<16xi32>
      %and3A_186 = arith.andi %get3A_180, %and3A_185 : vector<16xi32>
      %swap3A_187 = arith.constant 16 : index
      %swap3A_188 = tpu.vector_load %arg9[%swap3A_187] {strides = array<i32>} : memref<32xi32, #tpu.memory_space<vmem>>, vector<16xi32>,
      tpu.vector_store %arg9[%swap3A_187], %and3A_186 {strides = array<i32>} : memref<32xi32, #tpu.memory_space<vmem>>, vector<16xi32>,
      %swap3A_189 = arith.constant 16 : index
      %swap3A_190 = tpu.vector_load %arg10[%swap3A_189] {strides = array<i32>} : memref<32xi32, #tpu.memory_space<vmem>>, vector<16xi32>,
      tpu.vector_store %arg10[%swap3A_189], %shift_right_logical3A_183 {strides = array<i32>} : memref<32xi32, #tpu.memory_space<vmem>>, vector<16xi32>,
      tpu.vector_store_idx %arg13[%shift_right_logical3A_183], %broadcast_in_dim3A_22 {add = true} : memref<10240xf32, #tpu.memory_space<vmem>>[vector<16xi32>], vector<16xf32>,
      %dma_start3A_191 = arith.constant 0 : i32
      %dma_start3A_192 = arith.constant 0 : i32
      %dma_start3A_193 = tpu.memref_slice %arg2[%dma_start3A_191, %dma_start3A_192] : memref<10240x128xf32, #tpu.memory_space<hbm>> -> memref<10240x128xf32, #tpu.memory_space<hbm>>
      tpu.enqueue_indirect_dma source(%dma_start3A_193 : memref<10240x128xf32, #tpu.memory_space<hbm>>) target(%arg7 : memref<32x128xf32, #tpu.memory_space<vmem>>) offsets(%arg9 : memref<32xi32, #tpu.memory_space<vmem>>) semaphore(%arg17 : memref<!tpu.dma_semaphore, #tpu.memory_space<semaphore_mem>>)
      %dma_wait3A_194 = arith.constant 0 : i32
      %dma_wait3A_195 = arith.constant 0 : i32
      %dma_wait3A_196 = tpu.memref_slice %arg2[%dma_wait3A_194, %dma_wait3A_195] : memref<10240x128xf32, #tpu.memory_space<hbm>> -> memref<10240x128xf32, #tpu.memory_space<hbm>>
      tpu.wait_indirect_dma semaphore(%arg18 : memref<!tpu.dma_semaphore, #tpu.memory_space<semaphore_mem>>) src(%dma_wait3A_196 : memref<10240x128xf32, #tpu.memory_space<hbm>>) dst(%arg8 : memref<32x128xf32, #tpu.memory_space<vmem>>)
      "tpu.region"() ({
        %run_scoped3A = tpu.sem_alloc : memref<!tpu.dma_semaphore, #tpu.memory_space<semaphore_mem>>
        %dma_start3A_197 = arith.constant 0 : i32
        %dma_start3A_198 = arith.constant 0 : i32
        %dma_start3A_199 = tpu.memref_slice %arg15[%dma_start3A_197, %dma_start3A_198] : memref<10240x128xf32, #tpu.memory_space<vmem_shared>> -> memref<10240x128xf32, #tpu.memory_space<vmem_shared>>
        tpu.enqueue_indirect_dma source(%arg8 : memref<32x128xf32, #tpu.memory_space<vmem>>) target(%dma_start3A_199 : memref<10240x128xf32, #tpu.memory_space<vmem_shared>>) offsets(%arg12 : memref<32xi32, #tpu.memory_space<vmem>>) semaphore(%run_scoped3A : memref<!tpu.dma_semaphore, #tpu.memory_space<semaphore_mem>>) {add = true}
        %dma_wait3A_200 = arith.constant 0 : i32
        %dma_wait3A_201 = arith.constant 0 : i32
        %dma_wait3A_202 = tpu.memref_slice %arg15[%dma_wait3A_200, %dma_wait3A_201] : memref<10240x128xf32, #tpu.memory_space<vmem_shared>> -> memref<10240x128xf32, #tpu.memory_space<vmem_shared>>
        tpu.wait_indirect_dma semaphore(%run_scoped3A : memref<!tpu.dma_semaphore, #tpu.memory_space<semaphore_mem>>) src(%arg8 : memref<32x128xf32, #tpu.memory_space<vmem>>) dst(%dma_wait3A_202 : memref<10240x128xf32, #tpu.memory_space<vmem_shared>>)
        tpu.yield
      }) : () -> ()
    }
    %scan3A_50 = arith.constant 159 : i32
    %get3A_51 = arith.constant 10208 : index
    %get3A_52 = tpu.vector_load %arg6[%get3A_51] {strides = array<i32>} : memref<10240xi32, #tpu.memory_space<vmem>>, vector<16xi32>,
    %shift_right_logical3A_53 = arith.constant 16 : i32
    %shift_right_logical3A_54 = vector.broadcast %shift_right_logical3A_53 : i32 to vector<16xi32>
    %shift_right_logical3A_55 = arith.shrui %get3A_52, %shift_right_logical3A_54 : vector<16xi32>
    %and3A_56 = arith.constant 65535 : i32
    %and3A_57 = vector.broadcast %and3A_56 : i32 to vector<16xi32>
    %and3A_58 = arith.andi %get3A_52, %and3A_57 : vector<16xi32>
    %swap3A_59 = arith.constant 0 : index
    %swap3A_60 = tpu.vector_load %arg11[%swap3A_59] {strides = array<i32>} : memref<32xi32, #tpu.memory_space<vmem>>, vector<16xi32>,
    tpu.vector_store %arg11[%swap3A_59], %and3A_58 {strides = array<i32>} : memref<32xi32, #tpu.memory_space<vmem>>, vector<16xi32>,
    %swap3A_61 = arith.constant 0 : index
    %swap3A_62 = tpu.vector_load %arg12[%swap3A_61] {strides = array<i32>} : memref<32xi32, #tpu.memory_space<vmem>>, vector<16xi32>,
    tpu.vector_store %arg12[%swap3A_61], %shift_right_logical3A_55 {strides = array<i32>} : memref<32xi32, #tpu.memory_space<vmem>>, vector<16xi32>,
    tpu.vector_store_idx %arg13[%shift_right_logical3A_55], %broadcast_in_dim3A_22 {add = true} : memref<10240xf32, #tpu.memory_space<vmem>>[vector<16xi32>], vector<16xf32>,
    %get3A_63 = arith.constant 10224 : index
    %get3A_64 = tpu.vector_load %arg6[%get3A_63] {strides = array<i32>} : memref<10240xi32, #tpu.memory_space<vmem>>, vector<16xi32>,
    %shift_right_logical3A_65 = arith.constant 16 : i32
    %shift_right_logical3A_66 = vector.broadcast %shift_right_logical3A_65 : i32 to vector<16xi32>
    %shift_right_logical3A_67 = arith.shrui %get3A_64, %shift_right_logical3A_66 : vector<16xi32>
    %and3A_68 = arith.constant 65535 : i32
    %and3A_69 = vector.broadcast %and3A_68 : i32 to vector<16xi32>
    %and3A_70 = arith.andi %get3A_64, %and3A_69 : vector<16xi32>
    %swap3A_71 = arith.constant 16 : index
    %swap3A_72 = tpu.vector_load %arg11[%swap3A_71] {strides = array<i32>} : memref<32xi32, #tpu.memory_space<vmem>>, vector<16xi32>,
    tpu.vector_store %arg11[%swap3A_71], %and3A_70 {strides = array<i32>} : memref<32xi32, #tpu.memory_space<vmem>>, vector<16xi32>,
    %swap3A_73 = arith.constant 16 : index
    %swap3A_74 = tpu.vector_load %arg12[%swap3A_73] {strides = array<i32>} : memref<32xi32, #tpu.memory_space<vmem>>, vector<16xi32>,
    tpu.vector_store %arg12[%swap3A_73], %shift_right_logical3A_67 {strides = array<i32>} : memref<32xi32, #tpu.memory_space<vmem>>, vector<16xi32>,
    tpu.vector_store_idx %arg13[%shift_right_logical3A_67], %broadcast_in_dim3A_22 {add = true} : memref<10240xf32, #tpu.memory_space<vmem>>[vector<16xi32>], vector<16xf32>,
    %dma_start3A_75 = arith.constant 0 : i32
    %dma_start3A_76 = arith.constant 0 : i32
    %dma_start3A_77 = tpu.memref_slice %arg2[%dma_start3A_75, %dma_start3A_76] : memref<10240x128xf32, #tpu.memory_space<hbm>> -> memref<10240x128xf32, #tpu.memory_space<hbm>>
    tpu.enqueue_indirect_dma source(%dma_start3A_77 : memref<10240x128xf32, #tpu.memory_space<hbm>>) target(%arg8 : memref<32x128xf32, #tpu.memory_space<vmem>>) offsets(%arg11 : memref<32xi32, #tpu.memory_space<vmem>>) semaphore(%arg18 : memref<!tpu.dma_semaphore, #tpu.memory_space<semaphore_mem>>)
    %dma_wait3A = arith.constant 0 : i32
    %dma_wait3A_78 = arith.constant 0 : i32
    %dma_wait3A_79 = tpu.memref_slice %arg2[%dma_wait3A, %dma_wait3A_78] : memref<10240x128xf32, #tpu.memory_space<hbm>> -> memref<10240x128xf32, #tpu.memory_space<hbm>>
    tpu.wait_indirect_dma semaphore(%arg17 : memref<!tpu.dma_semaphore, #tpu.memory_space<semaphore_mem>>) src(%dma_wait3A_79 : memref<10240x128xf32, #tpu.memory_space<hbm>>) dst(%arg7 : memref<32x128xf32, #tpu.memory_space<vmem>>)
    "tpu.region"() ({
      %run_scoped3A = tpu.sem_alloc : memref<!tpu.dma_semaphore, #tpu.memory_space<semaphore_mem>>
      %dma_start3A_114 = arith.constant 0 : i32
      %dma_start3A_115 = arith.constant 0 : i32
      %dma_start3A_116 = tpu.memref_slice %arg15[%dma_start3A_114, %dma_start3A_115] : memref<10240x128xf32, #tpu.memory_space<vmem_shared>> -> memref<10240x128xf32, #tpu.memory_space<vmem_shared>>
      tpu.enqueue_indirect_dma source(%arg7 : memref<32x128xf32, #tpu.memory_space<vmem>>) target(%dma_start3A_116 : memref<10240x128xf32, #tpu.memory_space<vmem_shared>>) offsets(%arg10 : memref<32xi32, #tpu.memory_space<vmem>>) semaphore(%run_scoped3A : memref<!tpu.dma_semaphore, #tpu.memory_space<semaphore_mem>>) {add = true}
      %dma_wait3A_117 = arith.constant 0 : i32
      %dma_wait3A_118 = arith.constant 0 : i32
      %dma_wait3A_119 = tpu.memref_slice %arg15[%dma_wait3A_117, %dma_wait3A_118] : memref<10240x128xf32, #tpu.memory_space<vmem_shared>> -> memref<10240x128xf32, #tpu.memory_space<vmem_shared>>
      tpu.wait_indirect_dma semaphore(%run_scoped3A : memref<!tpu.dma_semaphore, #tpu.memory_space<semaphore_mem>>) src(%arg7 : memref<32x128xf32, #tpu.memory_space<vmem>>) dst(%dma_wait3A_119 : memref<10240x128xf32, #tpu.memory_space<vmem_shared>>)
      tpu.yield
    }) : () -> ()
    %dma_wait3A_80 = arith.constant 0 : i32
    %dma_wait3A_81 = arith.constant 0 : i32
    %dma_wait3A_82 = tpu.memref_slice %arg2[%dma_wait3A_80, %dma_wait3A_81] : memref<10240x128xf32, #tpu.memory_space<hbm>> -> memref<10240x128xf32, #tpu.memory_space<hbm>>
    tpu.wait_indirect_dma semaphore(%arg18 : memref<!tpu.dma_semaphore, #tpu.memory_space<semaphore_mem>>) src(%dma_wait3A_82 : memref<10240x128xf32, #tpu.memory_space<hbm>>) dst(%arg8 : memref<32x128xf32, #tpu.memory_space<vmem>>)
    "tpu.region"() ({
      %run_scoped3A = tpu.sem_alloc : memref<!tpu.dma_semaphore, #tpu.memory_space<semaphore_mem>>
      %dma_start3A_114 = arith.constant 0 : i32
      %dma_start3A_115 = arith.constant 0 : i32
      %dma_start3A_116 = tpu.memref_slice %arg15[%dma_start3A_114, %dma_start3A_115] : memref<10240x128xf32, #tpu.memory_space<vmem_shared>> -> memref<10240x128xf32, #tpu.memory_space<vmem_shared>>
      tpu.enqueue_indirect_dma source(%arg8 : memref<32x128xf32, #tpu.memory_space<vmem>>) target(%dma_start3A_116 : memref<10240x128xf32, #tpu.memory_space<vmem_shared>>) offsets(%arg12 : memref<32xi32, #tpu.memory_space<vmem>>) semaphore(%run_scoped3A : memref<!tpu.dma_semaphore, #tpu.memory_space<semaphore_mem>>) {add = true}
      %dma_wait3A_117 = arith.constant 0 : i32
      %dma_wait3A_118 = arith.constant 0 : i32
      %dma_wait3A_119 = tpu.memref_slice %arg15[%dma_wait3A_117, %dma_wait3A_118] : memref<10240x128xf32, #tpu.memory_space<vmem_shared>> -> memref<10240x128xf32, #tpu.memory_space<vmem_shared>>
      tpu.wait_indirect_dma semaphore(%run_scoped3A : memref<!tpu.dma_semaphore, #tpu.memory_space<semaphore_mem>>) src(%arg8 : memref<32x128xf32, #tpu.memory_space<vmem>>) dst(%dma_wait3A_119 : memref<10240x128xf32, #tpu.memory_space<vmem_shared>>)
      tpu.yield
    }) : () -> ()
    "tpu.region"() ({
      %run_scoped3A = tpu.sem_alloc : memref<!tpu.dma_semaphore, #tpu.memory_space<semaphore_mem>>
      %dma_start3A_114 = arith.constant 0 : i32
      %dma_start3A_115 = tpu.memref_slice %arg16[%arg1, %dma_start3A_114] : memref<16x10240xf32, #tpu.memory_space<vmem_shared>> -> memref<1x10240xf32, #tpu.memory_space<vmem_shared>>
      %dma_start3A_116 = tpu.memref_squeeze %dma_start3A_115 : memref<1x10240xf32, #tpu.memory_space<vmem_shared>> -> memref<10240xf32, #tpu.memory_space<vmem_shared>>
      %dma_start3A_117 = arith.constant 0 : i32
      %dma_start3A_118 = tpu.memref_slice %arg16[%arg1, %dma_start3A_117] : memref<16x10240xf32, #tpu.memory_space<vmem_shared>> -> memref<1x10240xf32, #tpu.memory_space<vmem_shared>>
      %dma_start3A_119 = tpu.memref_squeeze %dma_start3A_118 : memref<1x10240xf32, #tpu.memory_space<vmem_shared>> -> memref<10240xf32, #tpu.memory_space<vmem_shared>>
      tpu.enqueue_dma source(%arg13 : memref<10240xf32, #tpu.memory_space<vmem>>) target(%dma_start3A_119 : memref<10240xf32, #tpu.memory_space<vmem_shared>>) target_semaphore(%run_scoped3A : memref<!tpu.dma_semaphore, #tpu.memory_space<semaphore_mem>>)
      %dma_wait3A_120 = arith.constant 0 : i32
      %dma_wait3A_121 = tpu.memref_slice %arg16[%arg1, %dma_wait3A_120] : memref<16x10240xf32, #tpu.memory_space<vmem_shared>> -> memref<1x10240xf32, #tpu.memory_space<vmem_shared>>
      %dma_wait3A_122 = tpu.memref_squeeze %dma_wait3A_121 : memref<1x10240xf32, #tpu.memory_space<vmem_shared>> -> memref<10240xf32, #tpu.memory_space<vmem_shared>>
      %dma_wait3A_123 = arith.constant 0 : i32
      %dma_wait3A_124 = tpu.memref_slice %arg16[%arg1, %dma_wait3A_123] : memref<16x10240xf32, #tpu.memory_space<vmem_shared>> -> memref<1x10240xf32, #tpu.memory_space<vmem_shared>>
      %dma_wait3A_125 = tpu.memref_squeeze %dma_wait3A_124 : memref<1x10240xf32, #tpu.memory_space<vmem_shared>> -> memref<10240xf32, #tpu.memory_space<vmem_shared>>
      tpu.wait_dma2 semaphore(%run_scoped3A : memref<!tpu.dma_semaphore, #tpu.memory_space<semaphore_mem>>) src(%arg13 : memref<10240xf32, #tpu.memory_space<vmem>>) dst(%dma_wait3A_125 : memref<10240xf32, #tpu.memory_space<vmem_shared>>)
      tpu.yield
    }) : () -> ()
    %barrier3A_83 = arith.constant 0 : index
    tpu.barrier barrier_id(%barrier3A_83)
    %scan3A_84 = arith.constant 0 : i32
    %scan3A_85 = arith.constant 0 : i32
    %scan3A_86 = arith.constant 40 : i32
    %scan3A_87 = arith.addi %scan3A_85, %scan3A_86 : i32
    %scan3A_88 = arith.constant 1 : i32
    scf.for %scan3A_114 = %scan3A_85 to %scan3A_87 step %scan3A_88  : i32 {
      %mul3A_115 = arith.constant 16 : i32
      %mul3A_116 = arith.muli %scan3A_114, %mul3A_115 : i32
      %add3A_117 = arith.addi %mul3A_2, %mul3A_116 : i32
      "tpu.region"() ({
        %run_scoped3A = tpu.sem_alloc : memref<!tpu.dma_semaphore, #tpu.memory_space<semaphore_mem>>
        %dma_start3A_118 = arith.constant 0 : i32
        %dma_start3A_119 = arith.constant 0 : i32
        %dma_start3A_120 = tpu.memref_slice %arg7[%dma_start3A_118, %dma_start3A_119] : memref<32x128xf32, #tpu.memory_space<vmem>> -> memref<16x128xf32, #tpu.memory_space<vmem>>
        %dma_start3A_121 = arith.constant 0 : i32
        %dma_start3A_122 = tpu.memref_slice %arg15[%add3A_117, %dma_start3A_121] : memref<10240x128xf32, #tpu.memory_space<vmem_shared>> -> memref<16x128xf32, #tpu.memory_space<vmem_shared>>
        %dma_start3A_123 = arith.constant 0 : i32
        %dma_start3A_124 = arith.constant 0 : i32
        %dma_start3A_125 = tpu.memref_slice %arg7[%dma_start3A_123, %dma_start3A_124] : memref<32x128xf32, #tpu.memory_space<vmem>> -> memref<16x128xf32, #tpu.memory_space<vmem>>
        %dma_start3A_126 = arith.constant 0 : i32
        %dma_start3A_127 = tpu.memref_slice %arg15[%add3A_117, %dma_start3A_126] : memref<10240x128xf32, #tpu.memory_space<vmem_shared>> -> memref<16x128xf32, #tpu.memory_space<vmem_shared>>
        tpu.enqueue_dma source(%dma_start3A_127 : memref<16x128xf32, #tpu.memory_space<vmem_shared>>) target(%dma_start3A_125 : memref<16x128xf32, #tpu.memory_space<vmem>>) target_semaphore(%run_scoped3A : memref<!tpu.dma_semaphore, #tpu.memory_space<semaphore_mem>>)
        %dma_wait3A_128 = arith.constant 0 : i32
        %dma_wait3A_129 = arith.constant 0 : i32
        %dma_wait3A_130 = tpu.memref_slice %arg7[%dma_wait3A_128, %dma_wait3A_129] : memref<32x128xf32, #tpu.memory_space<vmem>> -> memref<16x128xf32, #tpu.memory_space<vmem>>
        %dma_wait3A_131 = arith.constant 0 : i32
        %dma_wait3A_132 = tpu.memref_slice %arg15[%add3A_117, %dma_wait3A_131] : memref<10240x128xf32, #tpu.memory_space<vmem_shared>> -> memref<16x128xf32, #tpu.memory_space<vmem_shared>>
        %dma_wait3A_133 = arith.constant 0 : i32
        %dma_wait3A_134 = arith.constant 0 : i32
        %dma_wait3A_135 = tpu.memref_slice %arg7[%dma_wait3A_133, %dma_wait3A_134] : memref<32x128xf32, #tpu.memory_space<vmem>> -> memref<16x128xf32, #tpu.memory_space<vmem>>
        %dma_wait3A_136 = arith.constant 0 : i32
        %dma_wait3A_137 = tpu.memref_slice %arg15[%add3A_117, %dma_wait3A_136] : memref<10240x128xf32, #tpu.memory_space<vmem_shared>> -> memref<16x128xf32, #tpu.memory_space<vmem_shared>>
        tpu.wait_dma2 semaphore(%run_scoped3A : memref<!tpu.dma_semaphore, #tpu.memory_space<semaphore_mem>>) src(%dma_wait3A_137 : memref<16x128xf32, #tpu.memory_space<vmem_shared>>) dst(%dma_wait3A_135 : memref<16x128xf32, #tpu.memory_space<vmem>>)
        tpu.yield
      }) : () -> ()
      "tpu.region"() ({
        %run_scoped3A = tpu.sem_alloc : memref<!tpu.dma_semaphore, #tpu.memory_space<semaphore_mem>>
        %dma_start3A_118 = arith.constant 0 : i32
        %dma_start3A_119 = arith.constant 0 : i32
        %dma_start3A_120 = tpu.memref_slice %arg7[%dma_start3A_118, %dma_start3A_119] : memref<32x128xf32, #tpu.memory_space<vmem>> -> memref<16x128xf32, #tpu.memory_space<vmem>>
        %dma_start3A_121 = arith.constant 0 : i32
        %dma_start3A_122 = tpu.memref_slice %arg4[%arg0, %add3A_117, %dma_start3A_121] : memref<2x10240x128xf32, #tpu.memory_space<hbm>> -> memref<1x16x128xf32, #tpu.memory_space<hbm>>
        %dma_start3A_123 = tpu.memref_squeeze %dma_start3A_122 : memref<1x16x128xf32, #tpu.memory_space<hbm>> -> memref<16x128xf32, #tpu.memory_space<hbm>>
        %dma_start3A_124 = arith.constant 0 : i32
        %dma_start3A_125 = tpu.memref_slice %arg4[%arg0, %add3A_117, %dma_start3A_124] : memref<2x10240x128xf32, #tpu.memory_space<hbm>> -> memref<1x16x128xf32, #tpu.memory_space<hbm>>
        %dma_start3A_126 = tpu.memref_squeeze %dma_start3A_125 : memref<1x16x128xf32, #tpu.memory_space<hbm>> -> memref<16x128xf32, #tpu.memory_space<hbm>>
        %dma_start3A_127 = arith.constant 0 : i32
        %dma_start3A_128 = arith.constant 0 : i32
        %dma_start3A_129 = tpu.memref_slice %arg7[%dma_start3A_127, %dma_start3A_128] : memref<32x128xf32, #tpu.memory_space<vmem>> -> memref<16x128xf32, #tpu.memory_space<vmem>>
        tpu.enqueue_dma source(%dma_start3A_129 : memref<16x128xf32, #tpu.memory_space<vmem>>) target(%dma_start3A_126 : memref<16x128xf32, #tpu.memory_space<hbm>>) target_semaphore(%run_scoped3A : memref<!tpu.dma_semaphore, #tpu.memory_space<semaphore_mem>>)
        %dma_wait3A_130 = arith.constant 0 : i32
        %dma_wait3A_131 = arith.constant 0 : i32
        %dma_wait3A_132 = tpu.memref_slice %arg7[%dma_wait3A_130, %dma_wait3A_131] : memref<32x128xf32, #tpu.memory_space<vmem>> -> memref<16x128xf32, #tpu.memory_space<vmem>>
        %dma_wait3A_133 = arith.constant 0 : i32
        %dma_wait3A_134 = tpu.memref_slice %arg4[%arg0, %add3A_117, %dma_wait3A_133] : memref<2x10240x128xf32, #tpu.memory_space<hbm>> -> memref<1x16x128xf32, #tpu.memory_space<hbm>>
        %dma_wait3A_135 = tpu.memref_squeeze %dma_wait3A_134 : memref<1x16x128xf32, #tpu.memory_space<hbm>> -> memref<16x128xf32, #tpu.memory_space<hbm>>
        %dma_wait3A_136 = arith.constant 0 : i32
        %dma_wait3A_137 = tpu.memref_slice %arg4[%arg0, %add3A_117, %dma_wait3A_136] : memref<2x10240x128xf32, #tpu.memory_space<hbm>> -> memref<1x16x128xf32, #tpu.memory_space<hbm>>
        %dma_wait3A_138 = tpu.memref_squeeze %dma_wait3A_137 : memref<1x16x128xf32, #tpu.memory_space<hbm>> -> memref<16x128xf32, #tpu.memory_space<hbm>>
        %dma_wait3A_139 = arith.constant 0 : i32
        %dma_wait3A_140 = arith.constant 0 : i32
        %dma_wait3A_141 = tpu.memref_slice %arg7[%dma_wait3A_139, %dma_wait3A_140] : memref<32x128xf32, #tpu.memory_space<vmem>> -> memref<16x128xf32, #tpu.memory_space<vmem>>
        tpu.wait_dma2 semaphore(%run_scoped3A : memref<!tpu.dma_semaphore, #tpu.memory_space<semaphore_mem>>) src(%dma_wait3A_141 : memref<16x128xf32, #tpu.memory_space<vmem>>) dst(%dma_wait3A_138 : memref<16x128xf32, #tpu.memory_space<hbm>>)
        tpu.yield
      }) : () -> ()
    }
    %scan3A_89 = arith.constant 40 : i32
    "tpu.region"() ({
      %run_scoped3A = tpu.sem_alloc : memref<!tpu.dma_semaphore, #tpu.memory_space<semaphore_mem>>
      %dma_start3A_114 = arith.constant 0 : i32
      %dma_start3A_115 = arith.constant 0 : i32
      %dma_start3A_116 = tpu.memref_slice %arg14[%dma_start3A_114, %dma_start3A_115] : memref<5x640xf32, #tpu.memory_space<vmem>> -> memref<4x640xf32, #tpu.memory_space<vmem>>
      %dma_start3A_117 = arith.constant 0 : i32
      %dma_start3A_118 = tpu.memref_slice %arg16[%dma_start3A_117, %mul3A_2] : memref<16x10240xf32, #tpu.memory_space<vmem_shared>> -> memref<4x640xf32, #tpu.memory_space<vmem_shared>>
      %dma_start3A_119 = arith.constant 0 : i32
      %dma_start3A_120 = arith.constant 0 : i32
      %dma_start3A_121 = tpu.memref_slice %arg14[%dma_start3A_119, %dma_start3A_120] : memref<5x640xf32, #tpu.memory_space<vmem>> -> memref<4x640xf32, #tpu.memory_space<vmem>>
      %dma_start3A_122 = arith.constant 0 : i32
      %dma_start3A_123 = tpu.memref_slice %arg16[%dma_start3A_122, %mul3A_2] : memref<16x10240xf32, #tpu.memory_space<vmem_shared>> -> memref<4x640xf32, #tpu.memory_space<vmem_shared>>
      tpu.enqueue_dma source(%dma_start3A_123 : memref<4x640xf32, #tpu.memory_space<vmem_shared>>) target(%dma_start3A_121 : memref<4x640xf32, #tpu.memory_space<vmem>>) target_semaphore(%run_scoped3A : memref<!tpu.dma_semaphore, #tpu.memory_space<semaphore_mem>>)
      %dma_wait3A_124 = arith.constant 0 : i32
      %dma_wait3A_125 = arith.constant 0 : i32
      %dma_wait3A_126 = tpu.memref_slice %arg14[%dma_wait3A_124, %dma_wait3A_125] : memref<5x640xf32, #tpu.memory_space<vmem>> -> memref<4x640xf32, #tpu.memory_space<vmem>>
      %dma_wait3A_127 = arith.constant 0 : i32
      %dma_wait3A_128 = tpu.memref_slice %arg16[%dma_wait3A_127, %mul3A_2] : memref<16x10240xf32, #tpu.memory_space<vmem_shared>> -> memref<4x640xf32, #tpu.memory_space<vmem_shared>>
      %dma_wait3A_129 = arith.constant 0 : i32
      %dma_wait3A_130 = arith.constant 0 : i32
      %dma_wait3A_131 = tpu.memref_slice %arg14[%dma_wait3A_129, %dma_wait3A_130] : memref<5x640xf32, #tpu.memory_space<vmem>> -> memref<4x640xf32, #tpu.memory_space<vmem>>
      %dma_wait3A_132 = arith.constant 0 : i32
      %dma_wait3A_133 = tpu.memref_slice %arg16[%dma_wait3A_132, %mul3A_2] : memref<16x10240xf32, #tpu.memory_space<vmem_shared>> -> memref<4x640xf32, #tpu.memory_space<vmem_shared>>
      tpu.wait_dma2 semaphore(%run_scoped3A : memref<!tpu.dma_semaphore, #tpu.memory_space<semaphore_mem>>) src(%dma_wait3A_133 : memref<4x640xf32, #tpu.memory_space<vmem_shared>>) dst(%dma_wait3A_131 : memref<4x640xf32, #tpu.memory_space<vmem>>)
      tpu.yield
    }) : () -> ()
    %scan3A_90 = arith.constant 0 : i32
    %scan3A_91 = arith.constant 0 : i32
    %scan3A_92 = arith.constant 40 : i32
    %scan3A_93 = arith.addi %scan3A_91, %scan3A_92 : i32
    %scan3A_94 = arith.constant 1 : i32
    scf.for %scan3A_114 = %scan3A_91 to %scan3A_93 step %scan3A_94  : i32 {
      %mul3A_115 = arith.constant 16 : i32
      %mul3A_116 = arith.muli %scan3A_114, %mul3A_115 : i32
      %get3A_117 = arith.constant 0 : i32
      %get3A_118 = arith.index_cast %get3A_117 : i32 to index
      %get3A_119 = arith.index_cast %mul3A_116 : i32 to index
      %get3A_120 = tpu.vector_load %arg14[%get3A_118, %get3A_119] {strides = array<i32>} : memref<5x640xf32, #tpu.memory_space<vmem>>, vector<16xf32>,
      %get3A_121 = arith.constant 1 : i32
      %get3A_122 = arith.index_cast %get3A_121 : i32 to index
      %get3A_123 = arith.index_cast %mul3A_116 : i32 to index
      %get3A_124 = tpu.vector_load %arg14[%get3A_122, %get3A_123] {strides = array<i32>} : memref<5x640xf32, #tpu.memory_space<vmem>>, vector<16xf32>,
      %add3A_125 = arith.addf %get3A_120, %get3A_124 : vector<16xf32>
      %get3A_126 = arith.constant 2 : i32
      %get3A_127 = arith.index_cast %get3A_126 : i32 to index
      %get3A_128 = arith.index_cast %mul3A_116 : i32 to index
      %get3A_129 = tpu.vector_load %arg14[%get3A_127, %get3A_128] {strides = array<i32>} : memref<5x640xf32, #tpu.memory_space<vmem>>, vector<16xf32>,
      %add3A_130 = arith.addf %add3A_125, %get3A_129 : vector<16xf32>
      %get3A_131 = arith.constant 3 : i32
      %get3A_132 = arith.index_cast %get3A_131 : i32 to index
      %get3A_133 = arith.index_cast %mul3A_116 : i32 to index
      %get3A_134 = tpu.vector_load %arg14[%get3A_132, %get3A_133] {strides = array<i32>} : memref<5x640xf32, #tpu.memory_space<vmem>>, vector<16xf32>,
      %add3A_135 = arith.addf %add3A_130, %get3A_134 : vector<16xf32>
      %swap3A_136 = arith.constant 4 : i32
      %swap3A_137 = arith.index_cast %swap3A_136 : i32 to index
      %swap3A_138 = arith.index_cast %mul3A_116 : i32 to index
      %swap3A_139 = tpu.vector_load %arg14[%swap3A_137, %swap3A_138] {strides = array<i32>} : memref<5x640xf32, #tpu.memory_space<vmem>>, vector<16xf32>,
      tpu.vector_store %arg14[%swap3A_137, %swap3A_138], %add3A_135 {strides = array<i32>} : memref<5x640xf32, #tpu.memory_space<vmem>>, vector<16xf32>,
    }
    %scan3A_95 = arith.constant 40 : i32
    "tpu.region"() ({
      %run_scoped3A = tpu.sem_alloc : memref<!tpu.dma_semaphore, #tpu.memory_space<semaphore_mem>>
      %dma_start3A_114 = arith.constant 0 : i32
      %dma_start3A_115 = arith.constant 0 : i32
      %dma_start3A_116 = tpu.memref_slice %arg14[%dma_start3A_114, %dma_start3A_115] : memref<5x640xf32, #tpu.memory_space<vmem>> -> memref<4x640xf32, #tpu.memory_space<vmem>>
      %dma_start3A_117 = arith.constant 4 : i32
      %dma_start3A_118 = tpu.memref_slice %arg16[%dma_start3A_117, %mul3A_2] : memref<16x10240xf32, #tpu.memory_space<vmem_shared>> -> memref<4x640xf32, #tpu.memory_space<vmem_shared>>
      %dma_start3A_119 = arith.constant 0 : i32
      %dma_start3A_120 = arith.constant 0 : i32
      %dma_start3A_121 = tpu.memref_slice %arg14[%dma_start3A_119, %dma_start3A_120] : memref<5x640xf32, #tpu.memory_space<vmem>> -> memref<4x640xf32, #tpu.memory_space<vmem>>
      %dma_start3A_122 = arith.constant 4 : i32
      %dma_start3A_123 = tpu.memref_slice %arg16[%dma_start3A_122, %mul3A_2] : memref<16x10240xf32, #tpu.memory_space<vmem_shared>> -> memref<4x640xf32, #tpu.memory_space<vmem_shared>>
      tpu.enqueue_dma source(%dma_start3A_123 : memref<4x640xf32, #tpu.memory_space<vmem_shared>>) target(%dma_start3A_121 : memref<4x640xf32, #tpu.memory_space<vmem>>) target_semaphore(%run_scoped3A : memref<!tpu.dma_semaphore, #tpu.memory_space<semaphore_mem>>)
      %dma_wait3A_124 = arith.constant 0 : i32
      %dma_wait3A_125 = arith.constant 0 : i32
      %dma_wait3A_126 = tpu.memref_slice %arg14[%dma_wait3A_124, %dma_wait3A_125] : memref<5x640xf32, #tpu.memory_space<vmem>> -> memref<4x640xf32, #tpu.memory_space<vmem>>
      %dma_wait3A_127 = arith.constant 4 : i32
      %dma_wait3A_128 = tpu.memref_slice %arg16[%dma_wait3A_127, %mul3A_2] : memref<16x10240xf32, #tpu.memory_space<vmem_shared>> -> memref<4x640xf32, #tpu.memory_space<vmem_shared>>
      %dma_wait3A_129 = arith.constant 0 : i32
      %dma_wait3A_130 = arith.constant 0 : i32
      %dma_wait3A_131 = tpu.memref_slice %arg14[%dma_wait3A_129, %dma_wait3A_130] : memref<5x640xf32, #tpu.memory_space<vmem>> -> memref<4x640xf32, #tpu.memory_space<vmem>>
      %dma_wait3A_132 = arith.constant 4 : i32
      %dma_wait3A_133 = tpu.memref_slice %arg16[%dma_wait3A_132, %mul3A_2] : memref<16x10240xf32, #tpu.memory_space<vmem_shared>> -> memref<4x640xf32, #tpu.memory_space<vmem_shared>>
      tpu.wait_dma2 semaphore(%run_scoped3A : memref<!tpu.dma_semaphore, #tpu.memory_space<semaphore_mem>>) src(%dma_wait3A_133 : memref<4x640xf32, #tpu.memory_space<vmem_shared>>) dst(%dma_wait3A_131 : memref<4x640xf32, #tpu.memory_space<vmem>>)
      tpu.yield
    }) : () -> ()
    %scan3A_96 = arith.constant 0 : i32
    %scan3A_97 = arith.constant 0 : i32
    %scan3A_98 = arith.constant 40 : i32
    %scan3A_99 = arith.addi %scan3A_97, %scan3A_98 : i32
    %scan3A_100 = arith.constant 1 : i32
    scf.for %scan3A_114 = %scan3A_97 to %scan3A_99 step %scan3A_100  : i32 {
      %mul3A_115 = arith.constant 16 : i32
      %mul3A_116 = arith.muli %scan3A_114, %mul3A_115 : i32
      %get3A_117 = arith.constant 0 : i32
      %get3A_118 = arith.index_cast %get3A_117 : i32 to index
      %get3A_119 = arith.index_cast %mul3A_116 : i32 to index
      %get3A_120 = tpu.vector_load %arg14[%get3A_118, %get3A_119] {strides = array<i32>} : memref<5x640xf32, #tpu.memory_space<vmem>>, vector<16xf32>,
      %get3A_121 = arith.constant 1 : i32
      %get3A_122 = arith.index_cast %get3A_121 : i32 to index
      %get3A_123 = arith.index_cast %mul3A_116 : i32 to index
      %get3A_124 = tpu.vector_load %arg14[%get3A_122, %get3A_123] {strides = array<i32>} : memref<5x640xf32, #tpu.memory_space<vmem>>, vector<16xf32>,
      %add3A_125 = arith.addf %get3A_120, %get3A_124 : vector<16xf32>
      %get3A_126 = arith.constant 2 : i32
      %get3A_127 = arith.index_cast %get3A_126 : i32 to index
      %get3A_128 = arith.index_cast %mul3A_116 : i32 to index
      %get3A_129 = tpu.vector_load %arg14[%get3A_127, %get3A_128] {strides = array<i32>} : memref<5x640xf32, #tpu.memory_space<vmem>>, vector<16xf32>,
      %add3A_130 = arith.addf %add3A_125, %get3A_129 : vector<16xf32>
      %get3A_131 = arith.constant 3 : i32
      %get3A_132 = arith.index_cast %get3A_131 : i32 to index
      %get3A_133 = arith.index_cast %mul3A_116 : i32 to index
      %get3A_134 = tpu.vector_load %arg14[%get3A_132, %get3A_133] {strides = array<i32>} : memref<5x640xf32, #tpu.memory_space<vmem>>, vector<16xf32>,
      %add3A_135 = arith.addf %add3A_130, %get3A_134 : vector<16xf32>
      %get3A_136 = arith.constant 4 : i32
      %get3A_137 = arith.index_cast %get3A_136 : i32 to index
      %get3A_138 = arith.index_cast %mul3A_116 : i32 to index
      %get3A_139 = tpu.vector_load %arg14[%get3A_137, %get3A_138] {strides = array<i32>} : memref<5x640xf32, #tpu.memory_space<vmem>>, vector<16xf32>,
      %add3A_140 = arith.addf %add3A_135, %get3A_139 : vector<16xf32>
      %swap3A_141 = arith.constant 4 : i32
      %swap3A_142 = arith.index_cast %swap3A_141 : i32 to index
      %swap3A_143 = arith.index_cast %mul3A_116 : i32 to index
      %swap3A_144 = tpu.vector_load %arg14[%swap3A_142, %swap3A_143] {strides = array<i32>} : memref<5x640xf32, #tpu.memory_space<vmem>>, vector<16xf32>,
      tpu.vector_store %arg14[%swap3A_142, %swap3A_143], %add3A_140 {strides = array<i32>} : memref<5x640xf32, #tpu.memory_space<vmem>>, vector<16xf32>,
    }
    %scan3A_101 = arith.constant 40 : i32
    "tpu.region"() ({
      %run_scoped3A = tpu.sem_alloc : memref<!tpu.dma_semaphore, #tpu.memory_space<semaphore_mem>>
      %dma_start3A_114 = arith.constant 0 : i32
      %dma_start3A_115 = arith.constant 0 : i32
      %dma_start3A_116 = tpu.memref_slice %arg14[%dma_start3A_114, %dma_start3A_115] : memref<5x640xf32, #tpu.memory_space<vmem>> -> memref<4x640xf32, #tpu.memory_space<vmem>>
      %dma_start3A_117 = arith.constant 8 : i32
      %dma_start3A_118 = tpu.memref_slice %arg16[%dma_start3A_117, %mul3A_2] : memref<16x10240xf32, #tpu.memory_space<vmem_shared>> -> memref<4x640xf32, #tpu.memory_space<vmem_shared>>
      %dma_start3A_119 = arith.constant 0 : i32
      %dma_start3A_120 = arith.constant 0 : i32
      %dma_start3A_121 = tpu.memref_slice %arg14[%dma_start3A_119, %dma_start3A_120] : memref<5x640xf32, #tpu.memory_space<vmem>> -> memref<4x640xf32, #tpu.memory_space<vmem>>
      %dma_start3A_122 = arith.constant 8 : i32
      %dma_start3A_123 = tpu.memref_slice %arg16[%dma_start3A_122, %mul3A_2] : memref<16x10240xf32, #tpu.memory_space<vmem_shared>> -> memref<4x640xf32, #tpu.memory_space<vmem_shared>>
      tpu.enqueue_dma source(%dma_start3A_123 : memref<4x640xf32, #tpu.memory_space<vmem_shared>>) target(%dma_start3A_121 : memref<4x640xf32, #tpu.memory_space<vmem>>) target_semaphore(%run_scoped3A : memref<!tpu.dma_semaphore, #tpu.memory_space<semaphore_mem>>)
      %dma_wait3A_124 = arith.constant 0 : i32
      %dma_wait3A_125 = arith.constant 0 : i32
      %dma_wait3A_126 = tpu.memref_slice %arg14[%dma_wait3A_124, %dma_wait3A_125] : memref<5x640xf32, #tpu.memory_space<vmem>> -> memref<4x640xf32, #tpu.memory_space<vmem>>
      %dma_wait3A_127 = arith.constant 8 : i32
      %dma_wait3A_128 = tpu.memref_slice %arg16[%dma_wait3A_127, %mul3A_2] : memref<16x10240xf32, #tpu.memory_space<vmem_shared>> -> memref<4x640xf32, #tpu.memory_space<vmem_shared>>
      %dma_wait3A_129 = arith.constant 0 : i32
      %dma_wait3A_130 = arith.constant 0 : i32
      %dma_wait3A_131 = tpu.memref_slice %arg14[%dma_wait3A_129, %dma_wait3A_130] : memref<5x640xf32, #tpu.memory_space<vmem>> -> memref<4x640xf32, #tpu.memory_space<vmem>>
      %dma_wait3A_132 = arith.constant 8 : i32
      %dma_wait3A_133 = tpu.memref_slice %arg16[%dma_wait3A_132, %mul3A_2] : memref<16x10240xf32, #tpu.memory_space<vmem_shared>> -> memref<4x640xf32, #tpu.memory_space<vmem_shared>>
      tpu.wait_dma2 semaphore(%run_scoped3A : memref<!tpu.dma_semaphore, #tpu.memory_space<semaphore_mem>>) src(%dma_wait3A_133 : memref<4x640xf32, #tpu.memory_space<vmem_shared>>) dst(%dma_wait3A_131 : memref<4x640xf32, #tpu.memory_space<vmem>>)
      tpu.yield
    }) : () -> ()
    %scan3A_102 = arith.constant 0 : i32
    %scan3A_103 = arith.constant 0 : i32
    %scan3A_104 = arith.constant 40 : i32
    %scan3A_105 = arith.addi %scan3A_103, %scan3A_104 : i32
    %scan3A_106 = arith.constant 1 : i32
    scf.for %scan3A_114 = %scan3A_103 to %scan3A_105 step %scan3A_106  : i32 {
      %mul3A_115 = arith.constant 16 : i32
      %mul3A_116 = arith.muli %scan3A_114, %mul3A_115 : i32
      %get3A_117 = arith.constant 0 : i32
      %get3A_118 = arith.index_cast %get3A_117 : i32 to index
      %get3A_119 = arith.index_cast %mul3A_116 : i32 to index
      %get3A_120 = tpu.vector_load %arg14[%get3A_118, %get3A_119] {strides = array<i32>} : memref<5x640xf32, #tpu.memory_space<vmem>>, vector<16xf32>,
      %get3A_121 = arith.constant 1 : i32
      %get3A_122 = arith.index_cast %get3A_121 : i32 to index
      %get3A_123 = arith.index_cast %mul3A_116 : i32 to index
      %get3A_124 = tpu.vector_load %arg14[%get3A_122, %get3A_123] {strides = array<i32>} : memref<5x640xf32, #tpu.memory_space<vmem>>, vector<16xf32>,
      %add3A_125 = arith.addf %get3A_120, %get3A_124 : vector<16xf32>
      %get3A_126 = arith.constant 2 : i32
      %get3A_127 = arith.index_cast %get3A_126 : i32 to index
      %get3A_128 = arith.index_cast %mul3A_116 : i32 to index
      %get3A_129 = tpu.vector_load %arg14[%get3A_127, %get3A_128] {strides = array<i32>} : memref<5x640xf32, #tpu.memory_space<vmem>>, vector<16xf32>,
      %add3A_130 = arith.addf %add3A_125, %get3A_129 : vector<16xf32>
      %get3A_131 = arith.constant 3 : i32
      %get3A_132 = arith.index_cast %get3A_131 : i32 to index
      %get3A_133 = arith.index_cast %mul3A_116 : i32 to index
      %get3A_134 = tpu.vector_load %arg14[%get3A_132, %get3A_133] {strides = array<i32>} : memref<5x640xf32, #tpu.memory_space<vmem>>, vector<16xf32>,
      %add3A_135 = arith.addf %add3A_130, %get3A_134 : vector<16xf32>
      %get3A_136 = arith.constant 4 : i32
      %get3A_137 = arith.index_cast %get3A_136 : i32 to index
      %get3A_138 = arith.index_cast %mul3A_116 : i32 to index
      %get3A_139 = tpu.vector_load %arg14[%get3A_137, %get3A_138] {strides = array<i32>} : memref<5x640xf32, #tpu.memory_space<vmem>>, vector<16xf32>,
      %add3A_140 = arith.addf %add3A_135, %get3A_139 : vector<16xf32>
      %swap3A_141 = arith.constant 4 : i32
      %swap3A_142 = arith.index_cast %swap3A_141 : i32 to index
      %swap3A_143 = arith.index_cast %mul3A_116 : i32 to index
      %swap3A_144 = tpu.vector_load %arg14[%swap3A_142, %swap3A_143] {strides = array<i32>} : memref<5x640xf32, #tpu.memory_space<vmem>>, vector<16xf32>,
      tpu.vector_store %arg14[%swap3A_142, %swap3A_143], %add3A_140 {strides = array<i32>} : memref<5x640xf32, #tpu.memory_space<vmem>>, vector<16xf32>,
    }
    %scan3A_107 = arith.constant 40 : i32
    "tpu.region"() ({
      %run_scoped3A = tpu.sem_alloc : memref<!tpu.dma_semaphore, #tpu.memory_space<semaphore_mem>>
      %dma_start3A_114 = arith.constant 0 : i32
      %dma_start3A_115 = arith.constant 0 : i32
      %dma_start3A_116 = tpu.memref_slice %arg14[%dma_start3A_114, %dma_start3A_115] : memref<5x640xf32, #tpu.memory_space<vmem>> -> memref<4x640xf32, #tpu.memory_space<vmem>>
      %dma_start3A_117 = arith.constant 12 : i32
      %dma_start3A_118 = tpu.memref_slice %arg16[%dma_start3A_117, %mul3A_2] : memref<16x10240xf32, #tpu.memory_space<vmem_shared>> -> memref<4x640xf32, #tpu.memory_space<vmem_shared>>
      %dma_start3A_119 = arith.constant 0 : i32
      %dma_start3A_120 = arith.constant 0 : i32
      %dma_start3A_121 = tpu.memref_slice %arg14[%dma_start3A_119, %dma_start3A_120] : memref<5x640xf32, #tpu.memory_space<vmem>> -> memref<4x640xf32, #tpu.memory_space<vmem>>
      %dma_start3A_122 = arith.constant 12 : i32
      %dma_start3A_123 = tpu.memref_slice %arg16[%dma_start3A_122, %mul3A_2] : memref<16x10240xf32, #tpu.memory_space<vmem_shared>> -> memref<4x640xf32, #tpu.memory_space<vmem_shared>>
      tpu.enqueue_dma source(%dma_start3A_123 : memref<4x640xf32, #tpu.memory_space<vmem_shared>>) target(%dma_start3A_121 : memref<4x640xf32, #tpu.memory_space<vmem>>) target_semaphore(%run_scoped3A : memref<!tpu.dma_semaphore, #tpu.memory_space<semaphore_mem>>)
      %dma_wait3A_124 = arith.constant 0 : i32
      %dma_wait3A_125 = arith.constant 0 : i32
      %dma_wait3A_126 = tpu.memref_slice %arg14[%dma_wait3A_124, %dma_wait3A_125] : memref<5x640xf32, #tpu.memory_space<vmem>> -> memref<4x640xf32, #tpu.memory_space<vmem>>
      %dma_wait3A_127 = arith.constant 12 : i32
      %dma_wait3A_128 = tpu.memref_slice %arg16[%dma_wait3A_127, %mul3A_2] : memref<16x10240xf32, #tpu.memory_space<vmem_shared>> -> memref<4x640xf32, #tpu.memory_space<vmem_shared>>
      %dma_wait3A_129 = arith.constant 0 : i32
      %dma_wait3A_130 = arith.constant 0 : i32
      %dma_wait3A_131 = tpu.memref_slice %arg14[%dma_wait3A_129, %dma_wait3A_130] : memref<5x640xf32, #tpu.memory_space<vmem>> -> memref<4x640xf32, #tpu.memory_space<vmem>>
      %dma_wait3A_132 = arith.constant 12 : i32
      %dma_wait3A_133 = tpu.memref_slice %arg16[%dma_wait3A_132, %mul3A_2] : memref<16x10240xf32, #tpu.memory_space<vmem_shared>> -> memref<4x640xf32, #tpu.memory_space<vmem_shared>>
      tpu.wait_dma2 semaphore(%run_scoped3A : memref<!tpu.dma_semaphore, #tpu.memory_space<semaphore_mem>>) src(%dma_wait3A_133 : memref<4x640xf32, #tpu.memory_space<vmem_shared>>) dst(%dma_wait3A_131 : memref<4x640xf32, #tpu.memory_space<vmem>>)
      tpu.yield
    }) : () -> ()
    %scan3A_108 = arith.constant 0 : i32
    %scan3A_109 = arith.constant 0 : i32
    %scan3A_110 = arith.constant 40 : i32
    %scan3A_111 = arith.addi %scan3A_109, %scan3A_110 : i32
    %scan3A_112 = arith.constant 1 : i32
    scf.for %scan3A_114 = %scan3A_109 to %scan3A_111 step %scan3A_112  : i32 {
      %mul3A_115 = arith.constant 16 : i32
      %mul3A_116 = arith.muli %scan3A_114, %mul3A_115 : i32
      %get3A_117 = arith.constant 0 : i32
      %get3A_118 = arith.index_cast %get3A_117 : i32 to index
      %get3A_119 = arith.index_cast %mul3A_116 : i32 to index
      %get3A_120 = tpu.vector_load %arg14[%get3A_118, %get3A_119] {strides = array<i32>} : memref<5x640xf32, #tpu.memory_space<vmem>>, vector<16xf32>,
      %get3A_121 = arith.constant 1 : i32
      %get3A_122 = arith.index_cast %get3A_121 : i32 to index
      %get3A_123 = arith.index_cast %mul3A_116 : i32 to index
      %get3A_124 = tpu.vector_load %arg14[%get3A_122, %get3A_123] {strides = array<i32>} : memref<5x640xf32, #tpu.memory_space<vmem>>, vector<16xf32>,
      %add3A_125 = arith.addf %get3A_120, %get3A_124 : vector<16xf32>
      %get3A_126 = arith.constant 2 : i32
      %get3A_127 = arith.index_cast %get3A_126 : i32 to index
      %get3A_128 = arith.index_cast %mul3A_116 : i32 to index
      %get3A_129 = tpu.vector_load %arg14[%get3A_127, %get3A_128] {strides = array<i32>} : memref<5x640xf32, #tpu.memory_space<vmem>>, vector<16xf32>,
      %add3A_130 = arith.addf %add3A_125, %get3A_129 : vector<16xf32>
      %get3A_131 = arith.constant 3 : i32
      %get3A_132 = arith.index_cast %get3A_131 : i32 to index
      %get3A_133 = arith.index_cast %mul3A_116 : i32 to index
      %get3A_134 = tpu.vector_load %arg14[%get3A_132, %get3A_133] {strides = array<i32>} : memref<5x640xf32, #tpu.memory_space<vmem>>, vector<16xf32>,
      %add3A_135 = arith.addf %add3A_130, %get3A_134 : vector<16xf32>
      %get3A_136 = arith.constant 4 : i32
      %get3A_137 = arith.index_cast %get3A_136 : i32 to index
      %get3A_138 = arith.index_cast %mul3A_116 : i32 to index
      %get3A_139 = tpu.vector_load %arg14[%get3A_137, %get3A_138] {strides = array<i32>} : memref<5x640xf32, #tpu.memory_space<vmem>>, vector<16xf32>,
      %add3A_140 = arith.addf %add3A_135, %get3A_139 : vector<16xf32>
      %swap3A_141 = arith.constant 4 : i32
      %swap3A_142 = arith.index_cast %swap3A_141 : i32 to index
      %swap3A_143 = arith.index_cast %mul3A_116 : i32 to index
      %swap3A_144 = tpu.vector_load %arg14[%swap3A_142, %swap3A_143] {strides = array<i32>} : memref<5x640xf32, #tpu.memory_space<vmem>>, vector<16xf32>,
      tpu.vector_store %arg14[%swap3A_142, %swap3A_143], %add3A_140 {strides = array<i32>} : memref<5x640xf32, #tpu.memory_space<vmem>>, vector<16xf32>,
    }
    %scan3A_113 = arith.constant 40 : i32
    "tpu.region"() ({
      %run_scoped3A = tpu.sem_alloc : memref<!tpu.dma_semaphore, #tpu.memory_space<semaphore_mem>>
      %dma_start3A_114 = arith.constant 4 : i32
      %dma_start3A_115 = arith.constant 0 : i32
      %dma_start3A_116 = tpu.memref_slice %arg14[%dma_start3A_114, %dma_start3A_115] : memref<5x640xf32, #tpu.memory_space<vmem>> -> memref<1x640xf32, #tpu.memory_space<vmem>>
      %dma_start3A_117 = arith.constant 0 : i32
      %dma_start3A_118 = tpu.memref_slice %arg5[%arg0, %arg1, %dma_start3A_117] : memref<2x16x640xf32, #tpu.memory_space<hbm>> -> memref<1x1x640xf32, #tpu.memory_space<hbm>>
      %dma_start3A_119 = tpu.memref_squeeze %dma_start3A_118 : memref<1x1x640xf32, #tpu.memory_space<hbm>> -> memref<1x640xf32, #tpu.memory_space<hbm>>
      %dma_start3A_120 = arith.constant 0 : i32
      %dma_start3A_121 = tpu.memref_slice %arg5[%arg0, %arg1, %dma_start3A_120] : memref<2x16x640xf32, #tpu.memory_space<hbm>> -> memref<1x1x640xf32, #tpu.memory_space<hbm>>
      %dma_start3A_122 = tpu.memref_squeeze %dma_start3A_121 : memref<1x1x640xf32, #tpu.memory_space<hbm>> -> memref<1x640xf32, #tpu.memory_space<hbm>>
      %dma_start3A_123 = arith.constant 4 : i32
      %dma_start3A_124 = arith.constant 0 : i32
      %dma_start3A_125 = tpu.memref_slice %arg14[%dma_start3A_123, %dma_start3A_124] : memref<5x640xf32, #tpu.memory_space<vmem>> -> memref<1x640xf32, #tpu.memory_space<vmem>>
      tpu.enqueue_dma source(%dma_start3A_125 : memref<1x640xf32, #tpu.memory_space<vmem>>) target(%dma_start3A_122 : memref<1x640xf32, #tpu.memory_space<hbm>>) target_semaphore(%run_scoped3A : memref<!tpu.dma_semaphore, #tpu.memory_space<semaphore_mem>>)
      %dma_wait3A_126 = arith.constant 4 : i32
      %dma_wait3A_127 = arith.constant 0 : i32
      %dma_wait3A_128 = tpu.memref_slice %arg14[%dma_wait3A_126, %dma_wait3A_127] : memref<5x640xf32, #tpu.memory_space<vmem>> -> memref<1x640xf32, #tpu.memory_space<vmem>>
      %dma_wait3A_129 = arith.constant 0 : i32
      %dma_wait3A_130 = tpu.memref_slice %arg5[%arg0, %arg1, %dma_wait3A_129] : memref<2x16x640xf32, #tpu.memory_space<hbm>> -> memref<1x1x640xf32, #tpu.memory_space<hbm>>
      %dma_wait3A_131 = tpu.memref_squeeze %dma_wait3A_130 : memref<1x1x640xf32, #tpu.memory_space<hbm>> -> memref<1x640xf32, #tpu.memory_space<hbm>>
      %dma_wait3A_132 = arith.constant 0 : i32
      %dma_wait3A_133 = tpu.memref_slice %arg5[%arg0, %arg1, %dma_wait3A_132] : memref<2x16x640xf32, #tpu.memory_space<hbm>> -> memref<1x1x640xf32, #tpu.memory_space<hbm>>
      %dma_wait3A_134 = tpu.memref_squeeze %dma_wait3A_133 : memref<1x1x640xf32, #tpu.memory_space<hbm>> -> memref<1x640xf32, #tpu.memory_space<hbm>>
      %dma_wait3A_135 = arith.constant 4 : i32
      %dma_wait3A_136 = arith.constant 0 : i32
      %dma_wait3A_137 = tpu.memref_slice %arg14[%dma_wait3A_135, %dma_wait3A_136] : memref<5x640xf32, #tpu.memory_space<vmem>> -> memref<1x640xf32, #tpu.memory_space<vmem>>
      tpu.wait_dma2 semaphore(%run_scoped3A : memref<!tpu.dma_semaphore, #tpu.memory_space<semaphore_mem>>) src(%dma_wait3A_137 : memref<1x640xf32, #tpu.memory_space<vmem>>) dst(%dma_wait3A_134 : memref<1x640xf32, #tpu.memory_space<hbm>>)
      tpu.yield
    }) : () -> ()
    return
  }
}

module attributes {stable_mosaic.version = 14 : i64} {
  func.func @_tc_final_body(%arg0: i32, %arg1: memref<640x128xf32, #tpu.memory_space<vmem>>, %arg2: memref<2x640x128xf32, #tpu.memory_space<vmem>>, %arg3: memref<2x640xf32, #tpu.memory_space<vmem>>, %arg4: memref<640x128xf32, #tpu.memory_space<vmem>>) attributes {dimension_semantics = [#tpu.dimension_semantics<arbitrary>], iteration_bounds = array<i64: 16>, scalar_prefetch = 0 : i64, scratch_operands = 0 : i64, tpu.core_type = #tpu.core_type<tc>, window_params = [{transform_indices = @transform_0, window_bounds = array<i64: 640, 128>}, {transform_indices = @transform_1, window_bounds = array<i64: 2, 640, 128>}, {transform_indices = @transform_2, window_bounds = array<i64: 2, 640>}, {transform_indices = @transform_3, window_bounds = array<i64: 640, 128>}]} {
    %get3A = arith.constant 0 : index
    %get3A_0 = arith.constant 0 : index
    %get3A_1 = arith.constant 0 : index
    %get3A_2 = vector.load %arg2[%get3A, %get3A_0, %get3A_1] : memref<2x640x128xf32, #tpu.memory_space<vmem>>, vector<1x640x128xf32>
    %get3A_3 = vector.shape_cast %get3A_2 : vector<1x640x128xf32> to vector<640x128xf32>
    %get3A_4 = arith.constant 1 : index
    %get3A_5 = arith.constant 0 : index
    %get3A_6 = arith.constant 0 : index
    %get3A_7 = vector.load %arg2[%get3A_4, %get3A_5, %get3A_6] : memref<2x640x128xf32, #tpu.memory_space<vmem>>, vector<1x640x128xf32>
    %get3A_8 = vector.shape_cast %get3A_7 : vector<1x640x128xf32> to vector<640x128xf32>
    %add3A = arith.addf %get3A_3, %get3A_8 : vector<640x128xf32>
    %get3A_9 = arith.constant 0 : index
    %get3A_10 = arith.constant 0 : index
    %get3A_11 = vector.load %arg3[%get3A_9, %get3A_10] : memref<2x640xf32, #tpu.memory_space<vmem>>, vector<1x640xf32>
    %get3A_12 = vector.shape_cast %get3A_11 : vector<1x640xf32> to vector<640xf32>
    %get3A_13 = arith.constant 1 : index
    %get3A_14 = arith.constant 0 : index
    %get3A_15 = vector.load %arg3[%get3A_13, %get3A_14] : memref<2x640xf32, #tpu.memory_space<vmem>>, vector<1x640xf32>
    %get3A_16 = vector.shape_cast %get3A_15 : vector<1x640xf32> to vector<640xf32>
    %add3A_17 = arith.addf %get3A_12, %get3A_16 : vector<640xf32>
    %max3A = arith.constant 1.000000e+00 : f32
    %max3A_18 = vector.broadcast %max3A : f32 to vector<640xf32>
    %max3A_19 = arith.maximumf %add3A_17, %max3A_18 : vector<640xf32>
    %div3A = arith.constant 1.000000e+00 : f32
    %div3A_20 = vector.broadcast %div3A : f32 to vector<640xf32>
    %div3A_21 = arith.divf %div3A_20, %max3A_19 : vector<640xf32>
    %broadcast_in_dim3A = vector.shape_cast %div3A_21 : vector<640xf32> to vector<640x1xf32>
    %mul3A = vector.broadcast %broadcast_in_dim3A : vector<640x1xf32> to vector<640x128xf32>
    %mul3A_22 = arith.mulf %add3A, %mul3A : vector<640x128xf32>
    %get3A_23 = arith.constant 0 : index
    %get3A_24 = arith.constant 0 : index
    %get3A_25 = vector.load %arg1[%get3A_23, %get3A_24] : memref<640x128xf32, #tpu.memory_space<vmem>>, vector<640x128xf32>
    %add3A_26 = arith.addf %get3A_25, %mul3A_22 : vector<640x128xf32>
    %max3A_27 = arith.constant 0.000000e+00 : f32
    %max3A_28 = vector.broadcast %max3A_27 : f32 to vector<640x128xf32>
    %max3A_29 = arith.maximumf %add3A_26, %max3A_28 : vector<640x128xf32>
    %swap3A = arith.constant 0 : index
    %swap3A_30 = arith.constant 0 : index
    %swap3A_31 = vector.load %arg4[%swap3A, %swap3A_30] : memref<640x128xf32, #tpu.memory_space<vmem>>, vector<640x128xf32>
    tpu.vector_store %arg4[%swap3A, %swap3A_30], %max3A_29 {strides = array<i32>} : memref<640x128xf32, #tpu.memory_space<vmem>>, vector<640x128xf32>,
    return
  }
  func.func @transform_0(%arg0: i32) -> (i32, i32) {
    %c0_i32 = arith.constant 0 : i32
    %c0_i32_0 = arith.constant 0 : i32
    return %arg0, %c0_i32 : i32, i32
  }
  func.func @transform_1(%arg0: i32) -> (i32, i32, i32) {
    %c0_i32 = arith.constant 0 : i32
    %c0_i32_0 = arith.constant 0 : i32
    %c0_i32_1 = arith.constant 0 : i32
    return %c0_i32, %arg0, %c0_i32_0 : i32, i32, i32
  }
  func.func @transform_2(%arg0: i32) -> (i32, i32) {
    %c0_i32 = arith.constant 0 : i32
    %c0_i32_0 = arith.constant 0 : i32
    return %c0_i32, %arg0 : i32, i32
  }
  func.func @transform_3(%arg0: i32) -> (i32, i32) {
    %c0_i32 = arith.constant 0 : i32
    %c0_i32_0 = arith.constant 0 : i32
    return %arg0, %c0_i32 : i32, i32
  }
}

module attributes {stable_mosaic.version = 14 : i64} {
  func.func @_tc_layer1_body(%arg0: i32, %arg1: memref<640x128xf32, #tpu.memory_space<vmem>>, %arg2: memref<2x640x128xf32, #tpu.memory_space<vmem>>, %arg3: memref<2x640xf32, #tpu.memory_space<vmem>>, %arg4: memref<256x128xf32, #tpu.memory_space<vmem>>, %arg5: memref<256x128xf32, #tpu.memory_space<vmem>>, %arg6: memref<1x256xf32, #tpu.memory_space<vmem>>, %arg7: memref<128x256xf32, #tpu.memory_space<vmem>>, %arg8: memref<128x256xf32, #tpu.memory_space<vmem>>, %arg9: memref<1x128xf32, #tpu.memory_space<vmem>>, %arg10: memref<640x128xf32, #tpu.memory_space<vmem>>, %arg11: memref<640x128xf32, #tpu.memory_space<vmem>>) attributes {dimension_semantics = [#tpu.dimension_semantics<arbitrary>], iteration_bounds = array<i64: 16>, scalar_prefetch = 0 : i64, scratch_operands = 0 : i64, tpu.core_type = #tpu.core_type<tc>, window_params = [{transform_indices = @transform_0, window_bounds = array<i64: 640, 128>}, {transform_indices = @transform_1, window_bounds = array<i64: 2, 640, 128>}, {transform_indices = @transform_2, window_bounds = array<i64: 2, 640>}, {pipeline_mode = #tpu.pipeline_mode<synchronous>, transform_indices = @transform_3, window_bounds = array<i64: 256, 128>}, {pipeline_mode = #tpu.pipeline_mode<synchronous>, transform_indices = @transform_4, window_bounds = array<i64: 256, 128>}, {pipeline_mode = #tpu.pipeline_mode<synchronous>, transform_indices = @transform_5, window_bounds = array<i64: 1, 256>}, {pipeline_mode = #tpu.pipeline_mode<synchronous>, transform_indices = @transform_6, window_bounds = array<i64: 128, 256>}, {pipeline_mode = #tpu.pipeline_mode<synchronous>, transform_indices = @transform_7, window_bounds = array<i64: 128, 256>}, {pipeline_mode = #tpu.pipeline_mode<synchronous>, transform_indices = @transform_8, window_bounds = array<i64: 1, 128>}, {transform_indices = @transform_9, window_bounds = array<i64: 640, 128>}, {transform_indices = @transform_10, window_bounds = array<i64: 640, 128>}]} {
    %get3A = arith.constant 0 : index
    %get3A_0 = arith.constant 0 : index
    %get3A_1 = arith.constant 0 : index
    %get3A_2 = vector.load %arg2[%get3A, %get3A_0, %get3A_1] : memref<2x640x128xf32, #tpu.memory_space<vmem>>, vector<1x640x128xf32>
    %get3A_3 = vector.shape_cast %get3A_2 : vector<1x640x128xf32> to vector<640x128xf32>
    %get3A_4 = arith.constant 1 : index
    %get3A_5 = arith.constant 0 : index
    %get3A_6 = arith.constant 0 : index
    %get3A_7 = vector.load %arg2[%get3A_4, %get3A_5, %get3A_6] : memref<2x640x128xf32, #tpu.memory_space<vmem>>, vector<1x640x128xf32>
    %get3A_8 = vector.shape_cast %get3A_7 : vector<1x640x128xf32> to vector<640x128xf32>
    %add3A = arith.addf %get3A_3, %get3A_8 : vector<640x128xf32>
    %get3A_9 = arith.constant 0 : index
    %get3A_10 = arith.constant 0 : index
    %get3A_11 = vector.load %arg3[%get3A_9, %get3A_10] : memref<2x640xf32, #tpu.memory_space<vmem>>, vector<1x640xf32>
    %get3A_12 = vector.shape_cast %get3A_11 : vector<1x640xf32> to vector<640xf32>
    %get3A_13 = arith.constant 1 : index
    %get3A_14 = arith.constant 0 : index
    %get3A_15 = vector.load %arg3[%get3A_13, %get3A_14] : memref<2x640xf32, #tpu.memory_space<vmem>>, vector<1x640xf32>
    %get3A_16 = vector.shape_cast %get3A_15 : vector<1x640xf32> to vector<640xf32>
    %add3A_17 = arith.addf %get3A_12, %get3A_16 : vector<640xf32>
    %max3A = arith.constant 1.000000e+00 : f32
    %max3A_18 = vector.broadcast %max3A : f32 to vector<640xf32>
    %max3A_19 = arith.maximumf %add3A_17, %max3A_18 : vector<640xf32>
    %div3A = arith.constant 1.000000e+00 : f32
    %div3A_20 = vector.broadcast %div3A : f32 to vector<640xf32>
    %div3A_21 = arith.divf %div3A_20, %max3A_19 : vector<640xf32>
    %broadcast_in_dim3A = vector.shape_cast %div3A_21 : vector<640xf32> to vector<640x1xf32>
    %mul3A = vector.broadcast %broadcast_in_dim3A : vector<640x1xf32> to vector<640x128xf32>
    %mul3A_22 = arith.mulf %add3A, %mul3A : vector<640x128xf32>
    %get3A_23 = arith.constant 0 : index
    %get3A_24 = arith.constant 0 : index
    %get3A_25 = vector.load %arg1[%get3A_23, %get3A_24] : memref<640x128xf32, #tpu.memory_space<vmem>>, vector<640x128xf32>
    %get3A_26 = arith.constant 0 : index
    %get3A_27 = arith.constant 0 : index
    %get3A_28 = vector.load %arg4[%get3A_26, %get3A_27] : memref<256x128xf32, #tpu.memory_space<vmem>>, vector<256x128xf32>
    %dot_general3A = arith.constant dense<0.000000e+00> : vector<640x256xf32>
    %dot_general3A_29 = tpu.matmul %get3A_25, %get3A_28, %dot_general3A {dimension_numbers = #tpu.dot_dimension_numbers<[1], [1], [0], [0], [0, 0, 1, 0], [], []>, transpose_lhs_hint = false} : vector<640x128xf32>, vector<256x128xf32>, vector<640x256xf32> -> vector<640x256xf32>
    %get3A_30 = arith.constant 0 : index
    %get3A_31 = arith.constant 0 : index
    %get3A_32 = vector.load %arg5[%get3A_30, %get3A_31] : memref<256x128xf32, #tpu.memory_space<vmem>>, vector<256x128xf32>
    %dot_general3A_33 = arith.constant dense<0.000000e+00> : vector<640x256xf32>
    %dot_general3A_34 = tpu.matmul %mul3A_22, %get3A_32, %dot_general3A_33 {dimension_numbers = #tpu.dot_dimension_numbers<[1], [1], [0], [0], [0, 0, 1, 0], [], []>, transpose_lhs_hint = false} : vector<640x128xf32>, vector<256x128xf32>, vector<640x256xf32> -> vector<640x256xf32>
    %add3A_35 = arith.addf %dot_general3A_29, %dot_general3A_34 : vector<640x256xf32>
    %get3A_36 = arith.constant 0 : index
    %get3A_37 = arith.constant 0 : index
    %get3A_38 = vector.load %arg6[%get3A_36, %get3A_37] : memref<1x256xf32, #tpu.memory_space<vmem>>, vector<1x256xf32>
    %add3A_39 = vector.broadcast %get3A_38 : vector<1x256xf32> to vector<640x256xf32>
    %add3A_40 = arith.addf %add3A_35, %add3A_39 : vector<640x256xf32>
    %max3A_41 = arith.constant 0.000000e+00 : f32
    %max3A_42 = vector.broadcast %max3A_41 : f32 to vector<640x256xf32>
    %max3A_43 = arith.maximumf %add3A_40, %max3A_42 : vector<640x256xf32>
    %get3A_44 = arith.constant 0 : index
    %get3A_45 = arith.constant 0 : index
    %get3A_46 = vector.load %arg7[%get3A_44, %get3A_45] : memref<128x256xf32, #tpu.memory_space<vmem>>, vector<128x256xf32>
    %dot_general3A_47 = arith.constant dense<0.000000e+00> : vector<640x128xf32>
    %dot_general3A_48 = tpu.matmul %max3A_43, %get3A_46, %dot_general3A_47 {dimension_numbers = #tpu.dot_dimension_numbers<[1], [1], [0], [0], [0, 0, 1, 0], [], []>, transpose_lhs_hint = false} : vector<640x256xf32>, vector<128x256xf32>, vector<640x128xf32> -> vector<640x128xf32>
    %get3A_49 = arith.constant 0 : index
    %get3A_50 = arith.constant 0 : index
    %get3A_51 = vector.load %arg9[%get3A_49, %get3A_50] : memref<1x128xf32, #tpu.memory_space<vmem>>, vector<1x128xf32>
    %add3A_52 = vector.broadcast %get3A_51 : vector<1x128xf32> to vector<640x128xf32>
    %add3A_53 = arith.addf %dot_general3A_48, %add3A_52 : vector<640x128xf32>
    %swap3A = arith.constant 0 : index
    %swap3A_54 = arith.constant 0 : index
    %swap3A_55 = vector.load %arg10[%swap3A, %swap3A_54] : memref<640x128xf32, #tpu.memory_space<vmem>>, vector<640x128xf32>
    tpu.vector_store %arg10[%swap3A, %swap3A_54], %add3A_53 {strides = array<i32>} : memref<640x128xf32, #tpu.memory_space<vmem>>, vector<640x128xf32>,
    %get3A_56 = arith.constant 0 : index
    %get3A_57 = arith.constant 0 : index
    %get3A_58 = vector.load %arg8[%get3A_56, %get3A_57] : memref<128x256xf32, #tpu.memory_space<vmem>>, vector<128x256xf32>
    %dot_general3A_59 = arith.constant dense<0.000000e+00> : vector<640x128xf32>
    %dot_general3A_60 = tpu.matmul %max3A_43, %get3A_58, %dot_general3A_59 {dimension_numbers = #tpu.dot_dimension_numbers<[1], [1], [0], [0], [0, 0, 1, 0], [], []>, transpose_lhs_hint = false} : vector<640x256xf32>, vector<128x256xf32>, vector<640x128xf32> -> vector<640x128xf32>
    %swap3A_61 = arith.constant 0 : index
    %swap3A_62 = arith.constant 0 : index
    %swap3A_63 = vector.load %arg11[%swap3A_61, %swap3A_62] : memref<640x128xf32, #tpu.memory_space<vmem>>, vector<640x128xf32>
    tpu.vector_store %arg11[%swap3A_61, %swap3A_62], %dot_general3A_60 {strides = array<i32>} : memref<640x128xf32, #tpu.memory_space<vmem>>, vector<640x128xf32>,
    return
  }
  func.func @transform_0(%arg0: i32) -> (i32, i32) {
    %c0_i32 = arith.constant 0 : i32
    %c0_i32_0 = arith.constant 0 : i32
    return %arg0, %c0_i32 : i32, i32
  }
  func.func @transform_1(%arg0: i32) -> (i32, i32, i32) {
    %c0_i32 = arith.constant 0 : i32
    %c0_i32_0 = arith.constant 0 : i32
    %c0_i32_1 = arith.constant 0 : i32
    return %c0_i32, %arg0, %c0_i32_0 : i32, i32, i32
  }
  func.func @transform_2(%arg0: i32) -> (i32, i32) {
    %c0_i32 = arith.constant 0 : i32
    %c0_i32_0 = arith.constant 0 : i32
    return %c0_i32, %arg0 : i32, i32
  }
  func.func @transform_3(%arg0: i32) -> (i32, i32) {
    %c0_i32 = arith.constant 0 : i32
    %c0_i32_0 = arith.constant 0 : i32
    %c0_i32_1 = arith.constant 0 : i32
    return %c0_i32, %c0_i32_0 : i32, i32
  }
  func.func @transform_4(%arg0: i32) -> (i32, i32) {
    %c0_i32 = arith.constant 0 : i32
    %c0_i32_0 = arith.constant 0 : i32
    %c0_i32_1 = arith.constant 0 : i32
    return %c0_i32, %c0_i32_0 : i32, i32
  }
  func.func @transform_5(%arg0: i32) -> (i32, i32) {
    %c0_i32 = arith.constant 0 : i32
    %c0_i32_0 = arith.constant 0 : i32
    %c0_i32_1 = arith.constant 0 : i32
    return %c0_i32, %c0_i32_0 : i32, i32
  }
  func.func @transform_6(%arg0: i32) -> (i32, i32) {
    %c0_i32 = arith.constant 0 : i32
    %c0_i32_0 = arith.constant 0 : i32
    %c0_i32_1 = arith.constant 0 : i32
    return %c0_i32, %c0_i32_0 : i32, i32
  }
  func.func @transform_7(%arg0: i32) -> (i32, i32) {
    %c0_i32 = arith.constant 0 : i32
    %c0_i32_0 = arith.constant 0 : i32
    %c0_i32_1 = arith.constant 0 : i32
    return %c0_i32, %c0_i32_0 : i32, i32
  }
  func.func @transform_8(%arg0: i32) -> (i32, i32) {
    %c0_i32 = arith.constant 0 : i32
    %c0_i32_0 = arith.constant 0 : i32
    %c0_i32_1 = arith.constant 0 : i32
    return %c0_i32, %c0_i32_0 : i32, i32
  }
  func.func @transform_9(%arg0: i32) -> (i32, i32) {
    %c0_i32 = arith.constant 0 : i32
    %c0_i32_0 = arith.constant 0 : i32
    return %arg0, %c0_i32 : i32, i32
  }
  func.func @transform_10(%arg0: i32) -> (i32, i32) {
    %c0_i32 = arith.constant 0 : i32
    %c0_i32_0 = arith.constant 0 : i32
    return %arg0, %c0_i32 : i32, i32
  }
}

</mosaic_0001>

<sc_bundles>
// kernel: kernel.6.cloned.1.call-start
scs
__scs_entry_jumppad:
0x0: {  	(pc) =	sbr.rel $0x88, $3  }
0x1: {  	(tag) =	ssettag $0x0;
	lr =	simm.s32 $0x1  }
0x2: {  	[smem:$0x3F99] =	sst lr;
	_ =	strace $0xD0000000  }
0x3: {  	_ = 	snop  }
0x4: {  	_ = 	snop  }
0x5: {  	_ = 	snop  }
0x6: {  	_ = 	snop  }
0x7: {  	_ = 	snop  }
__scs_overlays_trampoline_lowered:
0x8: {  	[smem:$0x3FA8] =	sst s0  }
0x9: {  	[smem:$0x3FA9] =	sst s1  }
0xa: {  	[smem:$0x3FAA] =	sst s2  }
0xb: {  	[smem:$0x3FAB] =	sst s3  }
0xc: {  	[smem:$0x3FAC] =	sst s4  }
0xd: {  	[smem:$0x3FAD] =	sst s5  }
0xe: {  	[smem:$0x3FAE] =	sst s6  }
0xf: {  	[smem:$0x3FAF] =	sst s7  }
0x10: {  	[smem:$0x3FB0] =	sst s8  }
0x11: {  	[smem:$0x3FB1] =	sst s9;
	s0 =	simm.s32 @!p0 $0x0  }
0x12: {  	s1 =	sld [smem:$0x3F97];
	s0 =	simm.s32 @p0 $0x1  }
0x13: {  	[smem:$0x3FB2] =	sst s0;
	s0 =	simm.s32 @!p1 $0x0  }
0x14: {  	s2 =	sld [smem:$0x3F96];
	s0 =	simm.s32 @p1 $0x1  }
0x15: {  	[smem:$0x3FB3] =	sst s0;
	s0 =	simm.s32 @!p2 $0x0  }
0x16: {  	s3 =	sld [smem:$0x3FDB];
	s0 =	simm.s32 @p2 $0x1  }
0x17: {  	s4 =	simm.s32 $0x1BF5;
	[smem:$0x3FB5] =	sst s0  }
0x18: {  	s0 =	sld [smem:$0x3F98];
	_ =	swait.ge [sflag:s4], $0x0  }
0x19: {  	s7 =	sld [smem:$0x3F99]  }
0x1a: {  	s8 =	sadd.s32 $0xFFFFE003, lr  }
0x1b: {  	s9 =	sadd.s32 $0xFFFFFEF7, lr;
	s5 =	simm.s32 $0xFFFFFFFF;
	p2 =	slt.u32 s8, $0xFFFFF086  }
0x1c: {  	p1 =	slt.u32 s9, $0xF7A;
	s5 =	simm.s32 @!p2 $0x0  }
0x1d: {  	s5 =	simm.s32 @p1 $0x1;
	p0 =	seq.s32 s7, s2  }
0x1e: {  	s7 =	smul.u32 @!p0 $0xF7A, s2;
	p2 =	seq.s32 @!p0 s5, $0x0  }
0x1f: {  	s9 =	smul.u32 $0xF7A, s1;
	s8 =	simm.s32 @!p0 $0x1BF5;
	p2 =	por !p2, p0  }
0x20: {  	[sflag:s8] =	ssyncset.s32 @!p0 $0xFFFFF086;
	s6 =	sadd.s32 @!p0 s3, s7;
	s7 =	simm.s32 @!p0 $0x108  }
0x21: {  	s3 =	sadd.s32 s3, s9;
	s6 =	sadd.s32 @!p0 $0x88, s6;
	s7 =	simm.s32 @p2 $0x1082  }
0x22: {  	[simem:s7], [sflag:s8] =	dma.local @!p0 [hbm:s6], $0xF7A  }
0x23: {  	s9 =	sor.u32 $0xD0000000, s2;
	s6 =	simm.s32 $0x108;
	_ =	swait.ge @!p0 [sflag:s8], $0x0  }
0x24: {  	s3 =	sadd.s32 $0x88, s3;
	s6 =	simm.s32 @!p1 $0x1082;
	[sflag:s4] =	ssyncset.s32 $0xFFFFF086  }
0x25: {  	[simem:s6], [sflag:s4] =	dma.local [hbm:s3], $0xF7A  }
0x26: {  	[smem:$0x3F99] =	sst s1;
	(tag) =	ssettag s2;
	_ =	strace s9  }
0x27: {  	s1 =	sld [smem:$0x3FA9]  }
0x28: {  	s2 =	sld [smem:$0x3FAA]  }
0x29: {  	s4 =	sld [smem:$0x3FAC]  }
0x2a: {  	p0 =	seq.s32 s5, $0x0;
	s5 =	sld [smem:$0x3FAD]  }
0x2b: {  	s6 =	sld [smem:$0x3FAE]  }
0x2c: {  	s7 =	sld [smem:$0x3FAF]  }
0x2d: {  	s3 =	simm.s32 $0x108;
	s8 =	sld [smem:$0x3FB0]  }
0x2e: {  	s3 =	simm.s32 @!p0 $0x1082;
	s9 =	sld [smem:$0x3FB1]  }
0x2f: {  	lr =	sadd.s32 s0, s3;
	s0 =	sld [smem:$0x3FA8]  }
0x30: {  	s3 =	sld [smem:$0x3FAB]  }
0x31: {  	[smem:$0x3FB4] =	sst s10  }
0x32: {  	s10 =	sld [smem:$0x3FB2];
	_ =	sdelay $0x3  }
0x33: {  	p0 =	seq.s32 s10, $0x1;
	s10 =	sld [smem:$0x3FB4];
	_ =	sdelay $0x3  }
0x34: {  	[smem:$0x3FB4] =	sst s10  }
0x35: {  	s10 =	sld [smem:$0x3FB3];
	_ =	sdelay $0x3  }
0x36: {  	p1 =	seq.s32 s10, $0x1;
	s10 =	sld [smem:$0x3FB4];
	_ =	sdelay $0x3  }
0x37: {  	[smem:$0x3FB4] =	sst s10  }
0x38: {  	s10 =	sld [smem:$0x3FB5]  }
0x39: {  	_ = 	snop;
	(pc) =	sbr.ind lr, $3  }
0x3a: {  	_ = 	snop  }
0x3b: {  	_ = 	snop  }
0x3c: {  	p2 =	seq.s32 s10, $0x1;
	s10 =	sld [smem:$0x3FB4]  }
0x3d: {  	_ =	shalt  }
0x3e: {  	_ =	shalt  }
0x3f: {  	_ =	shalt  }
0x40: {  	_ =	shalt  }
0x41: {  	_ =	shalt  }
0x42: {  	_ =	shalt  }
0x43: {  	_ =	shalt  }
0x44: {  	_ =	shalt  }
0x45: {  	_ =	shalt  }
0x46: {  	_ =	shalt  }
0x47: {  	_ =	shalt  }
0x48: {  	_ =	shalt  }
0x49: {  	_ =	shalt  }
0x4a: {  	_ =	shalt  }
0x4b: {  	_ =	shalt  }
0x4c: {  	_ =	shalt  }
0x4d: {  	_ =	shalt  }
0x4e: {  	_ =	shalt  }
0x4f: {  	_ =	shalt  }
0x50: {  	_ =	shalt  }
0x51: {  	_ =	shalt  }
0x52: {  	_ =	shalt  }
0x53: {  	_ =	shalt  }
0x54: {  	_ =	shalt  }
0x55: {  	_ =	shalt  }
0x56: {  	_ =	shalt  }
0x57: {  	_ =	shalt  }
0x58: {  	_ =	shalt  }
0x59: {  	_ =	shalt  }
0x5a: {  	_ =	shalt  }
0x5b: {  	_ =	shalt  }
0x5c: {  	_ =	shalt  }
0x5d: {  	_ =	shalt  }
0x5e: {  	_ =	shalt  }
0x5f: {  	_ =	shalt  }
0x60: {  	_ =	shalt  }
0x61: {  	_ =	shalt  }
0x62: {  	_ =	shalt  }
0x63: {  	_ =	shalt  }
0x64: {  	_ =	shalt  }
0x65: {  	_ =	shalt  }
0x66: {  	_ =	shalt  }
0x67: {  	_ =	shalt  }
0x68: {  	_ =	shalt  }
0x69: {  	_ =	shalt  }
0x6a: {  	_ =	shalt  }
0x6b: {  	_ =	shalt  }
0x6c: {  	_ =	shalt  }
0x6d: {  	_ =	shalt  }
0x6e: {  	_ =	shalt  }
0x6f: {  	_ =	shalt  }
0x70: {  	_ =	shalt  }
0x71: {  	_ =	shalt  }
0x72: {  	_ =	shalt  }
0x73: {  	_ =	shalt  }
0x74: {  	_ =	shalt  }
0x75: {  	_ =	shalt  }
0x76: {  	_ =	shalt  }
0x77: {  	_ =	shalt  }
0x78: {  	_ =	shalt  }
0x79: {  	_ =	shalt  }
0x7a: {  	_ =	shalt  }
0x7b: {  	_ =	shalt  }
0x7c: {  	_ =	shalt  }
0x7d: {  	_ =	shalt  }
0x7e: {  	_ =	shalt  }
0x7f: {  	_ =	shalt  }
0x80: {  	_ =	shalt  }
0x81: {  	_ =	shalt  }
0x82: {  	_ =	shalt  }
0x83: {  	_ =	shalt  }
0x84: {  	_ =	shalt  }
0x85: {  	_ =	shalt  }
0x86: {  	_ =	shalt  }
0x87: {  	_ =	shalt  }
.Lfunc_end0:
.L_simem_size_0:
called_computation_lowered:
.L_overlay_start_0:
0x88: {  	s2 =	sld [smem:$0x3FD9]  }
0x89: {  	s3 =	sld [smem:$0x3FFE];
	_ =	sdelay $0x1  }
0x8a: {  	s1 =	srdreg.scid  }
0x8b: {  	s0 =	sand.u32 $0x1, s1  }
0x8c: {  	s17 =	sshll.u32 s0, $0xA;
	s2 =	sadd.s32 s3, s2  }
0x8d: {  	s2 =	sadd.s32 s2, s17  }
0x8e: {  	[smem:$0x3FC0] =	sst s2  }
0x8f: {  	_ = 	snop  }
0x90: {  	s2 =	sld [smem:$0x3FD0];
	(tm) =	ssettm $0x1  }
0x91: {  	s18 =	sld [smem:$0x3FFB];
	_ =	sdelay $0x3  }
0x92: {  	_ =	strace s18  }
0x93: {  	s3 =	sld [smem:$0x3FFC];
	_ =	sdelay $0x3  }
0x94: {  	_ =	strace s3  }
0x95: {  	s3 =	sld [smem:$0x3FFD];
	_ =	sdelay $0x3  }
0x96: {  	_ =	strace s3  }
0x97: {  	_ =	strace $0x8FFFFFFF  }
0x98: {  	s19 =	sld [smem:$0x3FDB];
	_ =	sdelay $0x1  }
0x99: {  	s4 =	simm.s32 $_scs_section_size  }
0x9a: {  	s5 =	simm.s32 $_size__tile_overlayer_lowered;
	s6 =	simm.s32 $_tile_overlayer_lowered  }
0x9b: {  	s22 =	simm.s32 $0x1BFF;
	s21 =	sshll.u32 s6, $0x1;
	s3 =	sadd.s32 s4, s19  }
0x9c: {  	s7 =	simm.s32 $0x0;
	s20 =	sshll.u32 s5, $0x1;
	s5 =	sadd.s32 s21, s3  }
0x9d: {  	[timem:s7], [sflag:s22] =	dma.local [hbm:s5], s20  }
0x9e: {  	_ =	swait.ge [sflag:s22], s20  }
0x9f: {  	s4 =	ssub.s32 $0x0, s20;
	[sflag:s22] =	ssyncset.done $0x0  }
0xa0: {  	[sflag:s22] =	ssyncadd.s32 s4;
	_ =	sdelay $0x1  }
0xa1: {  	s23 =	simm.s32 $0x1B8B  }
0xa2: {  	_ =	swait.ge [sflag:s23], $0x1  }
0xa3: {  	[sflag:s23] =	ssyncset.done $0x0  }
0xa4: {  	s25 =	simm.s32 $0x1B8E;
	s24 =	sld [smem:$0x3FFE];
	[sflag:s23] =	ssyncadd.s32 $0xFFFFFFFF  }
0xa5: {  	s26 =	simm.s32 $execute0_lowered;
	[smem:$0x3FD2] =	sst s25  }
0xa6: {  	s5 =	sshll.u32 s26, $0x1;
	_ =	strace $0x80000046;
	[dreg:$0x1] =	wrdreg $0xFFFFFFFF  }
0xa7: {  	s28 =	simm.s32 $_size_execute0_lowered;
	s3 =	sadd.s32 s3, s5;
	[dreg:$0x0] =	wrdreg $0x0  }
0xa8: {  	s5 =	sshll.u32 s28, $0x1;
	[dreg:$0x2] =	wrdreg s3  }
0xa9: {  	[dreg:$0x3] =	wrdreg s5  }
0xaa: {  	[dreg:$0x4] =	wrdreg $0xC0  }
0xab: {  	_ =	task [dreg:s7], $0x5FFFF  }
0xac: {  	[dreg:$0x1] =	wrdreg $0xFFFFFFFF  }
0xad: {  	[dreg:$0x0] =	wrdreg $0x60  }
0xae: {  	[dreg:$0x2] =	wrdreg s24  }
0xaf: {  	[dreg:$0x3] =	wrdreg s2  }
0xb0: {  	[dreg:$0x4] =	wrdreg $0x86000  }
0xb1: {  	[dreg:$0x5] =	wrdreg $0x1C6000  }
0xb2: {  	[dreg:$0x6] =	wrdreg $0x9  }
0xb3: {  	_ =	task.clear_ibuf [dreg:s7], $0x7FFFF;
	_ =	strace $0x90000046  }
0xb4: {  	s29 =	simm.s32 $0x9;
	_ =	strace $0x80000048  }
0xb5: {  	_ =	swait.ge [sflag:s29], $0x1  }
0xb6: {  	[sflag:s29] =	ssyncadd.s32 $0xFFFFFFFF  }
0xb7: {  	_ =	strace $0x90000048  }
0xb8: {  	_ =	sfence  }
0xb9: {  	s30 =	sld [smem:$0x0];
	_ =	sdelay $0x2  }
0xba: {  	s31 =	sshll.u32 s1, $0xD;
	s1 =	sshrl.u32 s1, $0x2  }
0xbb: {  	s3 =	sand.u32 $0x4000, s31;
	s1 =	sadd.s32 s1, s30  }
0xbc: {  	s0 =	sor.u32 s3, s0;
	s1 =	sshll.u32 s1, $0x11  }
0xbd: {  	s0 =	sor.u32 s1, s0  }
0xbe: {  	s0 =	sadd.s32 $0x8F2B, s0  }
0xbf: {  	[sflag:s0] =	ssyncadd.remote.s32 $0x1  }
0xc0: {  	_ =	sfence.sel $0xFFFF  }
0xc1: {  	[dreg:$0x0] =	wrdreg $0xFFFFFFFF;
	(pc) =	sbr.abs _section_cstart, $3  }
0xc2: {  	[dreg:$0x1] =	wrdreg $0xFFFFFFFF  }
0xc3: {  	_ =	task.clear_ibuf [dreg:s7], $0x2FFFF;
	_ =	strace $0x9FFFFFFF  }
0xc4: {  	(tm) =	ssettm $0x7FFFFFFF  }
0xc5: {  	_ =	shalt  }
tec
execute0_lowered:
.L_overlay_start_1:
0x0: {  	(tag) =	ssettag $0x1  }
0x1: {  	s0 =	rddreg [dreg:$0x0]  }
0x2: {  	s2 =	rddreg [dreg:$0x1]  }
0x3: {  	s1 =	rddreg [dreg:$0x2]  }
0x4: {  	s6 =	rddreg [dreg:$0x3];
	s14 =	stileid.u32  }
0x5: {  	s3 =	srdreg.scid;
	s28 =	simm.s32 $0x400;
	s8 =	smul.u32 $0x14000, s14  }
0x6: {  	s5 =	sand.u32 $0x1, s3;
	s3 =	simm.s32 $0x0;
	s23 =	smul.u32 $0x50000, s14  }
0x7: {  	s4 =	sadd.s32 $0x2400, s0;
	s22 =	sshrl.u32 s14, $0x3;
	s7 =	smul.u32 $0x140000, s5  }
0x8: {  	s10 =	sshll.u32 s14, $0x7;
	[smem:$0x7FF] =	sst s3;
	s9 =	smul.u32 $0x2800, s5  }
0x9: {  	s11 =	smul.u32 $0x1400, s22;
	s12 =	sshll.u32 s5, $0x4;
	s10 =	sand.u32 $0x380, s10  }
0xa: {  	s5 =	ssub.s32 $0x2, s5;
	_ =	strace $0x80000047;
	s12 =	sor.u32 s14, s12  }
0xb: {  	s13 =	sshrl.u32 s5, $0x1;
	s7 =	sadd.s32 s8, s7;
	s8 =	smul.u32 $0x50000, s22  }
0xc: {  	s14 =	smul.u32 $0x5000, s14;
	s9 =	sadd.s32 s9, s11;
	s12 =	sshrl.u32 s12, $0x3  }
0xd: {  	s11 =	sshrl.u32 s23, $0x2;
	s24 =	ssub.s32 s5, s13;
	s8 =	sshrl.u32 s8, $0x2  }
0xe: {  	s7 =	sshrl.u32 s7, $0x3;
	s26 =	sshrl.u32 s14, $0x2;
	s8 =	sadd.s32 s8, s6  }
0xf: {  	s9 =	sor.u32 s10, s9;
	s6 =	sadd.s32 s26, s6;
	s29 =	sadd.s32 s10, s8  }
0x10: {  	s12 =	smul.u32 $0x14000, s12;
	s30 =	sadd.s32 $0x200, s6;
	[dreg:$0x6] =	wrdreg s29  }
0x11: {  	s5 =	sadd.s32 s11, s1;
	s8 =	sadd.s32 $0x14000, s6;
	[dreg:$0x7] =	wrdreg s30  }
0x12: {  	s25 =	sor.u32 s10, s12;
	s10 =	sadd.s32 $0x14200, s6;
	[dreg:$0x8] =	wrdreg s8  }
0x13: {  	s7 =	sadd.s32 s7, s0;
	s13 =	sadd.s32 $0x400, s6;
	[dreg:$0x9] =	wrdreg s10  }
0x14: {  	s9 =	sshrl.u32 s9, $0x3;
	s14 =	sadd.s32 $0x800, s6;
	[dreg:$0xb] =	wrdreg s13  }
0x15: {  	s0 =	sadd.s32 s9, s0;
	s15 =	sadd.s32 $0xC00, s6;
	[dreg:$0xc] =	wrdreg s14  }
0x16: {  	s9 =	simm.s32 $0x4A00;
	s16 =	sadd.s32 $0x1000, s6;
	[dreg:$0xd] =	wrdreg s15  }
0x17: {  	s11 =	sshrl.u32 s25, $0x3;
	s17 =	sadd.s32 $0x600, s6;
	[dreg:$0xe] =	wrdreg s16  }
0x18: {  	s12 =	sadd.s32 $0x2A400, s0;
	s18 =	sadd.s32 $0xA00, s6;
	[dreg:$0xf] =	wrdreg s17  }
0x19: {  	s19 =	sadd.s32 $0xE00, s6;
	s20 =	sadd.s32 $0x1200, s6;
	[dreg:$0x10] =	wrdreg s18  }
0x1a: {  	s21 =	sadd.s32 $0x14400, s6;
	s22 =	sadd.s32 $0x14800, s6;
	[dreg:$0x11] =	wrdreg s19  }
0x1b: {  	s23 =	sadd.s32 $0x14C00, s6;
	s25 =	sadd.s32 $0x2AE00, s7;
	[dreg:$0x12] =	wrdreg s20  }
0x1c: {  	s26 =	sadd.s32 $0x14600, s6;
	s31 =	sadd.s32 $0x15200, s6;
	[dreg:$0x13] =	wrdreg s21  }
0x1d: {  	s0 =	simm.s32 $0x2800;
	s2 =	sadd.s32 s2, s11;
	[dreg:$0x14] =	wrdreg s22  }
0x1e: {  	s11 =	smax.u32 s24, $0x1;
	[dreg:$0x15] =	wrdreg s23;
	s24 =	sadd.s32 $0x15000, s6  }
0x1f: {  	[dreg:$0x17] =	wrdreg s26;
	s29 =	sadd.s32 $0x14A00, s6;
	s30 =	sadd.s32 $0x14E00, s6  }
0x20: {  	s26 =	simm.s32 $0x80;
	s10 =	simm.s32 $0x20;
	s13 =	simm.s32 $0x4900  }
0x21: {  	s14 =	simm.s32 $0x3800;
	s15 =	simm.s32 $0x1;
	[dreg:$0x5] =	wrdreg s2  }
0x22: {  	s16 =	simm.s32 $0x4880;
	s17 =	simm.s32 $0x2;
	[dreg:$0xa] =	wrdreg s11  }
0x23: {  	s18 =	simm.s32 $0x4980;
	s19 =	simm.s32 $0x7200;
	[dreg:$0x16] =	wrdreg s24  }
0x24: {  	s20 =	simm.s32 $0x7600;
	s21 =	simm.s32 $0x7A00;
	[dreg:$0x18] =	wrdreg s29  }
0x25: {  	s22 =	simm.s32 $0x7E00;
	s23 =	simm.s32 $0x8200;
	[dreg:$0x19] =	wrdreg s30  }
0x26: {  	v0 =	vimm.f32 $0.0e+00;
	v1 =	vimm.f32 $1.000000000e+00;
	s2 =	simm.s32 $0x3;
	s11 =	simm.s32 $0x4800;
	s24 =	simm.s32 $0x0  }
.LBB2_1:
0x27: {  	s7 =	simm.s32 $0x0;
	s8 =	simm.s32 $0x200  }
.LBB2_2:
0x28: {  	p0 =	sne.s32 s8, $0x1E00;
	[tilespmem:s7+$0x2870] =	vst v0  }
0x29: {  	[tilespmem:s7+$0x2800] =	vst v0  }
0x2a: {  	[tilespmem:s7+$0x2810] =	vst v0  }
.Ltmp0:
0x2b: {  	[tilespmem:s7+$0x2820] =	vst v0;
	(pc) =	sbr.rel @p0 .LBB2_2-.Ltmp0, $4  }
0x2c: {  	[tilespmem:s7+$0x2830] =	vst v0  }
0x2d: {  	[tilespmem:s7+$0x2840] =	vst v0  }
0x2e: {  	[tilespmem:s7+$0x2850] =	vst v0  }
0x2f: {  	[tilespmem:s7+$0x2860] =	vst v0;
	s7 =	sshra.s32 s8, $0x2;
	s8 =	sadd.s32 $0x200, s8  }
0x30: {  	[tilespmem:s7+$0x2870] =	vst v0  }
0x31: {  	[tilespmem:s7+$0x2800] =	vst v0  }
0x32: {  	[tilespmem:s7+$0x2810] =	vst v0  }
0x33: {  	[tilespmem:s7+$0x2820] =	vst v0  }
0x34: {  	[tilespmem:s7+$0x2830] =	vst v0  }
0x35: {  	[tilespmem:s7+$0x2840] =	vst v0  }
0x36: {  	[tilespmem:s7+$0x2850] =	vst v0  }
0x37: {  	[tilespmem:s7+$0x2860] =	vst v0;
	s30 =	sadd.s32 $0x0, s5  }
0x38: {  	[spmem:s30] =	stream.linear.scatter [tilespmem:s0], [sflag:$0x3], $0x800, $0x38;
	[tilespmem:$0x1EE00] =	vst v63  }
0x39: {  	s7 =	simm.s32 $0x2000;
	_ =	swait.ge [sflag:s2], $0x800  }
.LBB2_4:
0x3a: {  	s8 =	sshra.s32 s7, $0x2;
	[sflag:s2] =	ssyncset.done $0x0;
	p0 =	sne.s32 s7, $0x4E000  }
.Ltmp1:
0x3b: {  	s8 =	sadd.s32 s8, s5;
	[sflag:s2] =	ssyncadd.s32 $0xFFFFF800;
	(pc) =	sbr.rel @p0 .LBB2_4-.Ltmp1, $3  }
0x3c: {  	[spmem:s8] =	stream.linear.scatter [tilespmem:s0], [sflag:$0x3], $0x800, $0x38;
	[tilespmem:$0x1EE00] =	vst v63  }
0x3d: {  	s7 =	sadd.s32 $0x2000, s7;
	_ =	sdelay $0x1  }
0x3e: {  	_ =	swait.ge [sflag:s2], $0x800  }
0x3f: {  	[sflag:s2] =	ssyncset.done $0x0  }
0x40: {  	s7 =	simm.s32 $0x40;
	s8 =	simm.s32 $0x0;
	[sflag:s2] =	ssyncadd.s32 $0xFFFFF800  }
.LBB2_6:
0x41: {  	p0 =	sne.s32 s7, $0x9FC0;
	[tilespmem:s8+$0x4A00] =	vst v0;
	s8 =	smov.u32 s7;
	s7 =	sadd.s32 $0x40, s7  }
.Ltmp2:
0x42: {  	(pc) =	sbr.rel @p0 .LBB2_6-.Ltmp2, $2  }
0x43: {  	_ =	sdelay $0x2  }
0x44: {  	s8 =	sshra.s32 s8, $0x2  }
0x45: {  	[tilespmem:s8+$0x4A00] =	vst v0;
	s7 =	simm.s32 $0x0;
	s30 =	rddreg [dreg:$0x5]  }
0x46: {  	[tilespmem:s7], [sflag:$0x3] =	stream.strided.gather [hbm4b:s30+s26], $0x2800, s28, s26, $0x38;
	[tilespmem:$0x1EE00] =	vst v63  }
0x47: {  	_ =	swait.ge [sflag:s2], $0x2800  }
0x48: {  	[sflag:s2] =	ssyncset.done $0x0  }
0x49: {  	[sflag:s2] =	ssyncadd.s32 $0xFFFFD800  }
0x4a: {  	[bflag:$0x0] =	sbarrier.arrive $0xFFFF  }
0x4b: {  	v2 =	vld [tilespmem:$0x0];
	_ =	sdelay $0x4  }
0x4c: {  	v3 =	vshrl.u32 v2, $0x10;
	_ =	sdelay $0x1  }
0x4d: {  	v2 =	vand.u32 $0xFFFF, v2  }
0x4e: {  	[tilespmem:$0x4800] =	vst v2  }
0x4f: {  	[tilespmem:$0x4880] =	vst v3  }
0x50: {  	[tilespmem:v3+s9+$0x0] =	vst.idx.add.f32.msk $0xffff, v1  }
0x51: {  	v2 =	vld [tilespmem:$0x10];
	_ =	sdelay $0x4  }
0x52: {  	v3 =	vshrl.u32 v2, $0x10;
	_ =	sdelay $0x1  }
0x53: {  	v2 =	vand.u32 $0xFFFF, v2  }
0x54: {  	[tilespmem:$0x4810] =	vst v2  }
0x55: {  	[tilespmem:$0x4890] =	vst v3  }
0x56: {  	[tilespmem:v3+s9+$0x0] =	vst.idx.add.f32.msk $0xffff, v1  }
0x57: {  	[tilespmem:s0], [sflag:$0x1] =	stream.indirect.gather [hbm4b:s4+s10], $0x80, s11, s10, $0xb8;
	[tilespmem:$0x1EE00] =	vst v63  }
.LBB2_8:
0x58: {  	s8 =	sshra.s32 s7, $0x2  }
0x59: {  	v2 =	vld [tilespmem:s8+$0x20];
	_ =	sdelay $0x4  }
0x5a: {  	v3 =	vshrl.u32 v2, $0x10;
	_ =	sdelay $0x1  }
0x5b: {  	v2 =	vand.u32 $0xFFFF, v2  }
0x5c: {  	[tilespmem:$0x4900] =	vst v2  }
0x5d: {  	[tilespmem:$0x4980] =	vst v3  }
0x5e: {  	[tilespmem:v3+s9+$0x0] =	vst.idx.add.f32.msk $0xffff, v1  }
0x5f: {  	v2 =	vld [tilespmem:s8+$0x30];
	_ =	sdelay $0x4  }
0x60: {  	v3 =	vshrl.u32 v2, $0x10;
	_ =	sdelay $0x1  }
0x61: {  	v2 =	vand.u32 $0xFFFF, v2  }
0x62: {  	[tilespmem:$0x4910] =	vst v2  }
0x63: {  	[tilespmem:$0x4990] =	vst v3  }
0x64: {  	[tilespmem:v3+s9+$0x0] =	vst.idx.add.f32.msk $0xffff, v1  }
0x65: {  	[tilespmem:s14], [sflag:$0x2] =	stream.indirect.gather [hbm4b:s4+s10], $0x80, s13, s10, $0xb8;
	[tilespmem:$0x1EE00] =	vst v63  }
0x66: {  	_ =	swait.ge [sflag:s15], $0x1000  }
0x67: {  	[sflag:s15] =	ssyncset.done $0x0  }
0x68: {  	[sflag:s15] =	ssyncadd.s32 $0xFFFFF000  }
0x69: {  	[spmem:s1] =	stream.indirect.scatter.add.f32 [tilespmem:s0], [sflag:$0x3], $0x80, s16, s10, $0xb8;
	[tilespmem:$0x1EE00] =	vst v63  }
0x6a: {  	_ =	swait.ge [sflag:s2], $0x1000  }
0x6b: {  	[sflag:s2] =	ssyncset.done $0x0  }
0x6c: {  	[sflag:s2] =	ssyncadd.s32 $0xFFFFF000  }
0x6d: {  	v2 =	vld [tilespmem:s8+$0x40];
	_ =	sdelay $0x4  }
0x6e: {  	v3 =	vshrl.u32 v2, $0x10;
	_ =	sdelay $0x1  }
0x6f: {  	v2 =	vand.u32 $0xFFFF, v2  }
0x70: {  	[tilespmem:$0x4800] =	vst v2  }
0x71: {  	[tilespmem:$0x4880] =	vst v3  }
0x72: {  	[tilespmem:v3+s9+$0x0] =	vst.idx.add.f32.msk $0xffff, v1  }
0x73: {  	v2 =	vld [tilespmem:s8+$0x50];
	_ =	sdelay $0x4  }
0x74: {  	v3 =	vshrl.u32 v2, $0x10;
	_ =	sdelay $0x1  }
0x75: {  	v2 =	vand.u32 $0xFFFF, v2  }
0x76: {  	[tilespmem:$0x4810] =	vst v2  }
0x77: {  	[tilespmem:$0x4890] =	vst v3  }
0x78: {  	[tilespmem:v3+s9+$0x0] =	vst.idx.add.f32.msk $0xffff, v1  }
0x79: {  	[tilespmem:s0], [sflag:$0x1] =	stream.indirect.gather [hbm4b:s4+s10], $0x80, s11, s10, $0xb8;
	[tilespmem:$0x1EE00] =	vst v63  }
0x7a: {  	_ =	swait.ge [sflag:s17], $0x1000  }
0x7b: {  	p0 =	sne.s32 s7, $0x9E00;
	[sflag:s17] =	ssyncset.done $0x0  }
.Ltmp3:
0x7c: {  	[sflag:s17] =	ssyncadd.s32 $0xFFFFF000;
	(pc) =	sbr.rel @p0 .LBB2_8-.Ltmp3, $4  }
0x7d: {  	[spmem:s1] =	stream.indirect.scatter.add.f32 [tilespmem:s14], [sflag:$0x3], $0x80, s18, s10, $0xb8;
	[tilespmem:$0x1EE00] =	vst v63  }
0x7e: {  	_ =	swait.ge [sflag:s2], $0x1000  }
0x7f: {  	[sflag:s2] =	ssyncset.done $0x0  }
0x80: {  	s7 =	sadd.s32 $0x100, s7;
	[sflag:s2] =	ssyncadd.s32 $0xFFFFF000  }
0x81: {  	v2 =	vld [tilespmem:$0x27E0];
	_ =	sdelay $0x4  }
0x82: {  	v3 =	vshrl.u32 v2, $0x10;
	_ =	sdelay $0x1  }
0x83: {  	v2 =	vand.u32 $0xFFFF, v2  }
0x84: {  	[tilespmem:$0x4900] =	vst v2  }
0x85: {  	[tilespmem:$0x4980] =	vst v3  }
0x86: {  	[tilespmem:v3+s9+$0x0] =	vst.idx.add.f32.msk $0xffff, v1  }
0x87: {  	v2 =	vld [tilespmem:$0x27F0];
	_ =	sdelay $0x4  }
0x88: {  	v3 =	vshrl.u32 v2, $0x10;
	_ =	sdelay $0x1  }
0x89: {  	v2 =	vand.u32 $0xFFFF, v2  }
0x8a: {  	[tilespmem:$0x4910] =	vst v2  }
0x8b: {  	[tilespmem:$0x4990] =	vst v3  }
0x8c: {  	[tilespmem:v3+s9+$0x0] =	vst.idx.add.f32.msk $0xffff, v1  }
0x8d: {  	[tilespmem:s14], [sflag:$0x2] =	stream.indirect.gather [hbm4b:s4+s10], $0x80, s13, s10, $0xb8;
	[tilespmem:$0x1EE00] =	vst v63  }
0x8e: {  	_ =	swait.ge [sflag:s15], $0x1000  }
0x8f: {  	[sflag:s15] =	ssyncset.done $0x0  }
0x90: {  	[sflag:s15] =	ssyncadd.s32 $0xFFFFF000  }
0x91: {  	[spmem:s1] =	stream.indirect.scatter.add.f32 [tilespmem:s0], [sflag:$0x3], $0x80, s16, s10, $0xb8;
	[tilespmem:$0x1EE00] =	vst v63  }
0x92: {  	_ =	swait.ge [sflag:s2], $0x1000  }
0x93: {  	[sflag:s2] =	ssyncset.done $0x0  }
0x94: {  	[sflag:s2] =	ssyncadd.s32 $0xFFFFF000  }
0x95: {  	_ =	swait.ge [sflag:s17], $0x1000  }
0x96: {  	[sflag:s17] =	ssyncset.done $0x0  }
0x97: {  	[sflag:s17] =	ssyncadd.s32 $0xFFFFF000  }
0x98: {  	[spmem:s1] =	stream.indirect.scatter.add.f32 [tilespmem:s14], [sflag:$0x3], $0x80, s18, s10, $0xb8;
	[tilespmem:$0x1EE00] =	vst v63  }
0x99: {  	_ =	swait.ge [sflag:s2], $0x1000  }
0x9a: {  	[sflag:s2] =	ssyncset.done $0x0  }
0x9b: {  	s7 =	rddreg [dreg:$0x6];
	[sflag:s2] =	ssyncadd.s32 $0xFFFFF000  }
0x9c: {  	[spmem:s7] =	stream.strided.scatter [tilespmem:s9], [sflag:$0x3], $0x2800, s28, s26, $0x38;
	[tilespmem:$0x1EE00] =	vst v63  }
0x9d: {  	_ =	swait.ge [sflag:s2], $0x2800  }
0x9e: {  	[sflag:s2] =	ssyncset.done $0x0  }
0x9f: {  	[sflag:s2] =	ssyncadd.s32 $0xFFFFD800  }
0xa0: {  	[bflag:$0x0] =	sbarrier.arrive $0xFFFF  }
0xa1: {  	[tilespmem:s0], [sflag:$0x3] =	stream.linear.gather [spmem:s5], $0x800, $0x38;
	[tilespmem:$0x1EE00] =	vst v63  }
0xa2: {  	_ =	swait.ge [sflag:s2], $0x800  }
0xa3: {  	[sflag:s2] =	ssyncset.done $0x0  }
0xa4: {  	s30 =	sadd.s32 $0x0, s25;
	[sflag:s2] =	ssyncadd.s32 $0xFFFFF800  }
0xa5: {  	[hbm4b:s30+s3] =	stream.linear.scatter [tilespmem:s0], [sflag:$0x3], $0x800, $0x38;
	[tilespmem:$0x1EE00] =	vst v63  }
0xa6: {  	_ =	swait.ge [sflag:s2], $0x800  }
0xa7: {  	s8 =	smov.u32 s5;
	s7 =	simm.s32 $0x100;
	[sflag:s2] =	ssyncset.done $0x0  }
.LBB2_10:
0xa8: {  	p0 =	sne.s32 s7, $0x2700;
	[sflag:s2] =	ssyncadd.s32 $0xFFFFF800;
	s8 =	sadd.s32 $0x800, s8  }
0xa9: {  	[tilespmem:s0], [sflag:$0x3] =	stream.linear.gather [spmem:s8], $0x800, $0x38;
	[tilespmem:$0x1EE00] =	vst v63  }
0xaa: {  	s26 =	smov.u32 s7;
	s7 =	sadd.s32 $0x100, s7;
	_ =	swait.ge [sflag:s2], $0x800  }
.Ltmp4:
0xab: {  	[sflag:s2] =	ssyncset.done $0x0;
	(pc) =	sbr.rel @p0 .LBB2_10-.Ltmp4, $4  }
0xac: {  	s26 =	sadd.s32 s26, s25;
	[sflag:s2] =	ssyncadd.s32 $0xFFFFF800  }
0xad: {  	[hbm4b:s26+s3] =	stream.linear.scatter [tilespmem:s0], [sflag:$0x3], $0x800, $0x38;
	[tilespmem:$0x1EE00] =	vst v63  }
0xae: {  	_ =	swait.ge [sflag:s2], $0x800  }
0xaf: {  	[sflag:s2] =	ssyncset.done $0x0  }
0xb0: {  	[sflag:s2] =	ssyncadd.s32 $0xFFFFF800  }
0xb1: {  	[tilespmem:s19], [sflag:$0x3] =	stream.linear.gather [spmem:s6], $0x200, $0x38;
	[tilespmem:$0x1EE00] =	vst v63  }
0xb2: {  	s7 =	rddreg [dreg:$0xb]  }
0xb3: {  	[tilespmem:s20], [sflag:$0x3] =	stream.linear.gather [spmem:s7], $0x200, $0x38;
	[tilespmem:$0x1EE00] =	vst v63  }
0xb4: {  	s30 =	rddreg [dreg:$0xc]  }
0xb5: {  	[tilespmem:s21], [sflag:$0x3] =	stream.linear.gather [spmem:s30], $0x200, $0x38;
	[tilespmem:$0x1EE00] =	vst v63  }
0xb6: {  	s8 =	rddreg [dreg:$0xd]  }
0xb7: {  	[tilespmem:s22], [sflag:$0x3] =	stream.linear.gather [spmem:s8], $0x200, $0x38;
	[tilespmem:$0x1EE00] =	vst v63  }
0xb8: {  	s26 =	rddreg [dreg:$0xe]  }
0xb9: {  	[tilespmem:s23], [sflag:$0x3] =	stream.linear.gather [spmem:s26], $0x200, $0x38;
	[tilespmem:$0x1EE00] =	vst v63  }
0xba: {  	s29 =	simm.s32 $0x0;
	_ =	swait.ge [sflag:s2], $0xA00  }
0xbb: {  	s7 =	sand.u32 $0x1C00, s29;
	s8 =	sand.u32 $0x70, s29;
	[sflag:s2] =	ssyncset.done $0x0  }
0xbc: {  	s7 =	sor.u32 s8, s7;
	[sflag:s2] =	ssyncadd.s32 $0xFFFFF600  }
0xbd: {  	v4 =	vld [tilespmem:s7+$0x7200]  }
0xbe: {  	v5 =	vld [tilespmem:s7+$0x7280];
	_ =	sdelay $0x1  }
0xbf: {  	s30 =	simm.s32 $0x10;
	s26 =	simm.s32 $0x80;
	v6 =	vld [tilespmem:s7+$0x7300]  }
0xc0: {  	s8 =	sand.u32 $0x70, s30;
	s26 =	sand.u32 $0x1C00, s26  }
0xc1: {  	s8 =	sor.u32 s8, s26;
	v3 =	vld [tilespmem:s7+$0x7380]  }
0xc2: {  	v2 =	vld [tilespmem:s8+$0x7200];
	v4 =	vadd.f32 v5, v4  }
0xc3: {  	v5 =	vld [tilespmem:s8+$0x7280]  }
0xc4: {  	v6 =	vadd.f32 v6, v4  }
0xc5: {  	s28 =	simm.s32 $0x100;
	s26 =	simm.s32 $0x20;
	v4 =	vld [tilespmem:s8+$0x7300]  }
.LBB2_12:
0xc6: {  	s29 =	sand.u32 $0x70, s26;
	s30 =	sand.u32 $0x1C00, s28;
	v6 =	vadd.f32 v3, v6;
	p0 =	sne.s32 s26, $0x270  }
.Ltmp5:
0xc7: {  	s26 =	sadd.s32 $0x10, s26;
	s29 =	sor.u32 s29, s30;
	v3 =	vld [tilespmem:s8+$0x7380];
	(pc) =	sbr.rel @p0 .LBB2_12-.Ltmp5, $4  }
0xc8: {  	v7 =	vadd.f32 v5, v2;
	v2 =	vld [tilespmem:s29+$0x7200];
	[tilespmem:s7+$0x7400] =	vst v6;
	s7 =	smov.u32 s8;
	s8 =	smov.u32 s29  }
0xc9: {  	v5 =	vld [tilespmem:s8+$0x7280]  }
0xca: {  	v6 =	vadd.f32 v4, v7  }
0xcb: {  	s28 =	sadd.s32 $0x80, s28;
	v4 =	vld [tilespmem:s8+$0x7300]  }
0xcc: {  	_ = 	snop  }
0xcd: {  	v7 =	vld [tilespmem:s8+$0x7380]  }
0xce: {  	v2 =	vadd.f32 v5, v2;
	_ =	sdelay $0x1  }
0xcf: {  	v2 =	vadd.f32 v4, v2  }
0xd0: {  	v3 =	vadd.f32 v3, v6  }
0xd1: {  	v2 =	vadd.f32 v7, v2  }
0xd2: {  	[tilespmem:s7+$0x7400] =	vst v3  }
0xd3: {  	[tilespmem:s8+$0x7400] =	vst v2;
	s8 =	rddreg [dreg:$0x7]  }
0xd4: {  	[tilespmem:s19], [sflag:$0x3] =	stream.linear.gather [spmem:s8], $0x200, $0x38;
	[tilespmem:$0x1EE00] =	vst v63  }
0xd5: {  	s26 =	rddreg [dreg:$0xf]  }
0xd6: {  	[tilespmem:s20], [sflag:$0x3] =	stream.linear.gather [spmem:s26], $0x200, $0x38;
	[tilespmem:$0x1EE00] =	vst v63  }
0xd7: {  	s29 =	rddreg [dreg:$0x10]  }
0xd8: {  	[tilespmem:s21], [sflag:$0x3] =	stream.linear.gather [spmem:s29], $0x200, $0x38;
	[tilespmem:$0x1EE00] =	vst v63  }
0xd9: {  	s30 =	rddreg [dreg:$0x11]  }
0xda: {  	[tilespmem:s22], [sflag:$0x3] =	stream.linear.gather [spmem:s30], $0x200, $0x38;
	[tilespmem:$0x1EE00] =	vst v63  }
0xdb: {  	s8 =	rddreg [dreg:$0x12]  }
0xdc: {  	[tilespmem:s23], [sflag:$0x3] =	stream.linear.gather [spmem:s8], $0x200, $0x38;
	[tilespmem:$0x1EE00] =	vst v63  }
0xdd: {  	s26 =	simm.s32 $0x0;
	_ =	swait.ge [sflag:s2], $0xA00  }
0xde: {  	s7 =	sand.u32 $0x1C00, s26;
	s29 =	sand.u32 $0x70, s26;
	[sflag:s2] =	ssyncset.done $0x0  }
0xdf: {  	s7 =	sor.u32 s29, s7;
	[sflag:s2] =	ssyncadd.s32 $0xFFFFF600  }
0xe0: {  	v4 =	vld [tilespmem:s7+$0x7200]  }
0xe1: {  	v5 =	vld [tilespmem:s7+$0x7280];
	_ =	sdelay $0x1  }
0xe2: {  	v2 =	vld [tilespmem:s7+$0x7300];
	_ =	sdelay $0x1  }
0xe3: {  	s26 =	simm.s32 $0x80;
	s30 =	simm.s32 $0x10;
	v3 =	vld [tilespmem:s7+$0x7380]  }
0xe4: {  	s28 =	sand.u32 $0x1C00, s26;
	s8 =	sand.u32 $0x70, s30;
	v5 =	vadd.f32 v5, v4  }
0xe5: {  	s8 =	sor.u32 s8, s28;
	s28 =	simm.s32 $0x20;
	v4 =	vld [tilespmem:s7+$0x7400]  }
.LBB2_14:
0xe6: {  	p0 =	sne.s32 s28, $0x270;
	v6 =	vld [tilespmem:s8+$0x7200];
	v2 =	vadd.f32 v2, v5  }
0xe7: {  	v5 =	vld [tilespmem:s8+$0x7280]  }
0xe8: {  	v3 =	vadd.f32 v3, v2  }
.Ltmp6:
0xe9: {  	v2 =	vld [tilespmem:s8+$0x7300];
	(pc) =	sbr.rel @p0 .LBB2_14-.Ltmp6, $4  }
0xea: {  	v4 =	vadd.f32 v4, v3  }
0xeb: {  	s26 =	sadd.s32 $0x80, s26;
	v3 =	vld [tilespmem:s8+$0x7380]  }
0xec: {  	s29 =	sand.u32 $0x70, s28;
	s30 =	sand.u32 $0x1C00, s26;
	v5 =	vadd.f32 v5, v6;
	[tilespmem:s7+$0x7400] =	vst v4;
	s7 =	smov.u32 s8  }
0xed: {  	s28 =	sadd.s32 $0x10, s28;
	s8 =	sor.u32 s29, s30;
	v4 =	vld [tilespmem:s7+$0x7400]  }
0xee: {  	v6 =	vld [tilespmem:s8+$0x7200];
	v2 =	vadd.f32 v2, v5  }
0xef: {  	v5 =	vld [tilespmem:s8+$0x7280]  }
0xf0: {  	v2 =	vadd.f32 v3, v2  }
0xf1: {  	v3 =	vld [tilespmem:s8+$0x7300]  }
0xf2: {  	v2 =	vadd.f32 v4, v2  }
0xf3: {  	v4 =	vld [tilespmem:s8+$0x7380]  }
0xf4: {  	v5 =	vadd.f32 v5, v6;
	[tilespmem:s7+$0x7400] =	vst v2  }
0xf5: {  	v2 =	vld [tilespmem:s8+$0x7400]  }
0xf6: {  	v3 =	vadd.f32 v3, v5;
	_ =	sdelay $0x1  }
0xf7: {  	v3 =	vadd.f32 v4, v3;
	_ =	sdelay $0x1  }
0xf8: {  	v2 =	vadd.f32 v2, v3;
	_ =	sdelay $0x1  }
0xf9: {  	[tilespmem:s8+$0x7400] =	vst v2;
	s8 =	rddreg [dreg:$0x8]  }
0xfa: {  	[tilespmem:s19], [sflag:$0x3] =	stream.linear.gather [spmem:s8], $0x200, $0x38;
	[tilespmem:$0x1EE00] =	vst v63  }
0xfb: {  	s26 =	rddreg [dreg:$0x13]  }
0xfc: {  	[tilespmem:s20], [sflag:$0x3] =	stream.linear.gather [spmem:s26], $0x200, $0x38;
	[tilespmem:$0x1EE00] =	vst v63  }
0xfd: {  	s29 =	rddreg [dreg:$0x14]  }
0xfe: {  	[tilespmem:s21], [sflag:$0x3] =	stream.linear.gather [spmem:s29], $0x200, $0x38;
	[tilespmem:$0x1EE00] =	vst v63  }
0xff: {  	s30 =	rddreg [dreg:$0x15]  }
0x100: {  	[tilespmem:s22], [sflag:$0x3] =	stream.linear.gather [spmem:s30], $0x200, $0x38;
	[tilespmem:$0x1EE00] =	vst v63  }
0x101: {  	s8 =	rddreg [dreg:$0x16]  }
0x102: {  	[tilespmem:s23], [sflag:$0x3] =	stream.linear.gather [spmem:s8], $0x200, $0x38;
	[tilespmem:$0x1EE00] =	vst v63  }
0x103: {  	s26 =	simm.s32 $0x0;
	_ =	swait.ge [sflag:s2], $0xA00  }
0x104: {  	s7 =	sand.u32 $0x1C00, s26;
	s29 =	sand.u32 $0x70, s26;
	[sflag:s2] =	ssyncset.done $0x0  }
0x105: {  	s7 =	sor.u32 s29, s7;
	[sflag:s2] =	ssyncadd.s32 $0xFFFFF600  }
0x106: {  	v4 =	vld [tilespmem:s7+$0x7200]  }
0x107: {  	v5 =	vld [tilespmem:s7+$0x7280];
	_ =	sdelay $0x1  }
0x108: {  	v2 =	vld [tilespmem:s7+$0x7300];
	_ =	sdelay $0x1  }
0x109: {  	s26 =	simm.s32 $0x80;
	s30 =	simm.s32 $0x10;
	v3 =	vld [tilespmem:s7+$0x7380]  }
0x10a: {  	s28 =	sand.u32 $0x1C00, s26;
	s8 =	sand.u32 $0x70, s30;
	v5 =	vadd.f32 v5, v4  }
0x10b: {  	s8 =	sor.u32 s8, s28;
	s28 =	simm.s32 $0x20;
	v4 =	vld [tilespmem:s7+$0x7400]  }
.LBB2_16:
0x10c: {  	p0 =	sne.s32 s28, $0x270;
	v6 =	vld [tilespmem:s8+$0x7200];
	v2 =	vadd.f32 v2, v5  }
0x10d: {  	v5 =	vld [tilespmem:s8+$0x7280]  }
0x10e: {  	v3 =	vadd.f32 v3, v2  }
.Ltmp7:
0x10f: {  	v2 =	vld [tilespmem:s8+$0x7300];
	(pc) =	sbr.rel @p0 .LBB2_16-.Ltmp7, $4  }
0x110: {  	v4 =	vadd.f32 v4, v3  }
0x111: {  	s26 =	sadd.s32 $0x80, s26;
	v3 =	vld [tilespmem:s8+$0x7380]  }
0x112: {  	s29 =	sand.u32 $0x70, s28;
	s30 =	sand.u32 $0x1C00, s26;
	v5 =	vadd.f32 v5, v6;
	[tilespmem:s7+$0x7400] =	vst v4;
	s7 =	smov.u32 s8  }
0x113: {  	s28 =	sadd.s32 $0x10, s28;
	s8 =	sor.u32 s29, s30;
	v4 =	vld [tilespmem:s7+$0x7400]  }
0x114: {  	v6 =	vld [tilespmem:s8+$0x7200];
	v2 =	vadd.f32 v2, v5  }
0x115: {  	v5 =	vld [tilespmem:s8+$0x7280]  }
0x116: {  	v2 =	vadd.f32 v3, v2  }
0x117: {  	v3 =	vld [tilespmem:s8+$0x7300]  }
0x118: {  	v2 =	vadd.f32 v4, v2  }
0x119: {  	v4 =	vld [tilespmem:s8+$0x7380]  }
0x11a: {  	v5 =	vadd.f32 v5, v6;
	[tilespmem:s7+$0x7400] =	vst v2  }
0x11b: {  	v2 =	vld [tilespmem:s8+$0x7400]  }
0x11c: {  	v3 =	vadd.f32 v3, v5;
	_ =	sdelay $0x1  }
0x11d: {  	v3 =	vadd.f32 v4, v3;
	_ =	sdelay $0x1  }
0x11e: {  	v2 =	vadd.f32 v2, v3;
	_ =	sdelay $0x1  }
0x11f: {  	s26 =	rddreg [dreg:$0x9];
	[tilespmem:s8+$0x7400] =	vst v2  }
0x120: {  	[tilespmem:s19], [sflag:$0x3] =	stream.linear.gather [spmem:s26], $0x200, $0x38;
	[tilespmem:$0x1EE00] =	vst v63  }
0x121: {  	s29 =	rddreg [dreg:$0x17]  }
0x122: {  	[tilespmem:s20], [sflag:$0x3] =	stream.linear.gather [spmem:s29], $0x200, $0x38;
	[tilespmem:$0x1EE00] =	vst v63  }
0x123: {  	s30 =	rddreg [dreg:$0x18]  }
0x124: {  	[tilespmem:s21], [sflag:$0x3] =	stream.linear.gather [spmem:s30], $0x200, $0x38;
	[tilespmem:$0x1EE00] =	vst v63  }
0x125: {  	s8 =	rddreg [dreg:$0x19]  }
0x126: {  	[tilespmem:s22], [sflag:$0x3] =	stream.linear.gather [spmem:s8], $0x200, $0x38;
	[tilespmem:$0x1EE00] =	vst v63  }
0x127: {  	_ = 	snop  }
0x128: {  	[tilespmem:s23], [sflag:$0x3] =	stream.linear.gather [spmem:s31], $0x200, $0x38;
	[tilespmem:$0x1EE00] =	vst v63  }
0x129: {  	s26 =	simm.s32 $0x0;
	_ =	swait.ge [sflag:s2], $0xA00  }
0x12a: {  	s7 =	sand.u32 $0x1C00, s26;
	s29 =	sand.u32 $0x70, s26;
	[sflag:s2] =	ssyncset.done $0x0  }
0x12b: {  	s7 =	sor.u32 s29, s7;
	[sflag:s2] =	ssyncadd.s32 $0xFFFFF600  }
0x12c: {  	v4 =	vld [tilespmem:s7+$0x7200]  }
0x12d: {  	v5 =	vld [tilespmem:s7+$0x7280];
	_ =	sdelay $0x1  }
0x12e: {  	v2 =	vld [tilespmem:s7+$0x7300];
	_ =	sdelay $0x1  }
0x12f: {  	s26 =	simm.s32 $0x80;
	s30 =	simm.s32 $0x10;
	v3 =	vld [tilespmem:s7+$0x7380]  }
0x130: {  	s28 =	sand.u32 $0x1C00, s26;
	s8 =	sand.u32 $0x70, s30;
	v5 =	vadd.f32 v5, v4  }
0x131: {  	s8 =	sor.u32 s8, s28;
	s28 =	simm.s32 $0x20;
	v4 =	vld [tilespmem:s7+$0x7400]  }
.LBB2_18:
0x132: {  	p0 =	sne.s32 s28, $0x270;
	v6 =	vld [tilespmem:s8+$0x7200];
	v2 =	vadd.f32 v2, v5  }
0x133: {  	v5 =	vld [tilespmem:s8+$0x7280]  }
0x134: {  	v3 =	vadd.f32 v3, v2  }
.Ltmp8:
0x135: {  	v2 =	vld [tilespmem:s8+$0x7300];
	(pc) =	sbr.rel @p0 .LBB2_18-.Ltmp8, $4  }
0x136: {  	v4 =	vadd.f32 v4, v3  }
0x137: {  	s26 =	sadd.s32 $0x80, s26;
	v3 =	vld [tilespmem:s8+$0x7380]  }
0x138: {  	s29 =	sand.u32 $0x70, s28;
	s30 =	sand.u32 $0x1C00, s26;
	v5 =	vadd.f32 v5, v6;
	[tilespmem:s7+$0x7400] =	vst v4;
	s7 =	smov.u32 s8  }
0x139: {  	s28 =	sadd.s32 $0x10, s28;
	s8 =	sor.u32 s29, s30;
	v4 =	vld [tilespmem:s7+$0x7400]  }
0x13a: {  	v6 =	vld [tilespmem:s8+$0x7200];
	v2 =	vadd.f32 v2, v5  }
0x13b: {  	v62 =	vld [tilespmem:s8+$0x7280]  }
0x13c: {  	v2 =	vadd.f32 v3, v2  }
0x13d: {  	v3 =	vld [tilespmem:s8+$0x7300]  }
0x13e: {  	v2 =	vadd.f32 v4, v2  }
0x13f: {  	v63 =	vld [tilespmem:s8+$0x7380]  }
0x140: {  	v5 =	vadd.f32 v62, v6;
	[tilespmem:s7+$0x7400] =	vst v2  }
0x141: {  	v2 =	vld [tilespmem:s8+$0x7400]  }
0x142: {  	v3 =	vadd.f32 v3, v5;
	_ =	sdelay $0x1  }
0x143: {  	v3 =	vadd.f32 v63, v3;
	_ =	sdelay $0x1  }
0x144: {  	v2 =	vadd.f32 v2, v3;
	_ =	sdelay $0x1  }
0x145: {  	s26 =	simm.s32 $0x7400;
	[tilespmem:s8+$0x7400] =	vst v2  }
0x146: {  	[hbm4b:s12+s3] =	stream.linear.scatter [tilespmem:s26], [sflag:$0x3], $0x80, $0x38;
	[tilespmem:$0x1EE00] =	vst v63  }
0x147: {  	s29 =	sadd.s32 $0x80, s12;
	s30 =	simm.s32 $0x7800  }
0x148: {  	[hbm4b:s29+s3] =	stream.linear.scatter [tilespmem:s30], [sflag:$0x3], $0x80, $0x38;
	[tilespmem:$0x1EE00] =	vst v63  }
0x149: {  	s8 =	sadd.s32 $0x100, s12;
	s26 =	simm.s32 $0x7C00  }
0x14a: {  	[hbm4b:s8+s3] =	stream.linear.scatter [tilespmem:s26], [sflag:$0x3], $0x80, $0x38;
	[tilespmem:$0x1EE00] =	vst v63  }
0x14b: {  	s29 =	sadd.s32 $0x180, s12;
	s30 =	simm.s32 $0x8000  }
0x14c: {  	[hbm4b:s29+s3] =	stream.linear.scatter [tilespmem:s30], [sflag:$0x3], $0x80, $0x38;
	[tilespmem:$0x1EE00] =	vst v63  }
0x14d: {  	s26 =	sadd.s32 $0x200, s12;
	s29 =	simm.s32 $0x8400  }
0x14e: {  	[hbm4b:s26+s3] =	stream.linear.scatter [tilespmem:s29], [sflag:$0x3], $0x80, $0x38;
	[tilespmem:$0x1EE00] =	vst v63  }
0x14f: {  	_ =	swait.ge [sflag:s2], $0x280  }
0x150: {  	s24 =	sadd.s32 $0x1, s24;
	s30 =	rddreg [dreg:$0xa]  }
0x151: {  	p0 =	sne.s32 s24, s30  }
.Ltmp9:
0x152: {  	_ = 	snop;
	(pc) =	sbr.rel @p0 .LBB2_1-.Ltmp9, $3  }
0x153: {  	_ =	sdelay $0x1  }
0x154: {  	[sflag:s2] =	ssyncset.done $0x0  }
0x155: {  	s28 =	simm.s32 $0x400;
	s26 =	simm.s32 $0x80;
	[sflag:s2] =	ssyncadd.s32 $0xFFFFFD80  }
0x156: {  	_ =	sfence.sel $0x180000  }
0x157: {  	[bflag:$0x0] =	sbarrier.arrive $0xFFFF  }
0x158: {  	_ =	strace $0x90000047  }
0x159: {  	s0 =	stileid.u32;
	[bflag:$0x2] =	sbarrier.arrive $0xFFFF  }
0x15a: {  	p0 =	sne.s32 s0, $0x0;
	s0 =	rddreg [dreg:$0x4]  }
0x15b: {  	s0 =	sadd.s32 @!p0 $0x100000, s0  }
0x15c: {  	[sflag:s0] =	ssyncadd.tile.s32 @!p0 $0x1;
	_ =	shalt  }
.Lfunc_end2:
_tile_overlayer_lowered:
.L_overlay_start_2:
0x15d: {  	(tag) =	ssettag $0x2  }
0x15e: {  	s0 =	rddreg [dreg:$0x0];
	s2 =	stileid.u32  }
0x15f: {  	s1 =	rddreg [dreg:$0x1];
	p0 =	sne.s32 s2, $0x0  }
0x160: {  	s3 =	rddreg [dreg:$0x2];
	[bflag:$0x3] =	sbarrier.arrive $0xFFFF;
	s2 =	simm.s32 @!p0 $0x1C03  }
0x161: {  	[timem:s3], [sflag:s2] =	dma.local @!p0 [hbm:s0], s1  }
0x162: {  	s0 =	simm.s32 @!p0 $0x3  }
0x163: {  	_ =	swait.ge @!p0 [sflag:s0], s1  }
0x164: {  	s1 =	ssub.s32 @!p0 $0x0, s1;
	[sflag:s0] =	ssyncset.done @!p0 $0x0  }
0x165: {  	[sflag:s0] =	ssyncadd.s32 @!p0 s1  }
0x166: {  	[bflag:$0x3] =	sbarrier.arrive $0xFFFF  }
0x167: {  	_ =	shalt  }

// kernel: kernel.9.cloned.1.call-start
scs
__scs_entry_jumppad:
0x0: {  	(pc) =	sbr.rel $0x88, $3  }
0x1: {  	(tag) =	ssettag $0x0;
	lr =	simm.s32 $0x1  }
0x2: {  	[smem:$0x3F99] =	sst lr;
	_ =	strace $0xD0000000  }
0x3: {  	_ = 	snop  }
0x4: {  	_ = 	snop  }
0x5: {  	_ = 	snop  }
0x6: {  	_ = 	snop  }
0x7: {  	_ = 	snop  }
__scs_overlays_trampoline_lowered:
0x8: {  	[smem:$0x3FA8] =	sst s0  }
0x9: {  	[smem:$0x3FA9] =	sst s1  }
0xa: {  	[smem:$0x3FAA] =	sst s2  }
0xb: {  	[smem:$0x3FAB] =	sst s3  }
0xc: {  	[smem:$0x3FAC] =	sst s4  }
0xd: {  	[smem:$0x3FAD] =	sst s5  }
0xe: {  	[smem:$0x3FAE] =	sst s6  }
0xf: {  	[smem:$0x3FAF] =	sst s7  }
0x10: {  	[smem:$0x3FB0] =	sst s8  }
0x11: {  	[smem:$0x3FB1] =	sst s9;
	s0 =	simm.s32 @!p0 $0x0  }
0x12: {  	s1 =	sld [smem:$0x3F97];
	s0 =	simm.s32 @p0 $0x1  }
0x13: {  	[smem:$0x3FB2] =	sst s0;
	s0 =	simm.s32 @!p1 $0x0  }
0x14: {  	s2 =	sld [smem:$0x3F96];
	s0 =	simm.s32 @p1 $0x1  }
0x15: {  	[smem:$0x3FB3] =	sst s0;
	s0 =	simm.s32 @!p2 $0x0  }
0x16: {  	s3 =	sld [smem:$0x3FDB];
	s0 =	simm.s32 @p2 $0x1  }
0x17: {  	s4 =	simm.s32 $0x1BF5;
	[smem:$0x3FB5] =	sst s0  }
0x18: {  	s0 =	sld [smem:$0x3F98];
	_ =	swait.ge [sflag:s4], $0x0  }
0x19: {  	s7 =	sld [smem:$0x3F99]  }
0x1a: {  	s8 =	sadd.s32 $0xFFFFE003, lr  }
0x1b: {  	s9 =	sadd.s32 $0xFFFFFEF7, lr;
	s5 =	simm.s32 $0xFFFFFFFF;
	p2 =	slt.u32 s8, $0xFFFFF086  }
0x1c: {  	p1 =	slt.u32 s9, $0xF7A;
	s5 =	simm.s32 @!p2 $0x0  }
0x1d: {  	s5 =	simm.s32 @p1 $0x1;
	p0 =	seq.s32 s7, s2  }
0x1e: {  	s7 =	smul.u32 @!p0 $0xF7A, s2;
	p2 =	seq.s32 @!p0 s5, $0x0  }
0x1f: {  	s9 =	smul.u32 $0xF7A, s1;
	s8 =	simm.s32 @!p0 $0x1BF5;
	p2 =	por !p2, p0  }
0x20: {  	[sflag:s8] =	ssyncset.s32 @!p0 $0xFFFFF086;
	s6 =	sadd.s32 @!p0 s3, s7;
	s7 =	simm.s32 @!p0 $0x108  }
0x21: {  	s3 =	sadd.s32 s3, s9;
	s6 =	sadd.s32 @!p0 $0x88, s6;
	s7 =	simm.s32 @p2 $0x1082  }
0x22: {  	[simem:s7], [sflag:s8] =	dma.local @!p0 [hbm:s6], $0xF7A  }
0x23: {  	s9 =	sor.u32 $0xD0000000, s2;
	s6 =	simm.s32 $0x108;
	_ =	swait.ge @!p0 [sflag:s8], $0x0  }
0x24: {  	s3 =	sadd.s32 $0x88, s3;
	s6 =	simm.s32 @!p1 $0x1082;
	[sflag:s4] =	ssyncset.s32 $0xFFFFF086  }
0x25: {  	[simem:s6], [sflag:s4] =	dma.local [hbm:s3], $0xF7A  }
0x26: {  	[smem:$0x3F99] =	sst s1;
	(tag) =	ssettag s2;
	_ =	strace s9  }
0x27: {  	s1 =	sld [smem:$0x3FA9]  }
0x28: {  	s2 =	sld [smem:$0x3FAA]  }
0x29: {  	s4 =	sld [smem:$0x3FAC]  }
0x2a: {  	p0 =	seq.s32 s5, $0x0;
	s5 =	sld [smem:$0x3FAD]  }
0x2b: {  	s6 =	sld [smem:$0x3FAE]  }
0x2c: {  	s7 =	sld [smem:$0x3FAF]  }
0x2d: {  	s3 =	simm.s32 $0x108;
	s8 =	sld [smem:$0x3FB0]  }
0x2e: {  	s3 =	simm.s32 @!p0 $0x1082;
	s9 =	sld [smem:$0x3FB1]  }
0x2f: {  	lr =	sadd.s32 s0, s3;
	s0 =	sld [smem:$0x3FA8]  }
0x30: {  	s3 =	sld [smem:$0x3FAB]  }
0x31: {  	[smem:$0x3FB4] =	sst s10  }
0x32: {  	s10 =	sld [smem:$0x3FB2];
	_ =	sdelay $0x3  }
0x33: {  	p0 =	seq.s32 s10, $0x1;
	s10 =	sld [smem:$0x3FB4];
	_ =	sdelay $0x3  }
0x34: {  	[smem:$0x3FB4] =	sst s10  }
0x35: {  	s10 =	sld [smem:$0x3FB3];
	_ =	sdelay $0x3  }
0x36: {  	p1 =	seq.s32 s10, $0x1;
	s10 =	sld [smem:$0x3FB4];
	_ =	sdelay $0x3  }
0x37: {  	[smem:$0x3FB4] =	sst s10  }
0x38: {  	s10 =	sld [smem:$0x3FB5]  }
0x39: {  	_ = 	snop;
	(pc) =	sbr.ind lr, $3  }
0x3a: {  	_ = 	snop  }
0x3b: {  	_ = 	snop  }
0x3c: {  	p2 =	seq.s32 s10, $0x1;
	s10 =	sld [smem:$0x3FB4]  }
0x3d: {  	_ =	shalt  }
0x3e: {  	_ =	shalt  }
0x3f: {  	_ =	shalt  }
0x40: {  	_ =	shalt  }
0x41: {  	_ =	shalt  }
0x42: {  	_ =	shalt  }
0x43: {  	_ =	shalt  }
0x44: {  	_ =	shalt  }
0x45: {  	_ =	shalt  }
0x46: {  	_ =	shalt  }
0x47: {  	_ =	shalt  }
0x48: {  	_ =	shalt  }
0x49: {  	_ =	shalt  }
0x4a: {  	_ =	shalt  }
0x4b: {  	_ =	shalt  }
0x4c: {  	_ =	shalt  }
0x4d: {  	_ =	shalt  }
0x4e: {  	_ =	shalt  }
0x4f: {  	_ =	shalt  }
0x50: {  	_ =	shalt  }
0x51: {  	_ =	shalt  }
0x52: {  	_ =	shalt  }
0x53: {  	_ =	shalt  }
0x54: {  	_ =	shalt  }
0x55: {  	_ =	shalt  }
0x56: {  	_ =	shalt  }
0x57: {  	_ =	shalt  }
0x58: {  	_ =	shalt  }
0x59: {  	_ =	shalt  }
0x5a: {  	_ =	shalt  }
0x5b: {  	_ =	shalt  }
0x5c: {  	_ =	shalt  }
0x5d: {  	_ =	shalt  }
0x5e: {  	_ =	shalt  }
0x5f: {  	_ =	shalt  }
0x60: {  	_ =	shalt  }
0x61: {  	_ =	shalt  }
0x62: {  	_ =	shalt  }
0x63: {  	_ =	shalt  }
0x64: {  	_ =	shalt  }
0x65: {  	_ =	shalt  }
0x66: {  	_ =	shalt  }
0x67: {  	_ =	shalt  }
0x68: {  	_ =	shalt  }
0x69: {  	_ =	shalt  }
0x6a: {  	_ =	shalt  }
0x6b: {  	_ =	shalt  }
0x6c: {  	_ =	shalt  }
0x6d: {  	_ =	shalt  }
0x6e: {  	_ =	shalt  }
0x6f: {  	_ =	shalt  }
0x70: {  	_ =	shalt  }
0x71: {  	_ =	shalt  }
0x72: {  	_ =	shalt  }
0x73: {  	_ =	shalt  }
0x74: {  	_ =	shalt  }
0x75: {  	_ =	shalt  }
0x76: {  	_ =	shalt  }
0x77: {  	_ =	shalt  }
0x78: {  	_ =	shalt  }
0x79: {  	_ =	shalt  }
0x7a: {  	_ =	shalt  }
0x7b: {  	_ =	shalt  }
0x7c: {  	_ =	shalt  }
0x7d: {  	_ =	shalt  }
0x7e: {  	_ =	shalt  }
0x7f: {  	_ =	shalt  }
0x80: {  	_ =	shalt  }
0x81: {  	_ =	shalt  }
0x82: {  	_ =	shalt  }
0x83: {  	_ =	shalt  }
0x84: {  	_ =	shalt  }
0x85: {  	_ =	shalt  }
0x86: {  	_ =	shalt  }
0x87: {  	_ =	shalt  }
.Lfunc_end0:
.L_simem_size_0:
called_computation.1_lowered:
.L_overlay_start_0:
0x88: {  	s2 =	sld [smem:$0x3FD9]  }
0x89: {  	s3 =	sld [smem:$0x3FFE];
	_ =	sdelay $0x1  }
0x8a: {  	s1 =	srdreg.scid  }
0x8b: {  	s0 =	sand.u32 $0x1, s1  }
0x8c: {  	s17 =	sshll.u32 s0, $0xA;
	s2 =	sadd.s32 s3, s2  }
0x8d: {  	s2 =	sadd.s32 s2, s17  }
0x8e: {  	[smem:$0x3FC0] =	sst s2  }
0x8f: {  	_ = 	snop  }
0x90: {  	s2 =	sld [smem:$0x3FD0];
	(tm) =	ssettm $0x1  }
0x91: {  	s18 =	sld [smem:$0x3FFB];
	_ =	sdelay $0x3  }
0x92: {  	_ =	strace s18  }
0x93: {  	s3 =	sld [smem:$0x3FFC];
	_ =	sdelay $0x3  }
0x94: {  	_ =	strace s3  }
0x95: {  	s3 =	sld [smem:$0x3FFD];
	_ =	sdelay $0x3  }
0x96: {  	_ =	strace s3  }
0x97: {  	_ =	strace $0x8FFFFFFF  }
0x98: {  	s19 =	sld [smem:$0x3FDB];
	_ =	sdelay $0x1  }
0x99: {  	s4 =	simm.s32 $_scs_section_size  }
0x9a: {  	s5 =	simm.s32 $_size__tile_overlayer_lowered;
	s6 =	simm.s32 $_tile_overlayer_lowered  }
0x9b: {  	s22 =	simm.s32 $0x1BFF;
	s21 =	sshll.u32 s6, $0x1;
	s3 =	sadd.s32 s4, s19  }
0x9c: {  	s7 =	simm.s32 $0x0;
	s20 =	sshll.u32 s5, $0x1;
	s5 =	sadd.s32 s21, s3  }
0x9d: {  	[timem:s7], [sflag:s22] =	dma.local [hbm:s5], s20  }
0x9e: {  	_ =	swait.ge [sflag:s22], s20  }
0x9f: {  	s4 =	ssub.s32 $0x0, s20;
	[sflag:s22] =	ssyncset.done $0x0  }
0xa0: {  	[sflag:s22] =	ssyncadd.s32 s4;
	_ =	sdelay $0x1  }
0xa1: {  	s23 =	simm.s32 $0x1B8B  }
0xa2: {  	_ =	swait.ge [sflag:s23], $0x1  }
0xa3: {  	[sflag:s23] =	ssyncset.done $0x0  }
0xa4: {  	s25 =	simm.s32 $0x1B8E;
	s24 =	sld [smem:$0x3FFE];
	[sflag:s23] =	ssyncadd.s32 $0xFFFFFFFF  }
0xa5: {  	s26 =	simm.s32 $execute0_lowered;
	[smem:$0x3FD2] =	sst s25  }
0xa6: {  	s5 =	sshll.u32 s26, $0x1;
	_ =	strace $0x80000049;
	[dreg:$0x1] =	wrdreg $0xFFFFFFFF  }
0xa7: {  	s28 =	simm.s32 $_size_execute0_lowered;
	s3 =	sadd.s32 s3, s5;
	[dreg:$0x0] =	wrdreg $0x0  }
0xa8: {  	s5 =	sshll.u32 s28, $0x1;
	[dreg:$0x2] =	wrdreg s3  }
0xa9: {  	[dreg:$0x3] =	wrdreg s5  }
0xaa: {  	[dreg:$0x4] =	wrdreg $0xC0  }
0xab: {  	_ =	task [dreg:s7], $0x5FFFF  }
0xac: {  	[dreg:$0x1] =	wrdreg $0xFFFFFFFF  }
0xad: {  	[dreg:$0x0] =	wrdreg $0x60  }
0xae: {  	[dreg:$0x2] =	wrdreg s24  }
0xaf: {  	[dreg:$0x3] =	wrdreg s2  }
0xb0: {  	[dreg:$0x4] =	wrdreg $0xAA000  }
0xb1: {  	[dreg:$0x5] =	wrdreg $0x9  }
0xb2: {  	_ =	task.clear_ibuf [dreg:s7], $0x6FFFF;
	_ =	strace $0x90000049  }
0xb3: {  	s29 =	simm.s32 $0x9;
	_ =	strace $0x8000004B  }
0xb4: {  	_ =	swait.ge [sflag:s29], $0x1  }
0xb5: {  	[sflag:s29] =	ssyncadd.s32 $0xFFFFFFFF  }
0xb6: {  	_ =	strace $0x9000004B  }
0xb7: {  	_ =	sfence  }
0xb8: {  	s30 =	sld [smem:$0x0];
	_ =	sdelay $0x2  }
0xb9: {  	s31 =	sshll.u32 s1, $0xD;
	s1 =	sshrl.u32 s1, $0x2  }
0xba: {  	s3 =	sand.u32 $0x4000, s31;
	s1 =	sadd.s32 s1, s30  }
0xbb: {  	s0 =	sor.u32 s3, s0;
	s1 =	sshll.u32 s1, $0x11  }
0xbc: {  	s0 =	sor.u32 s1, s0  }
0xbd: {  	s0 =	sadd.s32 $0x8F2B, s0  }
0xbe: {  	[sflag:s0] =	ssyncadd.remote.s32 $0x1  }
0xbf: {  	_ =	sfence.sel $0xFFFF  }
0xc0: {  	[dreg:$0x0] =	wrdreg $0xFFFFFFFF;
	(pc) =	sbr.abs _section_cstart, $3  }
0xc1: {  	[dreg:$0x1] =	wrdreg $0xFFFFFFFF  }
0xc2: {  	_ =	task.clear_ibuf [dreg:s7], $0x2FFFF;
	_ =	strace $0x9FFFFFFF  }
0xc3: {  	(tm) =	ssettm $0x7FFFFFFF  }
tec
execute0_lowered:
.L_overlay_start_1:
0x0: {  	(tag) =	ssettag $0x1  }
0x1: {  	s5 =	rddreg [dreg:$0x0]  }
0x2: {  	s6 =	rddreg [dreg:$0x1]  }
0x3: {  	s1 =	rddreg [dreg:$0x2]  }
0x4: {  	s2 =	srdreg.scid;
	s0 =	rddreg [dreg:$0x3];
	s3 =	simm.s32 $0x0  }
0x5: {  	s12 =	simm.s32 $0x400;
	s13 =	simm.s32 $0xA800;
	s14 =	simm.s32 $0xA900  }
0x6: {  	s15 =	simm.s32 $0x6800;
	s16 =	simm.s32 $0x1;
	s17 =	simm.s32 $0xA880  }
0x7: {  	s18 =	simm.s32 $0x2;
	s19 =	simm.s32 $0xA980;
	s7 =	sand.u32 $0x1, s2  }
0x8: {  	s20 =	simm.s32 $0x0;
	s2 =	stileid.u32;
	s8 =	smul.u32 $0x140000, s7  }
0x9: {  	[smem:$0x7FF] =	sst s3;
	s4 =	sadd.s32 $0x2400, s5;
	s9 =	smul.u32 $0x14000, s2  }
0xa: {  	s10 =	sshll.u32 s7, $0x4;
	_ =	strace $0x8000004A;
	s26 =	smul.u32 $0x50000, s2  }
0xb: {  	s11 =	sshll.u32 s2, $0x7;
	s28 =	ssub.s32 $0x2, s7;
	s10 =	sor.u32 s2, s10  }
0xc: {  	s29 =	sand.u32 $0x380, s11;
	s30 =	sshrl.u32 s28, $0x1;
	s10 =	sshrl.u32 s10, $0x3  }
0xd: {  	s11 =	simm.s32 $0x80;
	s8 =	sadd.s32 s9, s8;
	s10 =	smul.u32 $0x14000, s10  }
0xe: {  	s9 =	sshrl.u32 s26, $0x2;
	s31 =	ssub.s32 s28, s30;
	s8 =	sshrl.u32 s8, $0x3  }
0xf: {  	s8 =	sadd.s32 s8, s5;
	s5 =	sadd.s32 s9, s1;
	s7 =	sor.u32 s29, s10  }
0x10: {  	s9 =	simm.s32 $0x2800;
	s8 =	sadd.s32 $0x2A400, s8;
	s7 =	sshrl.u32 s7, $0x3  }
0x11: {  	v0 =	vimm.f32 $0.0e+00;
	s10 =	simm.s32 $0x3;
	s6 =	sadd.s32 s6, s7;
	s7 =	smax.u32 s31, $0x1  }
.LBB2_1:
0x12: {  	s21 =	simm.s32 $0x0;
	s22 =	simm.s32 $0x200  }
.LBB2_2:
0x13: {  	p0 =	sne.s32 s22, $0x1E00;
	[tilespmem:s21+$0x2870] =	vst v0  }
0x14: {  	[tilespmem:s21+$0x2800] =	vst v0  }
0x15: {  	[tilespmem:s21+$0x2810] =	vst v0  }
.Ltmp0:
0x16: {  	[tilespmem:s21+$0x2820] =	vst v0;
	(pc) =	sbr.rel @p0 .LBB2_2-.Ltmp0, $4  }
0x17: {  	[tilespmem:s21+$0x2830] =	vst v0  }
0x18: {  	[tilespmem:s21+$0x2840] =	vst v0  }
0x19: {  	[tilespmem:s21+$0x2850] =	vst v0  }
0x1a: {  	[tilespmem:s21+$0x2860] =	vst v0;
	s21 =	sshra.s32 s22, $0x2;
	s22 =	sadd.s32 $0x200, s22  }
0x1b: {  	[tilespmem:s21+$0x2870] =	vst v0  }
0x1c: {  	[tilespmem:s21+$0x2800] =	vst v0  }
0x1d: {  	[tilespmem:s21+$0x2810] =	vst v0  }
0x1e: {  	[tilespmem:s21+$0x2820] =	vst v0  }
0x1f: {  	[tilespmem:s21+$0x2830] =	vst v0  }
0x20: {  	[tilespmem:s21+$0x2840] =	vst v0  }
0x21: {  	[tilespmem:s21+$0x2850] =	vst v0  }
0x22: {  	[tilespmem:s21+$0x2860] =	vst v0;
	s31 =	sadd.s32 $0x0, s5  }
0x23: {  	[spmem:s31] =	stream.linear.scatter [tilespmem:s9], [sflag:$0x3], $0x800, $0x38;
	[tilespmem:$0x1EA00] =	vst v63  }
0x24: {  	s21 =	simm.s32 $0x2000;
	_ =	swait.ge [sflag:s10], $0x800  }
.LBB2_4:
0x25: {  	s22 =	sshra.s32 s21, $0x2;
	[sflag:s10] =	ssyncset.done $0x0;
	p0 =	sne.s32 s21, $0x4E000  }
.Ltmp1:
0x26: {  	s22 =	sadd.s32 s22, s5;
	[sflag:s10] =	ssyncadd.s32 $0xFFFFF800;
	(pc) =	sbr.rel @p0 .LBB2_4-.Ltmp1, $3  }
0x27: {  	[spmem:s22] =	stream.linear.scatter [tilespmem:s9], [sflag:$0x3], $0x800, $0x38;
	[tilespmem:$0x1EA00] =	vst v63  }
0x28: {  	s21 =	sadd.s32 $0x2000, s21;
	_ =	sdelay $0x1  }
0x29: {  	_ =	swait.ge [sflag:s10], $0x800  }
0x2a: {  	[sflag:s10] =	ssyncset.done $0x0  }
0x2b: {  	s21 =	simm.s32 $0x0;
	[sflag:s10] =	ssyncadd.s32 $0xFFFFF800  }
0x2c: {  	[tilespmem:s21], [sflag:$0x3] =	stream.strided.gather [hbm4b:s6+s11], $0x2800, s12, s11, $0x38;
	[tilespmem:$0x1EA00] =	vst v63  }
0x2d: {  	_ =	swait.ge [sflag:s10], $0x2800  }
0x2e: {  	[sflag:s10] =	ssyncset.done $0x0  }
0x2f: {  	[sflag:s10] =	ssyncadd.s32 $0xFFFFD800  }
0x30: {  	[bflag:$0x0] =	sbarrier.arrive $0xFFFF  }
0x31: {  	v1 =	vld [tilespmem:$0x0];
	_ =	sdelay $0x1  }
0x32: {  	v2 =	vld [tilespmem:$0x10];
	_ =	sdelay $0x1  }
0x33: {  	v3 =	vld [tilespmem:$0x20]  }
0x34: {  	v61 =	vld [tilespmem:$0x30];
	v4 =	vand.u32 $0xFFFF, v1  }
0x35: {  	v1 =	vshrl.u32 v1, $0x10;
	[tilespmem:$0xA800] =	vst v4  }
0x36: {  	[tilespmem:$0xA880] =	vst v1;
	v1 =	vand.u32 $0xFFFF, v2  }
0x37: {  	v2 =	vshrl.u32 v2, $0x10;
	[tilespmem:$0xA810] =	vst v1;
	v1 =	vld [tilespmem:$0x40]  }
0x38: {  	[tilespmem:$0xA890] =	vst v2;
	v2 =	vand.u32 $0xFFFF, v3  }
0x39: {  	v4 =	vshrl.u32 v61, $0x10;
	[tilespmem:$0xA820] =	vst v2;
	v2 =	vld [tilespmem:$0x50]  }
0x3a: {  	v3 =	vshrl.u32 v3, $0x10;
	[tilespmem:$0xA8B0] =	vst v4  }
0x3b: {  	v63 =	vld [tilespmem:$0x70];
	[tilespmem:$0xA8A0] =	vst v3;
	v3 =	vand.u32 $0xFFFF, v61  }
0x3c: {  	[tilespmem:$0xA830] =	vst v3;
	v3 =	vld [tilespmem:$0x60];
	v62 =	vand.u32 $0xFFFF, v1  }
0x3d: {  	v1 =	vshrl.u32 v1, $0x10;
	[tilespmem:$0xA840] =	vst v62  }
0x3e: {  	[tilespmem:$0xA8C0] =	vst v1;
	v1 =	vand.u32 $0xFFFF, v2  }
0x3f: {  	[tilespmem:$0xA850] =	vst v1;
	v1 =	vshrl.u32 v2, $0x10  }
0x40: {  	v2 =	vshrl.u32 v63, $0x10;
	[tilespmem:$0xA8D0] =	vst v1  }
0x41: {  	v1 =	vand.u32 $0xFFFF, v3;
	[tilespmem:$0xA8F0] =	vst v2  }
0x42: {  	[tilespmem:$0xA860] =	vst v1;
	v1 =	vshrl.u32 v3, $0x10  }
0x43: {  	[tilespmem:$0xA8E0] =	vst v1;
	v1 =	vand.u32 $0xFFFF, v63  }
0x44: {  	s21 =	simm.s32 $0x0;
	[tilespmem:$0xA870] =	vst v1  }
0x45: {  	[tilespmem:s9], [sflag:$0x1] =	stream.indirect.gather [hbm4b:s4+s11], $0x80, s13, s11, $0xb8;
	[tilespmem:$0x1EA00] =	vst v63  }
0x46: {  	v1 =	vld [tilespmem:s21+$0x80];
	_ =	sdelay $0x4  }
0x47: {  	v2 =	vand.u32 $0xFFFF, v1  }
0x48: {  	v1 =	vshrl.u32 v1, $0x10;
	[tilespmem:$0xA900] =	vst v2  }
0x49: {  	[tilespmem:$0xA980] =	vst v1  }
0x4a: {  	v1 =	vld [tilespmem:s21+$0x90];
	_ =	sdelay $0x4  }
0x4b: {  	v2 =	vand.u32 $0xFFFF, v1  }
0x4c: {  	v1 =	vshrl.u32 v1, $0x10;
	[tilespmem:$0xA910] =	vst v2  }
0x4d: {  	[tilespmem:$0xA990] =	vst v1  }
0x4e: {  	v1 =	vld [tilespmem:s21+$0xA0];
	_ =	sdelay $0x4  }
0x4f: {  	v2 =	vand.u32 $0xFFFF, v1  }
0x50: {  	v1 =	vshrl.u32 v1, $0x10;
	[tilespmem:$0xA920] =	vst v2  }
0x51: {  	[tilespmem:$0xA9A0] =	vst v1  }
0x52: {  	v1 =	vld [tilespmem:s21+$0xB0];
	_ =	sdelay $0x4  }
0x53: {  	v2 =	vand.u32 $0xFFFF, v1  }
0x54: {  	v1 =	vshrl.u32 v1, $0x10;
	[tilespmem:$0xA930] =	vst v2  }
0x55: {  	[tilespmem:$0xA9B0] =	vst v1  }
0x56: {  	v1 =	vld [tilespmem:s21+$0xC0];
	_ =	sdelay $0x4  }
0x57: {  	v2 =	vand.u32 $0xFFFF, v1  }
0x58: {  	v1 =	vshrl.u32 v1, $0x10;
	[tilespmem:$0xA940] =	vst v2  }
0x59: {  	[tilespmem:$0xA9C0] =	vst v1  }
0x5a: {  	v1 =	vld [tilespmem:s21+$0xD0];
	_ =	sdelay $0x4  }
0x5b: {  	v2 =	vand.u32 $0xFFFF, v1  }
0x5c: {  	v1 =	vshrl.u32 v1, $0x10;
	[tilespmem:$0xA950] =	vst v2  }
0x5d: {  	[tilespmem:$0xA9D0] =	vst v1  }
0x5e: {  	v1 =	vld [tilespmem:s21+$0xE0];
	_ =	sdelay $0x4  }
0x5f: {  	v2 =	vand.u32 $0xFFFF, v1  }
0x60: {  	v1 =	vshrl.u32 v1, $0x10;
	[tilespmem:$0xA960] =	vst v2  }
0x61: {  	[tilespmem:$0xA9E0] =	vst v1  }
0x62: {  	v1 =	vld [tilespmem:s21+$0xF0];
	_ =	sdelay $0x4  }
0x63: {  	v2 =	vand.u32 $0xFFFF, v1  }
0x64: {  	v1 =	vshrl.u32 v1, $0x10;
	[tilespmem:$0xA970] =	vst v2  }
0x65: {  	[tilespmem:$0xA9F0] =	vst v1  }
0x66: {  	[tilespmem:s15], [sflag:$0x2] =	stream.indirect.gather [hbm4b:s4+s11], $0x80, s14, s11, $0xb8;
	[tilespmem:$0x1EA00] =	vst v63  }
0x67: {  	_ =	swait.ge [sflag:s16], $0x4000  }
0x68: {  	[sflag:s16] =	ssyncset.done $0x0  }
0x69: {  	[sflag:s16] =	ssyncadd.s32 $0xFFFFC000  }
0x6a: {  	[spmem:s1] =	stream.indirect.scatter.add.f32 [tilespmem:s9], [sflag:$0x3], $0x80, s17, s11, $0xb8;
	[tilespmem:$0x1EA00] =	vst v63  }
0x6b: {  	_ =	swait.ge [sflag:s10], $0x4000  }
0x6c: {  	[sflag:s10] =	ssyncset.done $0x0  }
0x6d: {  	[sflag:s10] =	ssyncadd.s32 $0xFFFFC000  }
0x6e: {  	v1 =	vld [tilespmem:s21+$0x100];
	_ =	sdelay $0x4  }
0x6f: {  	v2 =	vand.u32 $0xFFFF, v1  }
0x70: {  	v1 =	vshrl.u32 v1, $0x10;
	[tilespmem:$0xA800] =	vst v2  }
0x71: {  	[tilespmem:$0xA880] =	vst v1  }
0x72: {  	v1 =	vld [tilespmem:s21+$0x110];
	_ =	sdelay $0x4  }
0x73: {  	v2 =	vand.u32 $0xFFFF, v1  }
0x74: {  	v1 =	vshrl.u32 v1, $0x10;
	[tilespmem:$0xA810] =	vst v2  }
0x75: {  	[tilespmem:$0xA890] =	vst v1  }
0x76: {  	v1 =	vld [tilespmem:s21+$0x120];
	_ =	sdelay $0x4  }
0x77: {  	v2 =	vand.u32 $0xFFFF, v1  }
0x78: {  	v1 =	vshrl.u32 v1, $0x10;
	[tilespmem:$0xA820] =	vst v2  }
0x79: {  	[tilespmem:$0xA8A0] =	vst v1  }
0x7a: {  	v1 =	vld [tilespmem:s21+$0x130];
	_ =	sdelay $0x4  }
0x7b: {  	v2 =	vand.u32 $0xFFFF, v1  }
0x7c: {  	v1 =	vshrl.u32 v1, $0x10;
	[tilespmem:$0xA830] =	vst v2  }
0x7d: {  	[tilespmem:$0xA8B0] =	vst v1  }
0x7e: {  	v1 =	vld [tilespmem:s21+$0x140];
	_ =	sdelay $0x4  }
0x7f: {  	v2 =	vand.u32 $0xFFFF, v1  }
0x80: {  	v1 =	vshrl.u32 v1, $0x10;
	[tilespmem:$0xA840] =	vst v2  }
0x81: {  	[tilespmem:$0xA8C0] =	vst v1  }
0x82: {  	v1 =	vld [tilespmem:s21+$0x150];
	_ =	sdelay $0x4  }
0x83: {  	v2 =	vand.u32 $0xFFFF, v1  }
0x84: {  	v1 =	vshrl.u32 v1, $0x10;
	[tilespmem:$0xA850] =	vst v2  }
0x85: {  	[tilespmem:$0xA8D0] =	vst v1  }
0x86: {  	v1 =	vld [tilespmem:s21+$0x160];
	_ =	sdelay $0x4  }
0x87: {  	v2 =	vand.u32 $0xFFFF, v1  }
0x88: {  	s22 =	simm.s32 $0x400;
	v1 =	vshrl.u32 v1, $0x10;
	[tilespmem:$0xA860] =	vst v2  }
.LBB2_6:
0x89: {  	p0 =	sne.s32 s22, $0x9800;
	[tilespmem:$0xA8E0] =	vst v1;
	s23 =	smov.u32 s22;
	s22 =	sadd.s32 $0x400, s22  }
0x8a: {  	v1 =	vld [tilespmem:s21+$0x170];
	_ =	sdelay $0x4  }
0x8b: {  	v2 =	vshrl.u32 v1, $0x10;
	v1 =	vand.u32 $0xFFFF, v1  }
0x8c: {  	[tilespmem:$0xA870] =	vst v1  }
0x8d: {  	[tilespmem:$0xA8F0] =	vst v2  }
0x8e: {  	[tilespmem:s9], [sflag:$0x1] =	stream.indirect.gather [hbm4b:s4+s11], $0x80, s13, s11, $0xb8;
	[tilespmem:$0x1EA00] =	vst v63  }
0x8f: {  	_ =	swait.ge [sflag:s18], $0x4000  }
0x90: {  	[sflag:s18] =	ssyncset.done $0x0  }
0x91: {  	[sflag:s18] =	ssyncadd.s32 $0xFFFFC000  }
0x92: {  	[spmem:s1] =	stream.indirect.scatter.add.f32 [tilespmem:s15], [sflag:$0x3], $0x80, s19, s11, $0xb8;
	[tilespmem:$0x1EA00] =	vst v63  }
0x93: {  	_ =	swait.ge [sflag:s10], $0x4000  }
0x94: {  	[sflag:s10] =	ssyncset.done $0x0  }
0x95: {  	s21 =	sshra.s32 s23, $0x2;
	[sflag:s10] =	ssyncadd.s32 $0xFFFFC000  }
0x96: {  	v1 =	vld [tilespmem:s21+$0x80];
	_ =	sdelay $0x4  }
0x97: {  	v2 =	vshrl.u32 v1, $0x10;
	v1 =	vand.u32 $0xFFFF, v1  }
0x98: {  	[tilespmem:$0xA900] =	vst v1  }
0x99: {  	[tilespmem:$0xA980] =	vst v2  }
0x9a: {  	v1 =	vld [tilespmem:s21+$0x90];
	_ =	sdelay $0x4  }
0x9b: {  	v2 =	vshrl.u32 v1, $0x10;
	v1 =	vand.u32 $0xFFFF, v1  }
0x9c: {  	[tilespmem:$0xA910] =	vst v1  }
0x9d: {  	[tilespmem:$0xA990] =	vst v2  }
0x9e: {  	v1 =	vld [tilespmem:s21+$0xA0];
	_ =	sdelay $0x4  }
0x9f: {  	v2 =	vshrl.u32 v1, $0x10;
	v1 =	vand.u32 $0xFFFF, v1  }
0xa0: {  	[tilespmem:$0xA920] =	vst v1  }
0xa1: {  	[tilespmem:$0xA9A0] =	vst v2  }
0xa2: {  	v1 =	vld [tilespmem:s21+$0xB0];
	_ =	sdelay $0x4  }
0xa3: {  	v2 =	vshrl.u32 v1, $0x10;
	v1 =	vand.u32 $0xFFFF, v1  }
0xa4: {  	[tilespmem:$0xA930] =	vst v1  }
0xa5: {  	[tilespmem:$0xA9B0] =	vst v2  }
0xa6: {  	v1 =	vld [tilespmem:s21+$0xC0];
	_ =	sdelay $0x4  }
0xa7: {  	v2 =	vshrl.u32 v1, $0x10;
	v1 =	vand.u32 $0xFFFF, v1  }
0xa8: {  	[tilespmem:$0xA940] =	vst v1  }
0xa9: {  	[tilespmem:$0xA9C0] =	vst v2  }
0xaa: {  	v1 =	vld [tilespmem:s21+$0xD0];
	_ =	sdelay $0x4  }
0xab: {  	v2 =	vshrl.u32 v1, $0x10;
	v1 =	vand.u32 $0xFFFF, v1  }
0xac: {  	[tilespmem:$0xA950] =	vst v1  }
0xad: {  	[tilespmem:$0xA9D0] =	vst v2  }
0xae: {  	v1 =	vld [tilespmem:s21+$0xE0];
	_ =	sdelay $0x4  }
0xaf: {  	v2 =	vshrl.u32 v1, $0x10;
	v1 =	vand.u32 $0xFFFF, v1  }
0xb0: {  	[tilespmem:$0xA960] =	vst v1  }
0xb1: {  	[tilespmem:$0xA9E0] =	vst v2  }
0xb2: {  	v1 =	vld [tilespmem:s21+$0xF0];
	_ =	sdelay $0x4  }
0xb3: {  	v2 =	vshrl.u32 v1, $0x10;
	v1 =	vand.u32 $0xFFFF, v1  }
0xb4: {  	[tilespmem:$0xA970] =	vst v1  }
0xb5: {  	[tilespmem:$0xA9F0] =	vst v2  }
0xb6: {  	[tilespmem:s15], [sflag:$0x2] =	stream.indirect.gather [hbm4b:s4+s11], $0x80, s14, s11, $0xb8;
	[tilespmem:$0x1EA00] =	vst v63  }
0xb7: {  	_ =	swait.ge [sflag:s16], $0x4000  }
0xb8: {  	[sflag:s16] =	ssyncset.done $0x0  }
0xb9: {  	[sflag:s16] =	ssyncadd.s32 $0xFFFFC000  }
0xba: {  	[spmem:s1] =	stream.indirect.scatter.add.f32 [tilespmem:s9], [sflag:$0x3], $0x80, s17, s11, $0xb8;
	[tilespmem:$0x1EA00] =	vst v63  }
0xbb: {  	_ =	swait.ge [sflag:s10], $0x4000  }
0xbc: {  	[sflag:s10] =	ssyncset.done $0x0  }
0xbd: {  	[sflag:s10] =	ssyncadd.s32 $0xFFFFC000  }
0xbe: {  	v1 =	vld [tilespmem:s21+$0x100];
	_ =	sdelay $0x4  }
0xbf: {  	v2 =	vshrl.u32 v1, $0x10;
	v1 =	vand.u32 $0xFFFF, v1  }
0xc0: {  	[tilespmem:$0xA800] =	vst v1  }
0xc1: {  	[tilespmem:$0xA880] =	vst v2  }
0xc2: {  	v1 =	vld [tilespmem:s21+$0x110];
	_ =	sdelay $0x4  }
0xc3: {  	v2 =	vshrl.u32 v1, $0x10;
	v1 =	vand.u32 $0xFFFF, v1  }
0xc4: {  	[tilespmem:$0xA810] =	vst v1  }
0xc5: {  	[tilespmem:$0xA890] =	vst v2  }
0xc6: {  	v1 =	vld [tilespmem:s21+$0x120];
	_ =	sdelay $0x4  }
0xc7: {  	v2 =	vshrl.u32 v1, $0x10;
	v1 =	vand.u32 $0xFFFF, v1  }
0xc8: {  	[tilespmem:$0xA820] =	vst v1  }
0xc9: {  	[tilespmem:$0xA8A0] =	vst v2  }
0xca: {  	v1 =	vld [tilespmem:s21+$0x130];
	_ =	sdelay $0x4  }
0xcb: {  	v2 =	vshrl.u32 v1, $0x10;
	v1 =	vand.u32 $0xFFFF, v1  }
0xcc: {  	[tilespmem:$0xA830] =	vst v1  }
0xcd: {  	[tilespmem:$0xA8B0] =	vst v2  }
0xce: {  	v1 =	vld [tilespmem:s21+$0x140];
	_ =	sdelay $0x4  }
0xcf: {  	v2 =	vshrl.u32 v1, $0x10;
	v1 =	vand.u32 $0xFFFF, v1  }
0xd0: {  	[tilespmem:$0xA840] =	vst v1  }
0xd1: {  	[tilespmem:$0xA8C0] =	vst v2  }
0xd2: {  	v1 =	vld [tilespmem:s21+$0x150];
	_ =	sdelay $0x4  }
0xd3: {  	v2 =	vshrl.u32 v1, $0x10;
	v1 =	vand.u32 $0xFFFF, v1  }
0xd4: {  	[tilespmem:$0xA850] =	vst v1  }
0xd5: {  	[tilespmem:$0xA8D0] =	vst v2  }
0xd6: {  	v2 =	vld [tilespmem:s21+$0x160];
	_ =	sdelay $0x1  }
.Ltmp2:
0xd7: {  	(pc) =	sbr.rel @p0 .LBB2_6-.Ltmp2, $3  }
0xd8: {  	_ =	sdelay $0x1  }
0xd9: {  	v1 =	vshrl.u32 v2, $0x10;
	v2 =	vand.u32 $0xFFFF, v2  }
0xda: {  	[tilespmem:$0xA860] =	vst v2  }
0xdb: {  	[tilespmem:$0xA8E0] =	vst v1  }
0xdc: {  	v1 =	vld [tilespmem:s21+$0x170];
	_ =	sdelay $0x4  }
0xdd: {  	v2 =	vand.u32 $0xFFFF, v1  }
0xde: {  	v1 =	vshrl.u32 v1, $0x10;
	[tilespmem:$0xA870] =	vst v2  }
0xdf: {  	[tilespmem:$0xA8F0] =	vst v1  }
0xe0: {  	[tilespmem:s9], [sflag:$0x1] =	stream.indirect.gather [hbm4b:s4+s11], $0x80, s13, s11, $0xb8;
	[tilespmem:$0x1EA00] =	vst v63  }
0xe1: {  	_ =	swait.ge [sflag:s18], $0x4000  }
0xe2: {  	[sflag:s18] =	ssyncset.done $0x0  }
0xe3: {  	[sflag:s18] =	ssyncadd.s32 $0xFFFFC000  }
0xe4: {  	[spmem:s1] =	stream.indirect.scatter.add.f32 [tilespmem:s15], [sflag:$0x3], $0x80, s19, s11, $0xb8;
	[tilespmem:$0x1EA00] =	vst v63  }
0xe5: {  	_ =	swait.ge [sflag:s10], $0x4000  }
0xe6: {  	[sflag:s10] =	ssyncset.done $0x0  }
0xe7: {  	[sflag:s10] =	ssyncadd.s32 $0xFFFFC000  }
0xe8: {  	v1 =	vld [tilespmem:$0x2780];
	_ =	sdelay $0x1  }
0xe9: {  	v2 =	vld [tilespmem:$0x2790];
	_ =	sdelay $0x1  }
0xea: {  	v3 =	vld [tilespmem:$0x27A0]  }
0xeb: {  	v61 =	vld [tilespmem:$0x27B0];
	v4 =	vand.u32 $0xFFFF, v1  }
0xec: {  	v1 =	vshrl.u32 v1, $0x10;
	[tilespmem:$0xA900] =	vst v4  }
0xed: {  	[tilespmem:$0xA980] =	vst v1;
	v1 =	vand.u32 $0xFFFF, v2  }
0xee: {  	v2 =	vshrl.u32 v2, $0x10;
	[tilespmem:$0xA910] =	vst v1;
	v1 =	vld [tilespmem:$0x27C0]  }
0xef: {  	[tilespmem:$0xA990] =	vst v2;
	v2 =	vand.u32 $0xFFFF, v3  }
0xf0: {  	v4 =	vshrl.u32 v61, $0x10;
	[tilespmem:$0xA920] =	vst v2;
	v2 =	vld [tilespmem:$0x27D0]  }
0xf1: {  	v3 =	vshrl.u32 v3, $0x10;
	[tilespmem:$0xA9B0] =	vst v4  }
0xf2: {  	v63 =	vld [tilespmem:$0x27F0];
	[tilespmem:$0xA9A0] =	vst v3;
	v3 =	vand.u32 $0xFFFF, v61  }
0xf3: {  	[tilespmem:$0xA930] =	vst v3;
	v3 =	vld [tilespmem:$0x27E0];
	v62 =	vand.u32 $0xFFFF, v1  }
0xf4: {  	v1 =	vshrl.u32 v1, $0x10;
	[tilespmem:$0xA940] =	vst v62  }
0xf5: {  	[tilespmem:$0xA9C0] =	vst v1;
	v1 =	vand.u32 $0xFFFF, v2  }
0xf6: {  	[tilespmem:$0xA950] =	vst v1;
	v1 =	vshrl.u32 v2, $0x10  }
0xf7: {  	v2 =	vshrl.u32 v63, $0x10;
	[tilespmem:$0xA9D0] =	vst v1  }
0xf8: {  	v1 =	vand.u32 $0xFFFF, v3;
	[tilespmem:$0xA9F0] =	vst v2  }
0xf9: {  	[tilespmem:$0xA960] =	vst v1;
	v1 =	vshrl.u32 v3, $0x10  }
0xfa: {  	[tilespmem:$0xA9E0] =	vst v1;
	v1 =	vand.u32 $0xFFFF, v63  }
0xfb: {  	[tilespmem:$0xA970] =	vst v1  }
0xfc: {  	[tilespmem:s15], [sflag:$0x2] =	stream.indirect.gather [hbm4b:s4+s11], $0x80, s14, s11, $0xb8;
	[tilespmem:$0x1EA00] =	vst v63  }
0xfd: {  	_ =	swait.ge [sflag:s16], $0x4000  }
0xfe: {  	[sflag:s16] =	ssyncset.done $0x0  }
0xff: {  	[sflag:s16] =	ssyncadd.s32 $0xFFFFC000  }
0x100: {  	[spmem:s1] =	stream.indirect.scatter.add.f32 [tilespmem:s9], [sflag:$0x3], $0x80, s17, s11, $0xb8;
	[tilespmem:$0x1EA00] =	vst v63  }
0x101: {  	_ =	swait.ge [sflag:s10], $0x4000  }
0x102: {  	[sflag:s10] =	ssyncset.done $0x0  }
0x103: {  	[sflag:s10] =	ssyncadd.s32 $0xFFFFC000  }
0x104: {  	_ =	swait.ge [sflag:s18], $0x4000  }
0x105: {  	[sflag:s18] =	ssyncset.done $0x0  }
0x106: {  	[sflag:s18] =	ssyncadd.s32 $0xFFFFC000  }
0x107: {  	[spmem:s1] =	stream.indirect.scatter.add.f32 [tilespmem:s15], [sflag:$0x3], $0x80, s19, s11, $0xb8;
	[tilespmem:$0x1EA00] =	vst v63  }
0x108: {  	_ =	swait.ge [sflag:s10], $0x4000  }
0x109: {  	[sflag:s10] =	ssyncset.done $0x0  }
0x10a: {  	[sflag:s10] =	ssyncadd.s32 $0xFFFFC000  }
0x10b: {  	[bflag:$0x0] =	sbarrier.arrive $0xFFFF  }
0x10c: {  	[tilespmem:s9], [sflag:$0x3] =	stream.linear.gather [spmem:s5], $0x800, $0x38;
	[tilespmem:$0x1EA00] =	vst v63  }
0x10d: {  	_ =	swait.ge [sflag:s10], $0x800  }
0x10e: {  	[sflag:s10] =	ssyncset.done $0x0  }
0x10f: {  	s31 =	sadd.s32 $0x0, s8;
	[sflag:s10] =	ssyncadd.s32 $0xFFFFF800  }
0x110: {  	[hbm4b:s31+s3] =	stream.linear.scatter [tilespmem:s9], [sflag:$0x3], $0x800, $0x38;
	[tilespmem:$0x1EA00] =	vst v63  }
0x111: {  	_ =	swait.ge [sflag:s10], $0x800  }
0x112: {  	s22 =	smov.u32 s5;
	s21 =	simm.s32 $0x100;
	[sflag:s10] =	ssyncset.done $0x0  }
.LBB2_8:
0x113: {  	p0 =	sne.s32 s21, $0x2700;
	[sflag:s10] =	ssyncadd.s32 $0xFFFFF800;
	s22 =	sadd.s32 $0x800, s22  }
0x114: {  	[tilespmem:s9], [sflag:$0x3] =	stream.linear.gather [spmem:s22], $0x800, $0x38;
	[tilespmem:$0x1EA00] =	vst v63  }
0x115: {  	s23 =	smov.u32 s21;
	s21 =	sadd.s32 $0x100, s21;
	_ =	swait.ge [sflag:s10], $0x800  }
.Ltmp3:
0x116: {  	[sflag:s10] =	ssyncset.done $0x0;
	(pc) =	sbr.rel @p0 .LBB2_8-.Ltmp3, $4  }
0x117: {  	s23 =	sadd.s32 s23, s8;
	[sflag:s10] =	ssyncadd.s32 $0xFFFFF800  }
0x118: {  	[hbm4b:s23+s3] =	stream.linear.scatter [tilespmem:s9], [sflag:$0x3], $0x800, $0x38;
	[tilespmem:$0x1EA00] =	vst v63  }
0x119: {  	_ =	swait.ge [sflag:s10], $0x800  }
0x11a: {  	[sflag:s10] =	ssyncset.done $0x0  }
0x11b: {  	s20 =	sadd.s32 $0x1, s20  }
0x11c: {  	p0 =	sne.s32 s20, s7  }
.Ltmp4:
0x11d: {  	_ = 	snop;
	(pc) =	sbr.rel @p0 .LBB2_1-.Ltmp4, $2  }
0x11e: {  	_ =	sdelay $0x2  }
0x11f: {  	[sflag:s10] =	ssyncadd.s32 $0xFFFFF800  }
0x120: {  	_ =	sfence.sel $0x180000  }
0x121: {  	[bflag:$0x0] =	sbarrier.arrive $0xFFFF  }
0x122: {  	p0 =	sne.s32 s2, $0x0;
	_ =	strace $0x9000004A  }
0x123: {  	s0 =	sadd.s32 @!p0 $0x100000, s0;
	[bflag:$0x2] =	sbarrier.arrive $0xFFFF  }
0x124: {  	[sflag:s0] =	ssyncadd.tile.s32 @!p0 $0x1;
	_ =	shalt  }
.Lfunc_end2:
_tile_overlayer_lowered:
.L_overlay_start_2:
0x125: {  	(tag) =	ssettag $0x2  }
0x126: {  	s0 =	rddreg [dreg:$0x0];
	s2 =	stileid.u32  }
0x127: {  	s1 =	rddreg [dreg:$0x1];
	p0 =	sne.s32 s2, $0x0  }
0x128: {  	s3 =	rddreg [dreg:$0x2];
	[bflag:$0x3] =	sbarrier.arrive $0xFFFF;
	s2 =	simm.s32 @!p0 $0x1C03  }
0x129: {  	[timem:s3], [sflag:s2] =	dma.local @!p0 [hbm:s0], s1  }
0x12a: {  	s0 =	simm.s32 @!p0 $0x3  }
0x12b: {  	_ =	swait.ge @!p0 [sflag:s0], s1  }
0x12c: {  	s1 =	ssub.s32 @!p0 $0x0, s1;
	[sflag:s0] =	ssyncset.done @!p0 $0x0  }
0x12d: {  	[sflag:s0] =	ssyncadd.s32 @!p0 s1  }
0x12e: {  	[bflag:$0x3] =	sbarrier.arrive $0xFFFF  }
0x12f: {  	_ =	shalt  }

</sc_bundles>
